<compile_context>
chip_gen: v7x
topology: tpu7x:2x2x1
jax: 0.10.2.dev20260603
libtpu: 0.0.44.dev20260713+nightly
codegen_flags: <defaults>
</compile_context>

<pallas_src>
import functools

import jax
import jax.numpy as jnp
from jax import lax
from jax.experimental import pallas as pl
from jax.experimental.pallas import tpu as pltpu
from jax.experimental.pallas import tpu_sc as plsc

N = 10000
F = 128
E = 320000

NTILES = 32
CHUNK = 128
NP = 10112
ROWS_PER_TILE = NP // 16
BLK = 8
NBLK_PAIR = 20
TOTAL_CHUNKS = 16 * NBLK_PAIR * BLK
EP = TOTAL_CHUNKS * CHUNK

NBLK0 = 18
NBLK1 = 2

_mesh = plsc.VectorSubcoreMesh(core_axis_name="c", subcore_axis_name="s")


def _tile_plan(c, s):
    nblk = jnp.where(c == 0, NBLK0, NBLK1)
    base = jnp.where(c == 0, s * NBLK0, 16 * NBLK0 + s * NBLK1) * BLK
    return base, nblk


DEG0 = NBLK_PAIR // 2
DEG1 = NBLK_PAIR - DEG0


def _deg_plan(c, s):
    nblk = jnp.where(c == 0, DEG0, DEG1)
    base = jnp.where(c == 0, s * DEG0, 16 * DEG0 + s * DEG1) * BLK
    return base, nblk



def _deg_body(dst_hbm, ones_hbm, zero_hbm, out_hbm, dblk, ones_v, hist,
              sem0, sem1):
    c = lax.axis_index("c")
    s = lax.axis_index("s")
    base, nblk = _deg_plan(c, s)
    r0 = s * ROWS_PER_TILE
    pltpu.sync_copy(ones_hbm, ones_v)
    pltpu.sync_copy(zero_hbm.at[pl.ds(r0, ROWS_PER_TILE)],
                    hist.at[pl.ds(r0, ROWS_PER_TILE)])
    plsc.subcore_barrier()

    @pl.loop(0, nblk)
    def _(b):
        pltpu.sync_copy(dst_hbm.at[pl.ds(base + b * BLK, BLK)], dblk)
        for j in range(BLK):
            sem = sem0 if j % 2 == 0 else sem1
            if j >= 2:
                pltpu.make_async_copy(ones_v, hist.at[dblk.at[j - 2]],
                                      sem).wait()
            pltpu.async_copy(ones_v, hist.at[dblk.at[j]], sem, add=True)
        pltpu.make_async_copy(ones_v, hist.at[dblk.at[BLK - 2]], sem0).wait()
        pltpu.make_async_copy(ones_v, hist.at[dblk.at[BLK - 1]], sem1).wait()

    plsc.subcore_barrier()
    pltpu.sync_copy(hist.at[pl.ds(r0, ROWS_PER_TILE)],
                    out_hbm.at[c, pl.ds(r0, ROWS_PER_TILE)])


_deg_call = pl.kernel(
    _deg_body,
    out_type=jax.ShapeDtypeStruct((2, NP, F), jnp.float32),
    mesh=_mesh,
    scratch_types=[
        pltpu.VMEM((BLK, CHUNK), jnp.int32),
        pltpu.VMEM((CHUNK, F), jnp.float32),
        pltpu.VMEM_SHARED((NP, F), jnp.float32),
        pltpu.SemaphoreType.DMA,
        pltpu.SemaphoreType.DMA,
    ],
)


def _conv_body(g_hbm, src_hbm, dst_hbm, zero_hbm, out_hbm,
               sblk, dblk, rows0, rows1, acc, gsem0, gsem1):
    c = lax.axis_index("c")
    s = lax.axis_index("s")
    base, nblk = _tile_plan(c, s)
    r0 = s * ROWS_PER_TILE
    pltpu.sync_copy(zero_hbm.at[pl.ds(r0, ROWS_PER_TILE)],
                    acc.at[pl.ds(r0, ROWS_PER_TILE)])
    plsc.subcore_barrier()

    @pl.loop(0, nblk)
    def _(b):
        pltpu.sync_copy(src_hbm.at[pl.ds(base + b * BLK, BLK)], sblk)
        pltpu.sync_copy(dst_hbm.at[pl.ds(base + b * BLK, BLK)], dblk)
        pltpu.async_copy(g_hbm.at[sblk.at[0]], rows0, gsem0)
        for j in range(BLK):
            rows, gsem = (rows0, gsem0) if j % 2 == 0 else (rows1, gsem1)
            if j + 1 < BLK:
                nrows, ngsem = (rows0, gsem0) if j % 2 == 1 else (rows1, gsem1)
                pltpu.async_copy(g_hbm.at[sblk.at[j + 1]], nrows, ngsem)
            pltpu.make_async_copy(g_hbm.at[sblk.at[j]], rows, gsem).wait()
            pltpu.sync_copy(rows, acc.at[dblk.at[j]], add=True)

    plsc.subcore_barrier()
    pltpu.sync_copy(acc.at[pl.ds(r0, ROWS_PER_TILE)],
                    out_hbm.at[c, pl.ds(r0, ROWS_PER_TILE)])


_conv_call = pl.kernel(
    _conv_body,
    out_type=jax.ShapeDtypeStruct((2, NP, F), jnp.float32),
    mesh=_mesh,
    scratch_types=[
        pltpu.VMEM((BLK, CHUNK), jnp.int32),
        pltpu.VMEM((BLK, CHUNK), jnp.int32),
        pltpu.VMEM((CHUNK, F), jnp.float32),
        pltpu.VMEM((CHUNK, F), jnp.float32),
        pltpu.VMEM_SHARED((NP, F), jnp.float32),
        pltpu.SemaphoreType.DMA,
        pltpu.SemaphoreType.DMA,
    ],
)



def _dis_from(degp_ref):
    deg = degp_ref[0] + degp_ref[1] + 1.0
    return lax.rsqrt(jnp.maximum(deg, 1e-12))


def _tc_front(degp_ref, x_ref, win_ref, bin_ref, w0_ref, o_ref):
    dis = _dis_from(degp_ref)
    h = (jnp.dot(x_ref[...], win_ref[...],
                 preferred_element_type=jnp.float32) + bin_ref[...])
    hw = jnp.dot(h, w0_ref[...], preferred_element_type=jnp.float32)
    o_ref[...] = hw * dis


def _tc_mid(degp_ref, p_ref, g_ref, w_ref, bprev_ref, o_ref):
    dis = _dis_from(degp_ref)
    acc = p_ref[0] + p_ref[1] + g_ref[...]
    h = jnp.maximum(acc * dis + bprev_ref[...], 0.0)
    hw = jnp.dot(h, w_ref[...], preferred_element_type=jnp.float32)
    o_ref[...] = hw * dis


def _tc_out(degp_ref, p_ref, g_ref, w_ref, bprev_ref, b_ref, o_ref):
    dis = _dis_from(degp_ref)
    acc = p_ref[0] + p_ref[1] + g_ref[...]
    h = jnp.maximum(acc * dis + bprev_ref[...], 0.0)
    out = jnp.dot(h, w_ref[...], preferred_element_type=jnp.float32) + b_ref[...]
    o_ref[...] = out[:N]


_f32 = jnp.float32
_tc_front_call = pl.pallas_call(
    _tc_front, out_shape=jax.ShapeDtypeStruct((NP, F), _f32))
_tc_mid_call = pl.pallas_call(
    _tc_mid, out_shape=jax.ShapeDtypeStruct((NP, F), _f32))
_tc_out_call = pl.pallas_call(
    _tc_out, out_shape=jax.ShapeDtypeStruct((N, F), _f32))


def kernel(x, edge_index, W_in, b_in, W0, b0, W1, b1, W_out, b_out):
    src = edge_index[0]
    dst = edge_index[1]
    pad_e = EP - E
    src_p = jnp.concatenate([src, jnp.zeros((pad_e,), jnp.int32)])
    dst_p = jnp.concatenate([dst, jnp.full((pad_e,), N, jnp.int32)])
    src2 = src_p.reshape(TOTAL_CHUNKS, CHUNK)
    dst2 = dst_p.reshape(TOTAL_CHUNKS, CHUNK)
    x_p = jnp.pad(x, ((0, NP - N), (0, 0)))
    z128 = jnp.zeros((NP, F), _f32)
    ones128 = jnp.ones((CHUNK, F), _f32)

    degp = _deg_call(dst2, ones128, z128)
    g0 = _tc_front_call(degp, x_p, W_in, b_in.reshape(1, F), W0)
    p0 = _conv_call(g0, src2, dst2, z128)
    g1 = _tc_mid_call(degp, p0, g0, W1, b0.reshape(1, F))
    p1 = _conv_call(g1, src2, dst2, z128)
    return _tc_out_call(degp, p1, g1, W_out,
                        b1.reshape(1, F), b_out.reshape(1, F))

# --- scband reference (transcript-rebuilt; emitter-appended) ---
"""Pipeline reference for scband-gcn-50680614093670 (READ-ONLY COPY).

The authoritative reference and input builder live on the scoring server;
editing this copy changes nothing except your own understanding.
"""

import jax, jax.numpy as jnp
import numpy as np

N = 10000
E = 320000
D = 128
H = 128
OUT = 128


def setup_inputs(seed: int = 0) -> dict:
    key = jax.random.key(seed)
    ks = jax.random.split(key, 12)
    x = jax.random.normal(ks[0], (N, D), dtype=jnp.float32)
    edge_index = jax.random.randint(ks[1], (2, E), 0, N, dtype=jnp.int32)
    sD = 1.0 / np.sqrt(D)
    sH = 1.0 / np.sqrt(H)
    W_in = jax.random.normal(ks[2], (D, H), dtype=jnp.float32) * sD
    b_in = jnp.zeros((H,), dtype=jnp.float32)
    W0 = jax.random.normal(ks[3], (H, H), dtype=jnp.float32) * sH
    b0 = jnp.zeros((H,), dtype=jnp.float32)
    W1 = jax.random.normal(ks[4], (H, H), dtype=jnp.float32) * sH
    b1 = jnp.zeros((H,), dtype=jnp.float32)
    W_out = jax.random.normal(ks[5], (H, OUT), dtype=jnp.float32) * sH
    b_out = jnp.zeros((OUT,), dtype=jnp.float32)
    return {"x": x, "edge_index": edge_index, "W_in": W_in, "b_in": b_in,
            "W0": W0, "b0": b0, "W1": W1, "b1": b1,
            "W_out": W_out, "b_out": b_out}


def _gcn_conv(h, src, dst, W, b):
    n = h.shape[0]
    loop = jnp.arange(n, dtype=src.dtype)
    s = jnp.concatenate([src, loop])
    d = jnp.concatenate([dst, loop])
    deg = jnp.zeros((n,), h.dtype).at[d].add(1.0)
    dis = jax.lax.rsqrt(jnp.maximum(deg, 1e-12))
    norm = dis[s] * dis[d]
    hw = h @ W
    msg = hw[s] * norm[:, None]
    out = jnp.zeros_like(hw).at[d].add(msg)
    return out + b


def reference(x, edge_index, W_in, b_in, W0, b0, W1, b1, W_out, b_out):
    src = edge_index[0]
    dst = edge_index[1]
    h = x @ W_in + b_in
    for (W, b) in ((W0, b0), (W1, b1)):
        h = _gcn_conv(h, src, dst, W, b)
        h = jax.nn.relu(h)
        # dropout p=0.0 -> no-op
    return h @ W_out + b_out

if __name__ == "__main__":
    import jax
    _d = setup_inputs()
    print(jax.jit(kernel)(*tuple(_d.values())))

</pallas_src>

<mosaic_0001>
#map = affine_map<(d0, d1) -> (0, 0)>
#map1 = affine_map<(d0, d1) -> (0, 0, 0)>
module attributes {stable_mosaic.version = 14 : i64} {
  func.func @_conv_body(%arg0: i32, %arg1: i32, %arg2: memref<10112x128xf32, #tpu.memory_space<hbm>>, %arg3: memref<2560x128xi32, #tpu.memory_space<hbm>>, %arg4: memref<2560x128xi32, #tpu.memory_space<hbm>>, %arg5: memref<10112x128xf32, #tpu.memory_space<hbm>>, %arg6: memref<2x10112x128xf32, #tpu.memory_space<hbm>>, %arg7: memref<8x128xi32, #tpu.memory_space<vmem>>, %arg8: memref<8x128xi32, #tpu.memory_space<vmem>>, %arg9: memref<128x128xf32, #tpu.memory_space<vmem>>, %arg10: memref<128x128xf32, #tpu.memory_space<vmem>>, %arg11: memref<10112x128xf32, #tpu.memory_space<vmem_shared>>, %arg12: memref<!tpu.dma_semaphore, #tpu.memory_space<semaphore_mem>>, %arg13: memref<!tpu.dma_semaphore, #tpu.memory_space<semaphore_mem>>) attributes {dimension_semantics = [#tpu.dimension_semantics<core_parallel>, #tpu.dimension_semantics<subcore_parallel>], iteration_bounds = array<i64: 2, 16>, scalar_prefetch = 0 : i64, scratch_operands = 7 : i64, tpu.core_type = #tpu.core_type<sc_vector_subcore>, window_params = [{transform_indices = #map}, {transform_indices = #map}, {transform_indices = #map}, {transform_indices = #map}, {transform_indices = #map1}]} {
    %eq3A = arith.constant 0 : i32
    %eq3A_0 = arith.cmpi eq, %arg0, %eq3A : i32
    %jit3A = arith.constant 18 : i32
    %jit3A_1 = arith.constant 2 : i32
    %select_n3A = arith.select %eq3A_0, %jit3A, %jit3A_1 : i32
    %eq3A_2 = arith.constant 0 : i32
    %eq3A_3 = arith.cmpi eq, %arg0, %eq3A_2 : i32
    %mul3A = arith.constant 18 : i32
    %mul3A_4 = arith.muli %arg1, %mul3A : i32
    %mul3A_5 = arith.constant 2 : i32
    %mul3A_6 = arith.muli %arg1, %mul3A_5 : i32
    %add3A = arith.constant 288 : i32
    %add3A_7 = arith.addi %add3A, %mul3A_6 : i32
    %select_n3A_8 = arith.select %eq3A_3, %mul3A_4, %add3A_7 : i32
    %mul3A_9 = arith.constant 8 : i32
    %mul3A_10 = arith.muli %select_n3A_8, %mul3A_9 : i32
    %mul3A_11 = arith.constant 632 : i32
    %mul3A_12 = arith.muli %arg1, %mul3A_11 : i32
    "tpu.region"() ({
      %run_scoped3A = tpu.sem_alloc : memref<!tpu.dma_semaphore, #tpu.memory_space<semaphore_mem>>
      %dma_start3A = arith.constant 0 : i32
      %dma_start3A_30 = tpu.memref_slice %arg11[%mul3A_12, %dma_start3A] : memref<10112x128xf32, #tpu.memory_space<vmem_shared>> -> memref<632x128xf32, #tpu.memory_space<vmem_shared>>
      %dma_start3A_31 = arith.constant 0 : i32
      %dma_start3A_32 = tpu.memref_slice %arg5[%mul3A_12, %dma_start3A_31] : memref<10112x128xf32, #tpu.memory_space<hbm>> -> memref<632x128xf32, #tpu.memory_space<hbm>>
      tpu.enqueue_dma source(%dma_start3A_32 : memref<632x128xf32, #tpu.memory_space<hbm>>) target(%dma_start3A_30 : memref<632x128xf32, #tpu.memory_space<vmem_shared>>) target_semaphore(%run_scoped3A : memref<!tpu.dma_semaphore, #tpu.memory_space<semaphore_mem>>)
      %dma_wait3A = arith.constant 0 : i32
      %dma_wait3A_33 = tpu.memref_slice %arg11[%mul3A_12, %dma_wait3A] : memref<10112x128xf32, #tpu.memory_space<vmem_shared>> -> memref<632x128xf32, #tpu.memory_space<vmem_shared>>
      %dma_wait3A_34 = arith.constant 0 : i32
      %dma_wait3A_35 = tpu.memref_slice %arg5[%mul3A_12, %dma_wait3A_34] : memref<10112x128xf32, #tpu.memory_space<hbm>> -> memref<632x128xf32, #tpu.memory_space<hbm>>
      tpu.wait_dma2 semaphore(%run_scoped3A : memref<!tpu.dma_semaphore, #tpu.memory_space<semaphore_mem>>) src(%dma_wait3A_35 : memref<632x128xf32, #tpu.memory_space<hbm>>) dst(%dma_wait3A_33 : memref<632x128xf32, #tpu.memory_space<vmem_shared>>)
      tpu.yield
    }) : () -> ()
    %barrier3A = arith.constant 0 : index
    tpu.barrier barrier_id(%barrier3A)
    %sub3A = arith.constant 0 : i32
    %sub3A_13 = arith.subi %select_n3A, %sub3A : i32
    %sub3A_14 = arith.constant 1 : i32
    %sub3A_15 = arith.constant 1 : i32
    %sub3A_16 = arith.subi %sub3A_14, %sub3A_15 : i32
    %add3A_17 = arith.addi %sub3A_13, %sub3A_16 : i32
    %div3A = arith.constant 1 : i32
    %div3A_18 = arith.divsi %add3A_17, %div3A : i32
    %while3A = arith.constant 1 : i32
    %while3A_19 = arith.constant 0 : i32
    %while3A_20 = arith.constant 0 : i32
    %while3A_21 = arith.subi %div3A_18, %while3A_20 : i32
    %while3A_22 = arith.addi %while3A_20, %while3A_21 : i32
    %while3A_23 = arith.constant 1 : i32
    %while3A_24 = arith.divsi %while3A_21, %while3A_23 : i32
    %while3A_25 = arith.muli %while3A_24, %while3A_23 : i32
    %while3A_26 = arith.addi %while3A_20, %while3A_25 : i32
    %while3A_27 = arith.constant 1 : i32
    scf.for %while3A_30 = %while3A_20 to %while3A_26 step %while3A_27  : i32 {
      %mul3A_31 = arith.muli %while3A_30, %while3A : i32
      %add3A_32 = arith.addi %while3A_19, %mul3A_31 : i32
      %mul3A_33 = arith.constant 8 : i32
      %mul3A_34 = arith.muli %add3A_32, %mul3A_33 : i32
      %add3A_35 = arith.addi %mul3A_10, %mul3A_34 : i32
      "tpu.region"() ({
        %run_scoped3A_156 = tpu.sem_alloc : memref<!tpu.dma_semaphore, #tpu.memory_space<semaphore_mem>>
        %dma_start3A_157 = arith.constant 0 : i32
        %dma_start3A_158 = tpu.memref_slice %arg3[%add3A_35, %dma_start3A_157] : memref<2560x128xi32, #tpu.memory_space<hbm>> -> memref<8x128xi32, #tpu.memory_space<hbm>>
        %dma_start3A_159 = arith.constant 0 : i32
        %dma_start3A_160 = tpu.memref_slice %arg3[%add3A_35, %dma_start3A_159] : memref<2560x128xi32, #tpu.memory_space<hbm>> -> memref<8x128xi32, #tpu.memory_space<hbm>>
        tpu.enqueue_dma source(%dma_start3A_160 : memref<8x128xi32, #tpu.memory_space<hbm>>) target(%arg7 : memref<8x128xi32, #tpu.memory_space<vmem>>) target_semaphore(%run_scoped3A_156 : memref<!tpu.dma_semaphore, #tpu.memory_space<semaphore_mem>>)
        %dma_wait3A_161 = arith.constant 0 : i32
        %dma_wait3A_162 = tpu.memref_slice %arg3[%add3A_35, %dma_wait3A_161] : memref<2560x128xi32, #tpu.memory_space<hbm>> -> memref<8x128xi32, #tpu.memory_space<hbm>>
        %dma_wait3A_163 = arith.constant 0 : i32
        %dma_wait3A_164 = tpu.memref_slice %arg3[%add3A_35, %dma_wait3A_163] : memref<2560x128xi32, #tpu.memory_space<hbm>> -> memref<8x128xi32, #tpu.memory_space<hbm>>
        tpu.wait_dma2 semaphore(%run_scoped3A_156 : memref<!tpu.dma_semaphore, #tpu.memory_space<semaphore_mem>>) src(%dma_wait3A_164 : memref<8x128xi32, #tpu.memory_space<hbm>>) dst(%arg7 : memref<8x128xi32, #tpu.memory_space<vmem>>)
        tpu.yield
      }) : () -> ()
      %mul3A_36 = arith.constant 8 : i32
      %mul3A_37 = arith.muli %add3A_32, %mul3A_36 : i32
      %add3A_38 = arith.addi %mul3A_10, %mul3A_37 : i32
      "tpu.region"() ({
        %run_scoped3A_156 = tpu.sem_alloc : memref<!tpu.dma_semaphore, #tpu.memory_space<semaphore_mem>>
        %dma_start3A_157 = arith.constant 0 : i32
        %dma_start3A_158 = tpu.memref_slice %arg4[%add3A_38, %dma_start3A_157] : memref<2560x128xi32, #tpu.memory_space<hbm>> -> memref<8x128xi32, #tpu.memory_space<hbm>>
        %dma_start3A_159 = arith.constant 0 : i32
        %dma_start3A_160 = tpu.memref_slice %arg4[%add3A_38, %dma_start3A_159] : memref<2560x128xi32, #tpu.memory_space<hbm>> -> memref<8x128xi32, #tpu.memory_space<hbm>>
        tpu.enqueue_dma source(%dma_start3A_160 : memref<8x128xi32, #tpu.memory_space<hbm>>) target(%arg8 : memref<8x128xi32, #tpu.memory_space<vmem>>) target_semaphore(%run_scoped3A_156 : memref<!tpu.dma_semaphore, #tpu.memory_space<semaphore_mem>>)
        %dma_wait3A_161 = arith.constant 0 : i32
        %dma_wait3A_162 = tpu.memref_slice %arg4[%add3A_38, %dma_wait3A_161] : memref<2560x128xi32, #tpu.memory_space<hbm>> -> memref<8x128xi32, #tpu.memory_space<hbm>>
        %dma_wait3A_163 = arith.constant 0 : i32
        %dma_wait3A_164 = tpu.memref_slice %arg4[%add3A_38, %dma_wait3A_163] : memref<2560x128xi32, #tpu.memory_space<hbm>> -> memref<8x128xi32, #tpu.memory_space<hbm>>
        tpu.wait_dma2 semaphore(%run_scoped3A_156 : memref<!tpu.dma_semaphore, #tpu.memory_space<semaphore_mem>>) src(%dma_wait3A_164 : memref<8x128xi32, #tpu.memory_space<hbm>>) dst(%arg8 : memref<8x128xi32, #tpu.memory_space<vmem>>)
        tpu.yield
      }) : () -> ()
      %dma_start3A = arith.constant 0 : i32
      %dma_start3A_39 = arith.constant 0 : i32
      %dma_start3A_40 = tpu.memref_slice %arg7[%dma_start3A, %dma_start3A_39] : memref<8x128xi32, #tpu.memory_space<vmem>> -> memref<1x128xi32, #tpu.memory_space<vmem>>
      %dma_start3A_41 = tpu.memref_squeeze %dma_start3A_40 : memref<1x128xi32, #tpu.memory_space<vmem>> -> memref<128xi32, #tpu.memory_space<vmem>>
      %dma_start3A_42 = arith.constant 0 : i32
      %dma_start3A_43 = arith.constant 0 : i32
      %dma_start3A_44 = tpu.memref_slice %arg2[%dma_start3A_42, %dma_start3A_43] : memref<10112x128xf32, #tpu.memory_space<hbm>> -> memref<10112x128xf32, #tpu.memory_space<hbm>>
      tpu.enqueue_indirect_dma source(%dma_start3A_44 : memref<10112x128xf32, #tpu.memory_space<hbm>>) target(%arg9 : memref<128x128xf32, #tpu.memory_space<vmem>>) offsets(%dma_start3A_41 : memref<128xi32, #tpu.memory_space<vmem>>) semaphore(%arg12 : memref<!tpu.dma_semaphore, #tpu.memory_space<semaphore_mem>>)
      %dma_start3A_45 = arith.constant 1 : i32
      %dma_start3A_46 = arith.constant 0 : i32
      %dma_start3A_47 = tpu.memref_slice %arg7[%dma_start3A_45, %dma_start3A_46] : memref<8x128xi32, #tpu.memory_space<vmem>> -> memref<1x128xi32, #tpu.memory_space<vmem>>
      %dma_start3A_48 = tpu.memref_squeeze %dma_start3A_47 : memref<1x128xi32, #tpu.memory_space<vmem>> -> memref<128xi32, #tpu.memory_space<vmem>>
      %dma_start3A_49 = arith.constant 0 : i32
      %dma_start3A_50 = arith.constant 0 : i32
      %dma_start3A_51 = tpu.memref_slice %arg2[%dma_start3A_49, %dma_start3A_50] : memref<10112x128xf32, #tpu.memory_space<hbm>> -> memref<10112x128xf32, #tpu.memory_space<hbm>>
      tpu.enqueue_indirect_dma source(%dma_start3A_51 : memref<10112x128xf32, #tpu.memory_space<hbm>>) target(%arg10 : memref<128x128xf32, #tpu.memory_space<vmem>>) offsets(%dma_start3A_48 : memref<128xi32, #tpu.memory_space<vmem>>) semaphore(%arg13 : memref<!tpu.dma_semaphore, #tpu.memory_space<semaphore_mem>>)
      %dma_wait3A = arith.constant 0 : i32
      %dma_wait3A_52 = arith.constant 0 : i32
      %dma_wait3A_53 = tpu.memref_slice %arg7[%dma_wait3A, %dma_wait3A_52] : memref<8x128xi32, #tpu.memory_space<vmem>> -> memref<1x128xi32, #tpu.memory_space<vmem>>
      %dma_wait3A_54 = tpu.memref_squeeze %dma_wait3A_53 : memref<1x128xi32, #tpu.memory_space<vmem>> -> memref<128xi32, #tpu.memory_space<vmem>>
      %dma_wait3A_55 = arith.constant 0 : i32
      %dma_wait3A_56 = arith.constant 0 : i32
      %dma_wait3A_57 = tpu.memref_slice %arg2[%dma_wait3A_55, %dma_wait3A_56] : memref<10112x128xf32, #tpu.memory_space<hbm>> -> memref<10112x128xf32, #tpu.memory_space<hbm>>
      tpu.wait_indirect_dma semaphore(%arg12 : memref<!tpu.dma_semaphore, #tpu.memory_space<semaphore_mem>>) src(%dma_wait3A_57 : memref<10112x128xf32, #tpu.memory_space<hbm>>) dst(%arg9 : memref<128x128xf32, #tpu.memory_space<vmem>>)
      %run_scoped3A = arith.constant 0 : i32
      "tpu.region"() ({
        %run_scoped3A_156 = tpu.sem_alloc : memref<!tpu.dma_semaphore, #tpu.memory_space<semaphore_mem>>
        %dma_start3A_157 = arith.constant 0 : i32
        %dma_start3A_158 = tpu.memref_slice %arg8[%run_scoped3A, %dma_start3A_157] : memref<8x128xi32, #tpu.memory_space<vmem>> -> memref<1x128xi32, #tpu.memory_space<vmem>>
        %dma_start3A_159 = tpu.memref_squeeze %dma_start3A_158 : memref<1x128xi32, #tpu.memory_space<vmem>> -> memref<128xi32, #tpu.memory_space<vmem>>
        %dma_start3A_160 = arith.constant 0 : i32
        %dma_start3A_161 = arith.constant 0 : i32
        %dma_start3A_162 = tpu.memref_slice %arg11[%dma_start3A_160, %dma_start3A_161] : memref<10112x128xf32, #tpu.memory_space<vmem_shared>> -> memref<10112x128xf32, #tpu.memory_space<vmem_shared>>
        tpu.enqueue_indirect_dma source(%arg9 : memref<128x128xf32, #tpu.memory_space<vmem>>) target(%dma_start3A_162 : memref<10112x128xf32, #tpu.memory_space<vmem_shared>>) offsets(%dma_start3A_159 : memref<128xi32, #tpu.memory_space<vmem>>) semaphore(%run_scoped3A_156 : memref<!tpu.dma_semaphore, #tpu.memory_space<semaphore_mem>>) {add = true}
        %dma_wait3A_163 = arith.constant 0 : i32
        %dma_wait3A_164 = tpu.memref_slice %arg8[%run_scoped3A, %dma_wait3A_163] : memref<8x128xi32, #tpu.memory_space<vmem>> -> memref<1x128xi32, #tpu.memory_space<vmem>>
        %dma_wait3A_165 = tpu.memref_squeeze %dma_wait3A_164 : memref<1x128xi32, #tpu.memory_space<vmem>> -> memref<128xi32, #tpu.memory_space<vmem>>
        %dma_wait3A_166 = arith.constant 0 : i32
        %dma_wait3A_167 = arith.constant 0 : i32
        %dma_wait3A_168 = tpu.memref_slice %arg11[%dma_wait3A_166, %dma_wait3A_167] : memref<10112x128xf32, #tpu.memory_space<vmem_shared>> -> memref<10112x128xf32, #tpu.memory_space<vmem_shared>>
        tpu.wait_indirect_dma semaphore(%run_scoped3A_156 : memref<!tpu.dma_semaphore, #tpu.memory_space<semaphore_mem>>) src(%arg9 : memref<128x128xf32, #tpu.memory_space<vmem>>) dst(%dma_wait3A_168 : memref<10112x128xf32, #tpu.memory_space<vmem_shared>>)
        tpu.yield
      }) : () -> ()
      %dma_start3A_58 = arith.constant 2 : i32
      %dma_start3A_59 = arith.constant 0 : i32
      %dma_start3A_60 = tpu.memref_slice %arg7[%dma_start3A_58, %dma_start3A_59] : memref<8x128xi32, #tpu.memory_space<vmem>> -> memref<1x128xi32, #tpu.memory_space<vmem>>
      %dma_start3A_61 = tpu.memref_squeeze %dma_start3A_60 : memref<1x128xi32, #tpu.memory_space<vmem>> -> memref<128xi32, #tpu.memory_space<vmem>>
      %dma_start3A_62 = arith.constant 0 : i32
      %dma_start3A_63 = arith.constant 0 : i32
      %dma_start3A_64 = tpu.memref_slice %arg2[%dma_start3A_62, %dma_start3A_63] : memref<10112x128xf32, #tpu.memory_space<hbm>> -> memref<10112x128xf32, #tpu.memory_space<hbm>>
      tpu.enqueue_indirect_dma source(%dma_start3A_64 : memref<10112x128xf32, #tpu.memory_space<hbm>>) target(%arg9 : memref<128x128xf32, #tpu.memory_space<vmem>>) offsets(%dma_start3A_61 : memref<128xi32, #tpu.memory_space<vmem>>) semaphore(%arg12 : memref<!tpu.dma_semaphore, #tpu.memory_space<semaphore_mem>>)
      %dma_wait3A_65 = arith.constant 1 : i32
      %dma_wait3A_66 = arith.constant 0 : i32
      %dma_wait3A_67 = tpu.memref_slice %arg7[%dma_wait3A_65, %dma_wait3A_66] : memref<8x128xi32, #tpu.memory_space<vmem>> -> memref<1x128xi32, #tpu.memory_space<vmem>>
      %dma_wait3A_68 = tpu.memref_squeeze %dma_wait3A_67 : memref<1x128xi32, #tpu.memory_space<vmem>> -> memref<128xi32, #tpu.memory_space<vmem>>
      %dma_wait3A_69 = arith.constant 0 : i32
      %dma_wait3A_70 = arith.constant 0 : i32
      %dma_wait3A_71 = tpu.memref_slice %arg2[%dma_wait3A_69, %dma_wait3A_70] : memref<10112x128xf32, #tpu.memory_space<hbm>> -> memref<10112x128xf32, #tpu.memory_space<hbm>>
      tpu.wait_indirect_dma semaphore(%arg13 : memref<!tpu.dma_semaphore, #tpu.memory_space<semaphore_mem>>) src(%dma_wait3A_71 : memref<10112x128xf32, #tpu.memory_space<hbm>>) dst(%arg10 : memref<128x128xf32, #tpu.memory_space<vmem>>)
      %run_scoped3A_72 = arith.constant 1 : i32
      "tpu.region"() ({
        %run_scoped3A_156 = tpu.sem_alloc : memref<!tpu.dma_semaphore, #tpu.memory_space<semaphore_mem>>
        %dma_start3A_157 = arith.constant 0 : i32
        %dma_start3A_158 = tpu.memref_slice %arg8[%run_scoped3A_72, %dma_start3A_157] : memref<8x128xi32, #tpu.memory_space<vmem>> -> memref<1x128xi32, #tpu.memory_space<vmem>>
        %dma_start3A_159 = tpu.memref_squeeze %dma_start3A_158 : memref<1x128xi32, #tpu.memory_space<vmem>> -> memref<128xi32, #tpu.memory_space<vmem>>
        %dma_start3A_160 = arith.constant 0 : i32
        %dma_start3A_161 = arith.constant 0 : i32
        %dma_start3A_162 = tpu.memref_slice %arg11[%dma_start3A_160, %dma_start3A_161] : memref<10112x128xf32, #tpu.memory_space<vmem_shared>> -> memref<10112x128xf32, #tpu.memory_space<vmem_shared>>
        tpu.enqueue_indirect_dma source(%arg10 : memref<128x128xf32, #tpu.memory_space<vmem>>) target(%dma_start3A_162 : memref<10112x128xf32, #tpu.memory_space<vmem_shared>>) offsets(%dma_start3A_159 : memref<128xi32, #tpu.memory_space<vmem>>) semaphore(%run_scoped3A_156 : memref<!tpu.dma_semaphore, #tpu.memory_space<semaphore_mem>>) {add = true}
        %dma_wait3A_163 = arith.constant 0 : i32
        %dma_wait3A_164 = tpu.memref_slice %arg8[%run_scoped3A_72, %dma_wait3A_163] : memref<8x128xi32, #tpu.memory_space<vmem>> -> memref<1x128xi32, #tpu.memory_space<vmem>>
        %dma_wait3A_165 = tpu.memref_squeeze %dma_wait3A_164 : memref<1x128xi32, #tpu.memory_space<vmem>> -> memref<128xi32, #tpu.memory_space<vmem>>
        %dma_wait3A_166 = arith.constant 0 : i32
        %dma_wait3A_167 = arith.constant 0 : i32
        %dma_wait3A_168 = tpu.memref_slice %arg11[%dma_wait3A_166, %dma_wait3A_167] : memref<10112x128xf32, #tpu.memory_space<vmem_shared>> -> memref<10112x128xf32, #tpu.memory_space<vmem_shared>>
        tpu.wait_indirect_dma semaphore(%run_scoped3A_156 : memref<!tpu.dma_semaphore, #tpu.memory_space<semaphore_mem>>) src(%arg10 : memref<128x128xf32, #tpu.memory_space<vmem>>) dst(%dma_wait3A_168 : memref<10112x128xf32, #tpu.memory_space<vmem_shared>>)
        tpu.yield
      }) : () -> ()
      %dma_start3A_73 = arith.constant 3 : i32
      %dma_start3A_74 = arith.constant 0 : i32
      %dma_start3A_75 = tpu.memref_slice %arg7[%dma_start3A_73, %dma_start3A_74] : memref<8x128xi32, #tpu.memory_space<vmem>> -> memref<1x128xi32, #tpu.memory_space<vmem>>
      %dma_start3A_76 = tpu.memref_squeeze %dma_start3A_75 : memref<1x128xi32, #tpu.memory_space<vmem>> -> memref<128xi32, #tpu.memory_space<vmem>>
      %dma_start3A_77 = arith.constant 0 : i32
      %dma_start3A_78 = arith.constant 0 : i32
      %dma_start3A_79 = tpu.memref_slice %arg2[%dma_start3A_77, %dma_start3A_78] : memref<10112x128xf32, #tpu.memory_space<hbm>> -> memref<10112x128xf32, #tpu.memory_space<hbm>>
      tpu.enqueue_indirect_dma source(%dma_start3A_79 : memref<10112x128xf32, #tpu.memory_space<hbm>>) target(%arg10 : memref<128x128xf32, #tpu.memory_space<vmem>>) offsets(%dma_start3A_76 : memref<128xi32, #tpu.memory_space<vmem>>) semaphore(%arg13 : memref<!tpu.dma_semaphore, #tpu.memory_space<semaphore_mem>>)
      %dma_wait3A_80 = arith.constant 2 : i32
      %dma_wait3A_81 = arith.constant 0 : i32
      %dma_wait3A_82 = tpu.memref_slice %arg7[%dma_wait3A_80, %dma_wait3A_81] : memref<8x128xi32, #tpu.memory_space<vmem>> -> memref<1x128xi32, #tpu.memory_space<vmem>>
      %dma_wait3A_83 = tpu.memref_squeeze %dma_wait3A_82 : memref<1x128xi32, #tpu.memory_space<vmem>> -> memref<128xi32, #tpu.memory_space<vmem>>
      %dma_wait3A_84 = arith.constant 0 : i32
      %dma_wait3A_85 = arith.constant 0 : i32
      %dma_wait3A_86 = tpu.memref_slice %arg2[%dma_wait3A_84, %dma_wait3A_85] : memref<10112x128xf32, #tpu.memory_space<hbm>> -> memref<10112x128xf32, #tpu.memory_space<hbm>>
      tpu.wait_indirect_dma semaphore(%arg12 : memref<!tpu.dma_semaphore, #tpu.memory_space<semaphore_mem>>) src(%dma_wait3A_86 : memref<10112x128xf32, #tpu.memory_space<hbm>>) dst(%arg9 : memref<128x128xf32, #tpu.memory_space<vmem>>)
      %run_scoped3A_87 = arith.constant 2 : i32
      "tpu.region"() ({
        %run_scoped3A_156 = tpu.sem_alloc : memref<!tpu.dma_semaphore, #tpu.memory_space<semaphore_mem>>
        %dma_start3A_157 = arith.constant 0 : i32
        %dma_start3A_158 = tpu.memref_slice %arg8[%run_scoped3A_87, %dma_start3A_157] : memref<8x128xi32, #tpu.memory_space<vmem>> -> memref<1x128xi32, #tpu.memory_space<vmem>>
        %dma_start3A_159 = tpu.memref_squeeze %dma_start3A_158 : memref<1x128xi32, #tpu.memory_space<vmem>> -> memref<128xi32, #tpu.memory_space<vmem>>
        %dma_start3A_160 = arith.constant 0 : i32
        %dma_start3A_161 = arith.constant 0 : i32
        %dma_start3A_162 = tpu.memref_slice %arg11[%dma_start3A_160, %dma_start3A_161] : memref<10112x128xf32, #tpu.memory_space<vmem_shared>> -> memref<10112x128xf32, #tpu.memory_space<vmem_shared>>
        tpu.enqueue_indirect_dma source(%arg9 : memref<128x128xf32, #tpu.memory_space<vmem>>) target(%dma_start3A_162 : memref<10112x128xf32, #tpu.memory_space<vmem_shared>>) offsets(%dma_start3A_159 : memref<128xi32, #tpu.memory_space<vmem>>) semaphore(%run_scoped3A_156 : memref<!tpu.dma_semaphore, #tpu.memory_space<semaphore_mem>>) {add = true}
        %dma_wait3A_163 = arith.constant 0 : i32
        %dma_wait3A_164 = tpu.memref_slice %arg8[%run_scoped3A_87, %dma_wait3A_163] : memref<8x128xi32, #tpu.memory_space<vmem>> -> memref<1x128xi32, #tpu.memory_space<vmem>>
        %dma_wait3A_165 = tpu.memref_squeeze %dma_wait3A_164 : memref<1x128xi32, #tpu.memory_space<vmem>> -> memref<128xi32, #tpu.memory_space<vmem>>
        %dma_wait3A_166 = arith.constant 0 : i32
        %dma_wait3A_167 = arith.constant 0 : i32
        %dma_wait3A_168 = tpu.memref_slice %arg11[%dma_wait3A_166, %dma_wait3A_167] : memref<10112x128xf32, #tpu.memory_space<vmem_shared>> -> memref<10112x128xf32, #tpu.memory_space<vmem_shared>>
        tpu.wait_indirect_dma semaphore(%run_scoped3A_156 : memref<!tpu.dma_semaphore, #tpu.memory_space<semaphore_mem>>) src(%arg9 : memref<128x128xf32, #tpu.memory_space<vmem>>) dst(%dma_wait3A_168 : memref<10112x128xf32, #tpu.memory_space<vmem_shared>>)
        tpu.yield
      }) : () -> ()
      %dma_start3A_88 = arith.constant 4 : i32
      %dma_start3A_89 = arith.constant 0 : i32
      %dma_start3A_90 = tpu.memref_slice %arg7[%dma_start3A_88, %dma_start3A_89] : memref<8x128xi32, #tpu.memory_space<vmem>> -> memref<1x128xi32, #tpu.memory_space<vmem>>
      %dma_start3A_91 = tpu.memref_squeeze %dma_start3A_90 : memref<1x128xi32, #tpu.memory_space<vmem>> -> memref<128xi32, #tpu.memory_space<vmem>>
      %dma_start3A_92 = arith.constant 0 : i32
      %dma_start3A_93 = arith.constant 0 : i32
      %dma_start3A_94 = tpu.memref_slice %arg2[%dma_start3A_92, %dma_start3A_93] : memref<10112x128xf32, #tpu.memory_space<hbm>> -> memref<10112x128xf32, #tpu.memory_space<hbm>>
      tpu.enqueue_indirect_dma source(%dma_start3A_94 : memref<10112x128xf32, #tpu.memory_space<hbm>>) target(%arg9 : memref<128x128xf32, #tpu.memory_space<vmem>>) offsets(%dma_start3A_91 : memref<128xi32, #tpu.memory_space<vmem>>) semaphore(%arg12 : memref<!tpu.dma_semaphore, #tpu.memory_space<semaphore_mem>>)
      %dma_wait3A_95 = arith.constant 3 : i32
      %dma_wait3A_96 = arith.constant 0 : i32
      %dma_wait3A_97 = tpu.memref_slice %arg7[%dma_wait3A_95, %dma_wait3A_96] : memref<8x128xi32, #tpu.memory_space<vmem>> -> memref<1x128xi32, #tpu.memory_space<vmem>>
      %dma_wait3A_98 = tpu.memref_squeeze %dma_wait3A_97 : memref<1x128xi32, #tpu.memory_space<vmem>> -> memref<128xi32, #tpu.memory_space<vmem>>
      %dma_wait3A_99 = arith.constant 0 : i32
      %dma_wait3A_100 = arith.constant 0 : i32
      %dma_wait3A_101 = tpu.memref_slice %arg2[%dma_wait3A_99, %dma_wait3A_100] : memref<10112x128xf32, #tpu.memory_space<hbm>> -> memref<10112x128xf32, #tpu.memory_space<hbm>>
      tpu.wait_indirect_dma semaphore(%arg13 : memref<!tpu.dma_semaphore, #tpu.memory_space<semaphore_mem>>) src(%dma_wait3A_101 : memref<10112x128xf32, #tpu.memory_space<hbm>>) dst(%arg10 : memref<128x128xf32, #tpu.memory_space<vmem>>)
      %run_scoped3A_102 = arith.constant 3 : i32
      "tpu.region"() ({
        %run_scoped3A_156 = tpu.sem_alloc : memref<!tpu.dma_semaphore, #tpu.memory_space<semaphore_mem>>
        %dma_start3A_157 = arith.constant 0 : i32
        %dma_start3A_158 = tpu.memref_slice %arg8[%run_scoped3A_102, %dma_start3A_157] : memref<8x128xi32, #tpu.memory_space<vmem>> -> memref<1x128xi32, #tpu.memory_space<vmem>>
        %dma_start3A_159 = tpu.memref_squeeze %dma_start3A_158 : memref<1x128xi32, #tpu.memory_space<vmem>> -> memref<128xi32, #tpu.memory_space<vmem>>
        %dma_start3A_160 = arith.constant 0 : i32
        %dma_start3A_161 = arith.constant 0 : i32
        %dma_start3A_162 = tpu.memref_slice %arg11[%dma_start3A_160, %dma_start3A_161] : memref<10112x128xf32, #tpu.memory_space<vmem_shared>> -> memref<10112x128xf32, #tpu.memory_space<vmem_shared>>
        tpu.enqueue_indirect_dma source(%arg10 : memref<128x128xf32, #tpu.memory_space<vmem>>) target(%dma_start3A_162 : memref<10112x128xf32, #tpu.memory_space<vmem_shared>>) offsets(%dma_start3A_159 : memref<128xi32, #tpu.memory_space<vmem>>) semaphore(%run_scoped3A_156 : memref<!tpu.dma_semaphore, #tpu.memory_space<semaphore_mem>>) {add = true}
        %dma_wait3A_163 = arith.constant 0 : i32
        %dma_wait3A_164 = tpu.memref_slice %arg8[%run_scoped3A_102, %dma_wait3A_163] : memref<8x128xi32, #tpu.memory_space<vmem>> -> memref<1x128xi32, #tpu.memory_space<vmem>>
        %dma_wait3A_165 = tpu.memref_squeeze %dma_wait3A_164 : memref<1x128xi32, #tpu.memory_space<vmem>> -> memref<128xi32, #tpu.memory_space<vmem>>
        %dma_wait3A_166 = arith.constant 0 : i32
        %dma_wait3A_167 = arith.constant 0 : i32
        %dma_wait3A_168 = tpu.memref_slice %arg11[%dma_wait3A_166, %dma_wait3A_167] : memref<10112x128xf32, #tpu.memory_space<vmem_shared>> -> memref<10112x128xf32, #tpu.memory_space<vmem_shared>>
        tpu.wait_indirect_dma semaphore(%run_scoped3A_156 : memref<!tpu.dma_semaphore, #tpu.memory_space<semaphore_mem>>) src(%arg10 : memref<128x128xf32, #tpu.memory_space<vmem>>) dst(%dma_wait3A_168 : memref<10112x128xf32, #tpu.memory_space<vmem_shared>>)
        tpu.yield
      }) : () -> ()
      %dma_start3A_103 = arith.constant 5 : i32
      %dma_start3A_104 = arith.constant 0 : i32
      %dma_start3A_105 = tpu.memref_slice %arg7[%dma_start3A_103, %dma_start3A_104] : memref<8x128xi32, #tpu.memory_space<vmem>> -> memref<1x128xi32, #tpu.memory_space<vmem>>
      %dma_start3A_106 = tpu.memref_squeeze %dma_start3A_105 : memref<1x128xi32, #tpu.memory_space<vmem>> -> memref<128xi32, #tpu.memory_space<vmem>>
      %dma_start3A_107 = arith.constant 0 : i32
      %dma_start3A_108 = arith.constant 0 : i32
      %dma_start3A_109 = tpu.memref_slice %arg2[%dma_start3A_107, %dma_start3A_108] : memref<10112x128xf32, #tpu.memory_space<hbm>> -> memref<10112x128xf32, #tpu.memory_space<hbm>>
      tpu.enqueue_indirect_dma source(%dma_start3A_109 : memref<10112x128xf32, #tpu.memory_space<hbm>>) target(%arg10 : memref<128x128xf32, #tpu.memory_space<vmem>>) offsets(%dma_start3A_106 : memref<128xi32, #tpu.memory_space<vmem>>) semaphore(%arg13 : memref<!tpu.dma_semaphore, #tpu.memory_space<semaphore_mem>>)
      %dma_wait3A_110 = arith.constant 4 : i32
      %dma_wait3A_111 = arith.constant 0 : i32
      %dma_wait3A_112 = tpu.memref_slice %arg7[%dma_wait3A_110, %dma_wait3A_111] : memref<8x128xi32, #tpu.memory_space<vmem>> -> memref<1x128xi32, #tpu.memory_space<vmem>>
      %dma_wait3A_113 = tpu.memref_squeeze %dma_wait3A_112 : memref<1x128xi32, #tpu.memory_space<vmem>> -> memref<128xi32, #tpu.memory_space<vmem>>
      %dma_wait3A_114 = arith.constant 0 : i32
      %dma_wait3A_115 = arith.constant 0 : i32
      %dma_wait3A_116 = tpu.memref_slice %arg2[%dma_wait3A_114, %dma_wait3A_115] : memref<10112x128xf32, #tpu.memory_space<hbm>> -> memref<10112x128xf32, #tpu.memory_space<hbm>>
      tpu.wait_indirect_dma semaphore(%arg12 : memref<!tpu.dma_semaphore, #tpu.memory_space<semaphore_mem>>) src(%dma_wait3A_116 : memref<10112x128xf32, #tpu.memory_space<hbm>>) dst(%arg9 : memref<128x128xf32, #tpu.memory_space<vmem>>)
      %run_scoped3A_117 = arith.constant 4 : i32
      "tpu.region"() ({
        %run_scoped3A_156 = tpu.sem_alloc : memref<!tpu.dma_semaphore, #tpu.memory_space<semaphore_mem>>
        %dma_start3A_157 = arith.constant 0 : i32
        %dma_start3A_158 = tpu.memref_slice %arg8[%run_scoped3A_117, %dma_start3A_157] : memref<8x128xi32, #tpu.memory_space<vmem>> -> memref<1x128xi32, #tpu.memory_space<vmem>>
        %dma_start3A_159 = tpu.memref_squeeze %dma_start3A_158 : memref<1x128xi32, #tpu.memory_space<vmem>> -> memref<128xi32, #tpu.memory_space<vmem>>
        %dma_start3A_160 = arith.constant 0 : i32
        %dma_start3A_161 = arith.constant 0 : i32
        %dma_start3A_162 = tpu.memref_slice %arg11[%dma_start3A_160, %dma_start3A_161] : memref<10112x128xf32, #tpu.memory_space<vmem_shared>> -> memref<10112x128xf32, #tpu.memory_space<vmem_shared>>
        tpu.enqueue_indirect_dma source(%arg9 : memref<128x128xf32, #tpu.memory_space<vmem>>) target(%dma_start3A_162 : memref<10112x128xf32, #tpu.memory_space<vmem_shared>>) offsets(%dma_start3A_159 : memref<128xi32, #tpu.memory_space<vmem>>) semaphore(%run_scoped3A_156 : memref<!tpu.dma_semaphore, #tpu.memory_space<semaphore_mem>>) {add = true}
        %dma_wait3A_163 = arith.constant 0 : i32
        %dma_wait3A_164 = tpu.memref_slice %arg8[%run_scoped3A_117, %dma_wait3A_163] : memref<8x128xi32, #tpu.memory_space<vmem>> -> memref<1x128xi32, #tpu.memory_space<vmem>>
        %dma_wait3A_165 = tpu.memref_squeeze %dma_wait3A_164 : memref<1x128xi32, #tpu.memory_space<vmem>> -> memref<128xi32, #tpu.memory_space<vmem>>
        %dma_wait3A_166 = arith.constant 0 : i32
        %dma_wait3A_167 = arith.constant 0 : i32
        %dma_wait3A_168 = tpu.memref_slice %arg11[%dma_wait3A_166, %dma_wait3A_167] : memref<10112x128xf32, #tpu.memory_space<vmem_shared>> -> memref<10112x128xf32, #tpu.memory_space<vmem_shared>>
        tpu.wait_indirect_dma semaphore(%run_scoped3A_156 : memref<!tpu.dma_semaphore, #tpu.memory_space<semaphore_mem>>) src(%arg9 : memref<128x128xf32, #tpu.memory_space<vmem>>) dst(%dma_wait3A_168 : memref<10112x128xf32, #tpu.memory_space<vmem_shared>>)
        tpu.yield
      }) : () -> ()
      %dma_start3A_118 = arith.constant 6 : i32
      %dma_start3A_119 = arith.constant 0 : i32
      %dma_start3A_120 = tpu.memref_slice %arg7[%dma_start3A_118, %dma_start3A_119] : memref<8x128xi32, #tpu.memory_space<vmem>> -> memref<1x128xi32, #tpu.memory_space<vmem>>
      %dma_start3A_121 = tpu.memref_squeeze %dma_start3A_120 : memref<1x128xi32, #tpu.memory_space<vmem>> -> memref<128xi32, #tpu.memory_space<vmem>>
      %dma_start3A_122 = arith.constant 0 : i32
      %dma_start3A_123 = arith.constant 0 : i32
      %dma_start3A_124 = tpu.memref_slice %arg2[%dma_start3A_122, %dma_start3A_123] : memref<10112x128xf32, #tpu.memory_space<hbm>> -> memref<10112x128xf32, #tpu.memory_space<hbm>>
      tpu.enqueue_indirect_dma source(%dma_start3A_124 : memref<10112x128xf32, #tpu.memory_space<hbm>>) target(%arg9 : memref<128x128xf32, #tpu.memory_space<vmem>>) offsets(%dma_start3A_121 : memref<128xi32, #tpu.memory_space<vmem>>) semaphore(%arg12 : memref<!tpu.dma_semaphore, #tpu.memory_space<semaphore_mem>>)
      %dma_wait3A_125 = arith.constant 5 : i32
      %dma_wait3A_126 = arith.constant 0 : i32
      %dma_wait3A_127 = tpu.memref_slice %arg7[%dma_wait3A_125, %dma_wait3A_126] : memref<8x128xi32, #tpu.memory_space<vmem>> -> memref<1x128xi32, #tpu.memory_space<vmem>>
      %dma_wait3A_128 = tpu.memref_squeeze %dma_wait3A_127 : memref<1x128xi32, #tpu.memory_space<vmem>> -> memref<128xi32, #tpu.memory_space<vmem>>
      %dma_wait3A_129 = arith.constant 0 : i32
      %dma_wait3A_130 = arith.constant 0 : i32
      %dma_wait3A_131 = tpu.memref_slice %arg2[%dma_wait3A_129, %dma_wait3A_130] : memref<10112x128xf32, #tpu.memory_space<hbm>> -> memref<10112x128xf32, #tpu.memory_space<hbm>>
      tpu.wait_indirect_dma semaphore(%arg13 : memref<!tpu.dma_semaphore, #tpu.memory_space<semaphore_mem>>) src(%dma_wait3A_131 : memref<10112x128xf32, #tpu.memory_space<hbm>>) dst(%arg10 : memref<128x128xf32, #tpu.memory_space<vmem>>)
      %run_scoped3A_132 = arith.constant 5 : i32
      "tpu.region"() ({
        %run_scoped3A_156 = tpu.sem_alloc : memref<!tpu.dma_semaphore, #tpu.memory_space<semaphore_mem>>
        %dma_start3A_157 = arith.constant 0 : i32
        %dma_start3A_158 = tpu.memref_slice %arg8[%run_scoped3A_132, %dma_start3A_157] : memref<8x128xi32, #tpu.memory_space<vmem>> -> memref<1x128xi32, #tpu.memory_space<vmem>>
        %dma_start3A_159 = tpu.memref_squeeze %dma_start3A_158 : memref<1x128xi32, #tpu.memory_space<vmem>> -> memref<128xi32, #tpu.memory_space<vmem>>
        %dma_start3A_160 = arith.constant 0 : i32
        %dma_start3A_161 = arith.constant 0 : i32
        %dma_start3A_162 = tpu.memref_slice %arg11[%dma_start3A_160, %dma_start3A_161] : memref<10112x128xf32, #tpu.memory_space<vmem_shared>> -> memref<10112x128xf32, #tpu.memory_space<vmem_shared>>
        tpu.enqueue_indirect_dma source(%arg10 : memref<128x128xf32, #tpu.memory_space<vmem>>) target(%dma_start3A_162 : memref<10112x128xf32, #tpu.memory_space<vmem_shared>>) offsets(%dma_start3A_159 : memref<128xi32, #tpu.memory_space<vmem>>) semaphore(%run_scoped3A_156 : memref<!tpu.dma_semaphore, #tpu.memory_space<semaphore_mem>>) {add = true}
        %dma_wait3A_163 = arith.constant 0 : i32
        %dma_wait3A_164 = tpu.memref_slice %arg8[%run_scoped3A_132, %dma_wait3A_163] : memref<8x128xi32, #tpu.memory_space<vmem>> -> memref<1x128xi32, #tpu.memory_space<vmem>>
        %dma_wait3A_165 = tpu.memref_squeeze %dma_wait3A_164 : memref<1x128xi32, #tpu.memory_space<vmem>> -> memref<128xi32, #tpu.memory_space<vmem>>
        %dma_wait3A_166 = arith.constant 0 : i32
        %dma_wait3A_167 = arith.constant 0 : i32
        %dma_wait3A_168 = tpu.memref_slice %arg11[%dma_wait3A_166, %dma_wait3A_167] : memref<10112x128xf32, #tpu.memory_space<vmem_shared>> -> memref<10112x128xf32, #tpu.memory_space<vmem_shared>>
        tpu.wait_indirect_dma semaphore(%run_scoped3A_156 : memref<!tpu.dma_semaphore, #tpu.memory_space<semaphore_mem>>) src(%arg10 : memref<128x128xf32, #tpu.memory_space<vmem>>) dst(%dma_wait3A_168 : memref<10112x128xf32, #tpu.memory_space<vmem_shared>>)
        tpu.yield
      }) : () -> ()
      %dma_start3A_133 = arith.constant 7 : i32
      %dma_start3A_134 = arith.constant 0 : i32
      %dma_start3A_135 = tpu.memref_slice %arg7[%dma_start3A_133, %dma_start3A_134] : memref<8x128xi32, #tpu.memory_space<vmem>> -> memref<1x128xi32, #tpu.memory_space<vmem>>
      %dma_start3A_136 = tpu.memref_squeeze %dma_start3A_135 : memref<1x128xi32, #tpu.memory_space<vmem>> -> memref<128xi32, #tpu.memory_space<vmem>>
      %dma_start3A_137 = arith.constant 0 : i32
      %dma_start3A_138 = arith.constant 0 : i32
      %dma_start3A_139 = tpu.memref_slice %arg2[%dma_start3A_137, %dma_start3A_138] : memref<10112x128xf32, #tpu.memory_space<hbm>> -> memref<10112x128xf32, #tpu.memory_space<hbm>>
      tpu.enqueue_indirect_dma source(%dma_start3A_139 : memref<10112x128xf32, #tpu.memory_space<hbm>>) target(%arg10 : memref<128x128xf32, #tpu.memory_space<vmem>>) offsets(%dma_start3A_136 : memref<128xi32, #tpu.memory_space<vmem>>) semaphore(%arg13 : memref<!tpu.dma_semaphore, #tpu.memory_space<semaphore_mem>>)
      %dma_wait3A_140 = arith.constant 6 : i32
      %dma_wait3A_141 = arith.constant 0 : i32
      %dma_wait3A_142 = tpu.memref_slice %arg7[%dma_wait3A_140, %dma_wait3A_141] : memref<8x128xi32, #tpu.memory_space<vmem>> -> memref<1x128xi32, #tpu.memory_space<vmem>>
      %dma_wait3A_143 = tpu.memref_squeeze %dma_wait3A_142 : memref<1x128xi32, #tpu.memory_space<vmem>> -> memref<128xi32, #tpu.memory_space<vmem>>
      %dma_wait3A_144 = arith.constant 0 : i32
      %dma_wait3A_145 = arith.constant 0 : i32
      %dma_wait3A_146 = tpu.memref_slice %arg2[%dma_wait3A_144, %dma_wait3A_145] : memref<10112x128xf32, #tpu.memory_space<hbm>> -> memref<10112x128xf32, #tpu.memory_space<hbm>>
      tpu.wait_indirect_dma semaphore(%arg12 : memref<!tpu.dma_semaphore, #tpu.memory_space<semaphore_mem>>) src(%dma_wait3A_146 : memref<10112x128xf32, #tpu.memory_space<hbm>>) dst(%arg9 : memref<128x128xf32, #tpu.memory_space<vmem>>)
      %run_scoped3A_147 = arith.constant 6 : i32
      "tpu.region"() ({
        %run_scoped3A_156 = tpu.sem_alloc : memref<!tpu.dma_semaphore, #tpu.memory_space<semaphore_mem>>
        %dma_start3A_157 = arith.constant 0 : i32
        %dma_start3A_158 = tpu.memref_slice %arg8[%run_scoped3A_147, %dma_start3A_157] : memref<8x128xi32, #tpu.memory_space<vmem>> -> memref<1x128xi32, #tpu.memory_space<vmem>>
        %dma_start3A_159 = tpu.memref_squeeze %dma_start3A_158 : memref<1x128xi32, #tpu.memory_space<vmem>> -> memref<128xi32, #tpu.memory_space<vmem>>
        %dma_start3A_160 = arith.constant 0 : i32
        %dma_start3A_161 = arith.constant 0 : i32
        %dma_start3A_162 = tpu.memref_slice %arg11[%dma_start3A_160, %dma_start3A_161] : memref<10112x128xf32, #tpu.memory_space<vmem_shared>> -> memref<10112x128xf32, #tpu.memory_space<vmem_shared>>
        tpu.enqueue_indirect_dma source(%arg9 : memref<128x128xf32, #tpu.memory_space<vmem>>) target(%dma_start3A_162 : memref<10112x128xf32, #tpu.memory_space<vmem_shared>>) offsets(%dma_start3A_159 : memref<128xi32, #tpu.memory_space<vmem>>) semaphore(%run_scoped3A_156 : memref<!tpu.dma_semaphore, #tpu.memory_space<semaphore_mem>>) {add = true}
        %dma_wait3A_163 = arith.constant 0 : i32
        %dma_wait3A_164 = tpu.memref_slice %arg8[%run_scoped3A_147, %dma_wait3A_163] : memref<8x128xi32, #tpu.memory_space<vmem>> -> memref<1x128xi32, #tpu.memory_space<vmem>>
        %dma_wait3A_165 = tpu.memref_squeeze %dma_wait3A_164 : memref<1x128xi32, #tpu.memory_space<vmem>> -> memref<128xi32, #tpu.memory_space<vmem>>
        %dma_wait3A_166 = arith.constant 0 : i32
        %dma_wait3A_167 = arith.constant 0 : i32
        %dma_wait3A_168 = tpu.memref_slice %arg11[%dma_wait3A_166, %dma_wait3A_167] : memref<10112x128xf32, #tpu.memory_space<vmem_shared>> -> memref<10112x128xf32, #tpu.memory_space<vmem_shared>>
        tpu.wait_indirect_dma semaphore(%run_scoped3A_156 : memref<!tpu.dma_semaphore, #tpu.memory_space<semaphore_mem>>) src(%arg9 : memref<128x128xf32, #tpu.memory_space<vmem>>) dst(%dma_wait3A_168 : memref<10112x128xf32, #tpu.memory_space<vmem_shared>>)
        tpu.yield
      }) : () -> ()
      %dma_wait3A_148 = arith.constant 7 : i32
      %dma_wait3A_149 = arith.constant 0 : i32
      %dma_wait3A_150 = tpu.memref_slice %arg7[%dma_wait3A_148, %dma_wait3A_149] : memref<8x128xi32, #tpu.memory_space<vmem>> -> memref<1x128xi32, #tpu.memory_space<vmem>>
      %dma_wait3A_151 = tpu.memref_squeeze %dma_wait3A_150 : memref<1x128xi32, #tpu.memory_space<vmem>> -> memref<128xi32, #tpu.memory_space<vmem>>
      %dma_wait3A_152 = arith.constant 0 : i32
      %dma_wait3A_153 = arith.constant 0 : i32
      %dma_wait3A_154 = tpu.memref_slice %arg2[%dma_wait3A_152, %dma_wait3A_153] : memref<10112x128xf32, #tpu.memory_space<hbm>> -> memref<10112x128xf32, #tpu.memory_space<hbm>>
      tpu.wait_indirect_dma semaphore(%arg13 : memref<!tpu.dma_semaphore, #tpu.memory_space<semaphore_mem>>) src(%dma_wait3A_154 : memref<10112x128xf32, #tpu.memory_space<hbm>>) dst(%arg10 : memref<128x128xf32, #tpu.memory_space<vmem>>)
      %run_scoped3A_155 = arith.constant 7 : i32
      "tpu.region"() ({
        %run_scoped3A_156 = tpu.sem_alloc : memref<!tpu.dma_semaphore, #tpu.memory_space<semaphore_mem>>
        %dma_start3A_157 = arith.constant 0 : i32
        %dma_start3A_158 = tpu.memref_slice %arg8[%run_scoped3A_155, %dma_start3A_157] : memref<8x128xi32, #tpu.memory_space<vmem>> -> memref<1x128xi32, #tpu.memory_space<vmem>>
        %dma_start3A_159 = tpu.memref_squeeze %dma_start3A_158 : memref<1x128xi32, #tpu.memory_space<vmem>> -> memref<128xi32, #tpu.memory_space<vmem>>
        %dma_start3A_160 = arith.constant 0 : i32
        %dma_start3A_161 = arith.constant 0 : i32
        %dma_start3A_162 = tpu.memref_slice %arg11[%dma_start3A_160, %dma_start3A_161] : memref<10112x128xf32, #tpu.memory_space<vmem_shared>> -> memref<10112x128xf32, #tpu.memory_space<vmem_shared>>
        tpu.enqueue_indirect_dma source(%arg10 : memref<128x128xf32, #tpu.memory_space<vmem>>) target(%dma_start3A_162 : memref<10112x128xf32, #tpu.memory_space<vmem_shared>>) offsets(%dma_start3A_159 : memref<128xi32, #tpu.memory_space<vmem>>) semaphore(%run_scoped3A_156 : memref<!tpu.dma_semaphore, #tpu.memory_space<semaphore_mem>>) {add = true}
        %dma_wait3A_163 = arith.constant 0 : i32
        %dma_wait3A_164 = tpu.memref_slice %arg8[%run_scoped3A_155, %dma_wait3A_163] : memref<8x128xi32, #tpu.memory_space<vmem>> -> memref<1x128xi32, #tpu.memory_space<vmem>>
        %dma_wait3A_165 = tpu.memref_squeeze %dma_wait3A_164 : memref<1x128xi32, #tpu.memory_space<vmem>> -> memref<128xi32, #tpu.memory_space<vmem>>
        %dma_wait3A_166 = arith.constant 0 : i32
        %dma_wait3A_167 = arith.constant 0 : i32
        %dma_wait3A_168 = tpu.memref_slice %arg11[%dma_wait3A_166, %dma_wait3A_167] : memref<10112x128xf32, #tpu.memory_space<vmem_shared>> -> memref<10112x128xf32, #tpu.memory_space<vmem_shared>>
        tpu.wait_indirect_dma semaphore(%run_scoped3A_156 : memref<!tpu.dma_semaphore, #tpu.memory_space<semaphore_mem>>) src(%arg10 : memref<128x128xf32, #tpu.memory_space<vmem>>) dst(%dma_wait3A_168 : memref<10112x128xf32, #tpu.memory_space<vmem_shared>>)
        tpu.yield
      }) : () -> ()
    }
    %while3A_28 = arith.constant 1 : i32
    scf.for %while3A_30 = %while3A_26 to %while3A_22 step %while3A_28  : i32 {
      %mul3A_31 = arith.muli %while3A_30, %while3A : i32
      %add3A_32 = arith.addi %while3A_19, %mul3A_31 : i32
      %mul3A_33 = arith.constant 8 : i32
      %mul3A_34 = arith.muli %add3A_32, %mul3A_33 : i32
      %add3A_35 = arith.addi %mul3A_10, %mul3A_34 : i32
      "tpu.region"() ({
        %run_scoped3A_156 = tpu.sem_alloc : memref<!tpu.dma_semaphore, #tpu.memory_space<semaphore_mem>>
        %dma_start3A_157 = arith.constant 0 : i32
        %dma_start3A_158 = tpu.memref_slice %arg3[%add3A_35, %dma_start3A_157] : memref<2560x128xi32, #tpu.memory_space<hbm>> -> memref<8x128xi32, #tpu.memory_space<hbm>>
        %dma_start3A_159 = arith.constant 0 : i32
        %dma_start3A_160 = tpu.memref_slice %arg3[%add3A_35, %dma_start3A_159] : memref<2560x128xi32, #tpu.memory_space<hbm>> -> memref<8x128xi32, #tpu.memory_space<hbm>>
        tpu.enqueue_dma source(%dma_start3A_160 : memref<8x128xi32, #tpu.memory_space<hbm>>) target(%arg7 : memref<8x128xi32, #tpu.memory_space<vmem>>) target_semaphore(%run_scoped3A_156 : memref<!tpu.dma_semaphore, #tpu.memory_space<semaphore_mem>>)
        %dma_wait3A_161 = arith.constant 0 : i32
        %dma_wait3A_162 = tpu.memref_slice %arg3[%add3A_35, %dma_wait3A_161] : memref<2560x128xi32, #tpu.memory_space<hbm>> -> memref<8x128xi32, #tpu.memory_space<hbm>>
        %dma_wait3A_163 = arith.constant 0 : i32
        %dma_wait3A_164 = tpu.memref_slice %arg3[%add3A_35, %dma_wait3A_163] : memref<2560x128xi32, #tpu.memory_space<hbm>> -> memref<8x128xi32, #tpu.memory_space<hbm>>
        tpu.wait_dma2 semaphore(%run_scoped3A_156 : memref<!tpu.dma_semaphore, #tpu.memory_space<semaphore_mem>>) src(%dma_wait3A_164 : memref<8x128xi32, #tpu.memory_space<hbm>>) dst(%arg7 : memref<8x128xi32, #tpu.memory_space<vmem>>)
        tpu.yield
      }) : () -> ()
      %mul3A_36 = arith.constant 8 : i32
      %mul3A_37 = arith.muli %add3A_32, %mul3A_36 : i32
      %add3A_38 = arith.addi %mul3A_10, %mul3A_37 : i32
      "tpu.region"() ({
        %run_scoped3A_156 = tpu.sem_alloc : memref<!tpu.dma_semaphore, #tpu.memory_space<semaphore_mem>>
        %dma_start3A_157 = arith.constant 0 : i32
        %dma_start3A_158 = tpu.memref_slice %arg4[%add3A_38, %dma_start3A_157] : memref<2560x128xi32, #tpu.memory_space<hbm>> -> memref<8x128xi32, #tpu.memory_space<hbm>>
        %dma_start3A_159 = arith.constant 0 : i32
        %dma_start3A_160 = tpu.memref_slice %arg4[%add3A_38, %dma_start3A_159] : memref<2560x128xi32, #tpu.memory_space<hbm>> -> memref<8x128xi32, #tpu.memory_space<hbm>>
        tpu.enqueue_dma source(%dma_start3A_160 : memref<8x128xi32, #tpu.memory_space<hbm>>) target(%arg8 : memref<8x128xi32, #tpu.memory_space<vmem>>) target_semaphore(%run_scoped3A_156 : memref<!tpu.dma_semaphore, #tpu.memory_space<semaphore_mem>>)
        %dma_wait3A_161 = arith.constant 0 : i32
        %dma_wait3A_162 = tpu.memref_slice %arg4[%add3A_38, %dma_wait3A_161] : memref<2560x128xi32, #tpu.memory_space<hbm>> -> memref<8x128xi32, #tpu.memory_space<hbm>>
        %dma_wait3A_163 = arith.constant 0 : i32
        %dma_wait3A_164 = tpu.memref_slice %arg4[%add3A_38, %dma_wait3A_163] : memref<2560x128xi32, #tpu.memory_space<hbm>> -> memref<8x128xi32, #tpu.memory_space<hbm>>
        tpu.wait_dma2 semaphore(%run_scoped3A_156 : memref<!tpu.dma_semaphore, #tpu.memory_space<semaphore_mem>>) src(%dma_wait3A_164 : memref<8x128xi32, #tpu.memory_space<hbm>>) dst(%arg8 : memref<8x128xi32, #tpu.memory_space<vmem>>)
        tpu.yield
      }) : () -> ()
      %dma_start3A = arith.constant 0 : i32
      %dma_start3A_39 = arith.constant 0 : i32
      %dma_start3A_40 = tpu.memref_slice %arg7[%dma_start3A, %dma_start3A_39] : memref<8x128xi32, #tpu.memory_space<vmem>> -> memref<1x128xi32, #tpu.memory_space<vmem>>
      %dma_start3A_41 = tpu.memref_squeeze %dma_start3A_40 : memref<1x128xi32, #tpu.memory_space<vmem>> -> memref<128xi32, #tpu.memory_space<vmem>>
      %dma_start3A_42 = arith.constant 0 : i32
      %dma_start3A_43 = arith.constant 0 : i32
      %dma_start3A_44 = tpu.memref_slice %arg2[%dma_start3A_42, %dma_start3A_43] : memref<10112x128xf32, #tpu.memory_space<hbm>> -> memref<10112x128xf32, #tpu.memory_space<hbm>>
      tpu.enqueue_indirect_dma source(%dma_start3A_44 : memref<10112x128xf32, #tpu.memory_space<hbm>>) target(%arg9 : memref<128x128xf32, #tpu.memory_space<vmem>>) offsets(%dma_start3A_41 : memref<128xi32, #tpu.memory_space<vmem>>) semaphore(%arg12 : memref<!tpu.dma_semaphore, #tpu.memory_space<semaphore_mem>>)
      %dma_start3A_45 = arith.constant 1 : i32
      %dma_start3A_46 = arith.constant 0 : i32
      %dma_start3A_47 = tpu.memref_slice %arg7[%dma_start3A_45, %dma_start3A_46] : memref<8x128xi32, #tpu.memory_space<vmem>> -> memref<1x128xi32, #tpu.memory_space<vmem>>
      %dma_start3A_48 = tpu.memref_squeeze %dma_start3A_47 : memref<1x128xi32, #tpu.memory_space<vmem>> -> memref<128xi32, #tpu.memory_space<vmem>>
      %dma_start3A_49 = arith.constant 0 : i32
      %dma_start3A_50 = arith.constant 0 : i32
      %dma_start3A_51 = tpu.memref_slice %arg2[%dma_start3A_49, %dma_start3A_50] : memref<10112x128xf32, #tpu.memory_space<hbm>> -> memref<10112x128xf32, #tpu.memory_space<hbm>>
      tpu.enqueue_indirect_dma source(%dma_start3A_51 : memref<10112x128xf32, #tpu.memory_space<hbm>>) target(%arg10 : memref<128x128xf32, #tpu.memory_space<vmem>>) offsets(%dma_start3A_48 : memref<128xi32, #tpu.memory_space<vmem>>) semaphore(%arg13 : memref<!tpu.dma_semaphore, #tpu.memory_space<semaphore_mem>>)
      %dma_wait3A = arith.constant 0 : i32
      %dma_wait3A_52 = arith.constant 0 : i32
      %dma_wait3A_53 = tpu.memref_slice %arg7[%dma_wait3A, %dma_wait3A_52] : memref<8x128xi32, #tpu.memory_space<vmem>> -> memref<1x128xi32, #tpu.memory_space<vmem>>
      %dma_wait3A_54 = tpu.memref_squeeze %dma_wait3A_53 : memref<1x128xi32, #tpu.memory_space<vmem>> -> memref<128xi32, #tpu.memory_space<vmem>>
      %dma_wait3A_55 = arith.constant 0 : i32
      %dma_wait3A_56 = arith.constant 0 : i32
      %dma_wait3A_57 = tpu.memref_slice %arg2[%dma_wait3A_55, %dma_wait3A_56] : memref<10112x128xf32, #tpu.memory_space<hbm>> -> memref<10112x128xf32, #tpu.memory_space<hbm>>
      tpu.wait_indirect_dma semaphore(%arg12 : memref<!tpu.dma_semaphore, #tpu.memory_space<semaphore_mem>>) src(%dma_wait3A_57 : memref<10112x128xf32, #tpu.memory_space<hbm>>) dst(%arg9 : memref<128x128xf32, #tpu.memory_space<vmem>>)
      %run_scoped3A = arith.constant 0 : i32
      "tpu.region"() ({
        %run_scoped3A_156 = tpu.sem_alloc : memref<!tpu.dma_semaphore, #tpu.memory_space<semaphore_mem>>
        %dma_start3A_157 = arith.constant 0 : i32
        %dma_start3A_158 = tpu.memref_slice %arg8[%run_scoped3A, %dma_start3A_157] : memref<8x128xi32, #tpu.memory_space<vmem>> -> memref<1x128xi32, #tpu.memory_space<vmem>>
        %dma_start3A_159 = tpu.memref_squeeze %dma_start3A_158 : memref<1x128xi32, #tpu.memory_space<vmem>> -> memref<128xi32, #tpu.memory_space<vmem>>
        %dma_start3A_160 = arith.constant 0 : i32
        %dma_start3A_161 = arith.constant 0 : i32
        %dma_start3A_162 = tpu.memref_slice %arg11[%dma_start3A_160, %dma_start3A_161] : memref<10112x128xf32, #tpu.memory_space<vmem_shared>> -> memref<10112x128xf32, #tpu.memory_space<vmem_shared>>
        tpu.enqueue_indirect_dma source(%arg9 : memref<128x128xf32, #tpu.memory_space<vmem>>) target(%dma_start3A_162 : memref<10112x128xf32, #tpu.memory_space<vmem_shared>>) offsets(%dma_start3A_159 : memref<128xi32, #tpu.memory_space<vmem>>) semaphore(%run_scoped3A_156 : memref<!tpu.dma_semaphore, #tpu.memory_space<semaphore_mem>>) {add = true}
        %dma_wait3A_163 = arith.constant 0 : i32
        %dma_wait3A_164 = tpu.memref_slice %arg8[%run_scoped3A, %dma_wait3A_163] : memref<8x128xi32, #tpu.memory_space<vmem>> -> memref<1x128xi32, #tpu.memory_space<vmem>>
        %dma_wait3A_165 = tpu.memref_squeeze %dma_wait3A_164 : memref<1x128xi32, #tpu.memory_space<vmem>> -> memref<128xi32, #tpu.memory_space<vmem>>
        %dma_wait3A_166 = arith.constant 0 : i32
        %dma_wait3A_167 = arith.constant 0 : i32
        %dma_wait3A_168 = tpu.memref_slice %arg11[%dma_wait3A_166, %dma_wait3A_167] : memref<10112x128xf32, #tpu.memory_space<vmem_shared>> -> memref<10112x128xf32, #tpu.memory_space<vmem_shared>>
        tpu.wait_indirect_dma semaphore(%run_scoped3A_156 : memref<!tpu.dma_semaphore, #tpu.memory_space<semaphore_mem>>) src(%arg9 : memref<128x128xf32, #tpu.memory_space<vmem>>) dst(%dma_wait3A_168 : memref<10112x128xf32, #tpu.memory_space<vmem_shared>>)
        tpu.yield
      }) : () -> ()
      %dma_start3A_58 = arith.constant 2 : i32
      %dma_start3A_59 = arith.constant 0 : i32
      %dma_start3A_60 = tpu.memref_slice %arg7[%dma_start3A_58, %dma_start3A_59] : memref<8x128xi32, #tpu.memory_space<vmem>> -> memref<1x128xi32, #tpu.memory_space<vmem>>
      %dma_start3A_61 = tpu.memref_squeeze %dma_start3A_60 : memref<1x128xi32, #tpu.memory_space<vmem>> -> memref<128xi32, #tpu.memory_space<vmem>>
      %dma_start3A_62 = arith.constant 0 : i32
      %dma_start3A_63 = arith.constant 0 : i32
      %dma_start3A_64 = tpu.memref_slice %arg2[%dma_start3A_62, %dma_start3A_63] : memref<10112x128xf32, #tpu.memory_space<hbm>> -> memref<10112x128xf32, #tpu.memory_space<hbm>>
      tpu.enqueue_indirect_dma source(%dma_start3A_64 : memref<10112x128xf32, #tpu.memory_space<hbm>>) target(%arg9 : memref<128x128xf32, #tpu.memory_space<vmem>>) offsets(%dma_start3A_61 : memref<128xi32, #tpu.memory_space<vmem>>) semaphore(%arg12 : memref<!tpu.dma_semaphore, #tpu.memory_space<semaphore_mem>>)
      %dma_wait3A_65 = arith.constant 1 : i32
      %dma_wait3A_66 = arith.constant 0 : i32
      %dma_wait3A_67 = tpu.memref_slice %arg7[%dma_wait3A_65, %dma_wait3A_66] : memref<8x128xi32, #tpu.memory_space<vmem>> -> memref<1x128xi32, #tpu.memory_space<vmem>>
      %dma_wait3A_68 = tpu.memref_squeeze %dma_wait3A_67 : memref<1x128xi32, #tpu.memory_space<vmem>> -> memref<128xi32, #tpu.memory_space<vmem>>
      %dma_wait3A_69 = arith.constant 0 : i32
      %dma_wait3A_70 = arith.constant 0 : i32
      %dma_wait3A_71 = tpu.memref_slice %arg2[%dma_wait3A_69, %dma_wait3A_70] : memref<10112x128xf32, #tpu.memory_space<hbm>> -> memref<10112x128xf32, #tpu.memory_space<hbm>>
      tpu.wait_indirect_dma semaphore(%arg13 : memref<!tpu.dma_semaphore, #tpu.memory_space<semaphore_mem>>) src(%dma_wait3A_71 : memref<10112x128xf32, #tpu.memory_space<hbm>>) dst(%arg10 : memref<128x128xf32, #tpu.memory_space<vmem>>)
      %run_scoped3A_72 = arith.constant 1 : i32
      "tpu.region"() ({
        %run_scoped3A_156 = tpu.sem_alloc : memref<!tpu.dma_semaphore, #tpu.memory_space<semaphore_mem>>
        %dma_start3A_157 = arith.constant 0 : i32
        %dma_start3A_158 = tpu.memref_slice %arg8[%run_scoped3A_72, %dma_start3A_157] : memref<8x128xi32, #tpu.memory_space<vmem>> -> memref<1x128xi32, #tpu.memory_space<vmem>>
        %dma_start3A_159 = tpu.memref_squeeze %dma_start3A_158 : memref<1x128xi32, #tpu.memory_space<vmem>> -> memref<128xi32, #tpu.memory_space<vmem>>
        %dma_start3A_160 = arith.constant 0 : i32
        %dma_start3A_161 = arith.constant 0 : i32
        %dma_start3A_162 = tpu.memref_slice %arg11[%dma_start3A_160, %dma_start3A_161] : memref<10112x128xf32, #tpu.memory_space<vmem_shared>> -> memref<10112x128xf32, #tpu.memory_space<vmem_shared>>
        tpu.enqueue_indirect_dma source(%arg10 : memref<128x128xf32, #tpu.memory_space<vmem>>) target(%dma_start3A_162 : memref<10112x128xf32, #tpu.memory_space<vmem_shared>>) offsets(%dma_start3A_159 : memref<128xi32, #tpu.memory_space<vmem>>) semaphore(%run_scoped3A_156 : memref<!tpu.dma_semaphore, #tpu.memory_space<semaphore_mem>>) {add = true}
        %dma_wait3A_163 = arith.constant 0 : i32
        %dma_wait3A_164 = tpu.memref_slice %arg8[%run_scoped3A_72, %dma_wait3A_163] : memref<8x128xi32, #tpu.memory_space<vmem>> -> memref<1x128xi32, #tpu.memory_space<vmem>>
        %dma_wait3A_165 = tpu.memref_squeeze %dma_wait3A_164 : memref<1x128xi32, #tpu.memory_space<vmem>> -> memref<128xi32, #tpu.memory_space<vmem>>
        %dma_wait3A_166 = arith.constant 0 : i32
        %dma_wait3A_167 = arith.constant 0 : i32
        %dma_wait3A_168 = tpu.memref_slice %arg11[%dma_wait3A_166, %dma_wait3A_167] : memref<10112x128xf32, #tpu.memory_space<vmem_shared>> -> memref<10112x128xf32, #tpu.memory_space<vmem_shared>>
        tpu.wait_indirect_dma semaphore(%run_scoped3A_156 : memref<!tpu.dma_semaphore, #tpu.memory_space<semaphore_mem>>) src(%arg10 : memref<128x128xf32, #tpu.memory_space<vmem>>) dst(%dma_wait3A_168 : memref<10112x128xf32, #tpu.memory_space<vmem_shared>>)
        tpu.yield
      }) : () -> ()
      %dma_start3A_73 = arith.constant 3 : i32
      %dma_start3A_74 = arith.constant 0 : i32
      %dma_start3A_75 = tpu.memref_slice %arg7[%dma_start3A_73, %dma_start3A_74] : memref<8x128xi32, #tpu.memory_space<vmem>> -> memref<1x128xi32, #tpu.memory_space<vmem>>
      %dma_start3A_76 = tpu.memref_squeeze %dma_start3A_75 : memref<1x128xi32, #tpu.memory_space<vmem>> -> memref<128xi32, #tpu.memory_space<vmem>>
      %dma_start3A_77 = arith.constant 0 : i32
      %dma_start3A_78 = arith.constant 0 : i32
      %dma_start3A_79 = tpu.memref_slice %arg2[%dma_start3A_77, %dma_start3A_78] : memref<10112x128xf32, #tpu.memory_space<hbm>> -> memref<10112x128xf32, #tpu.memory_space<hbm>>
      tpu.enqueue_indirect_dma source(%dma_start3A_79 : memref<10112x128xf32, #tpu.memory_space<hbm>>) target(%arg10 : memref<128x128xf32, #tpu.memory_space<vmem>>) offsets(%dma_start3A_76 : memref<128xi32, #tpu.memory_space<vmem>>) semaphore(%arg13 : memref<!tpu.dma_semaphore, #tpu.memory_space<semaphore_mem>>)
      %dma_wait3A_80 = arith.constant 2 : i32
      %dma_wait3A_81 = arith.constant 0 : i32
      %dma_wait3A_82 = tpu.memref_slice %arg7[%dma_wait3A_80, %dma_wait3A_81] : memref<8x128xi32, #tpu.memory_space<vmem>> -> memref<1x128xi32, #tpu.memory_space<vmem>>
      %dma_wait3A_83 = tpu.memref_squeeze %dma_wait3A_82 : memref<1x128xi32, #tpu.memory_space<vmem>> -> memref<128xi32, #tpu.memory_space<vmem>>
      %dma_wait3A_84 = arith.constant 0 : i32
      %dma_wait3A_85 = arith.constant 0 : i32
      %dma_wait3A_86 = tpu.memref_slice %arg2[%dma_wait3A_84, %dma_wait3A_85] : memref<10112x128xf32, #tpu.memory_space<hbm>> -> memref<10112x128xf32, #tpu.memory_space<hbm>>
      tpu.wait_indirect_dma semaphore(%arg12 : memref<!tpu.dma_semaphore, #tpu.memory_space<semaphore_mem>>) src(%dma_wait3A_86 : memref<10112x128xf32, #tpu.memory_space<hbm>>) dst(%arg9 : memref<128x128xf32, #tpu.memory_space<vmem>>)
      %run_scoped3A_87 = arith.constant 2 : i32
      "tpu.region"() ({
        %run_scoped3A_156 = tpu.sem_alloc : memref<!tpu.dma_semaphore, #tpu.memory_space<semaphore_mem>>
        %dma_start3A_157 = arith.constant 0 : i32
        %dma_start3A_158 = tpu.memref_slice %arg8[%run_scoped3A_87, %dma_start3A_157] : memref<8x128xi32, #tpu.memory_space<vmem>> -> memref<1x128xi32, #tpu.memory_space<vmem>>
        %dma_start3A_159 = tpu.memref_squeeze %dma_start3A_158 : memref<1x128xi32, #tpu.memory_space<vmem>> -> memref<128xi32, #tpu.memory_space<vmem>>
        %dma_start3A_160 = arith.constant 0 : i32
        %dma_start3A_161 = arith.constant 0 : i32
        %dma_start3A_162 = tpu.memref_slice %arg11[%dma_start3A_160, %dma_start3A_161] : memref<10112x128xf32, #tpu.memory_space<vmem_shared>> -> memref<10112x128xf32, #tpu.memory_space<vmem_shared>>
        tpu.enqueue_indirect_dma source(%arg9 : memref<128x128xf32, #tpu.memory_space<vmem>>) target(%dma_start3A_162 : memref<10112x128xf32, #tpu.memory_space<vmem_shared>>) offsets(%dma_start3A_159 : memref<128xi32, #tpu.memory_space<vmem>>) semaphore(%run_scoped3A_156 : memref<!tpu.dma_semaphore, #tpu.memory_space<semaphore_mem>>) {add = true}
        %dma_wait3A_163 = arith.constant 0 : i32
        %dma_wait3A_164 = tpu.memref_slice %arg8[%run_scoped3A_87, %dma_wait3A_163] : memref<8x128xi32, #tpu.memory_space<vmem>> -> memref<1x128xi32, #tpu.memory_space<vmem>>
        %dma_wait3A_165 = tpu.memref_squeeze %dma_wait3A_164 : memref<1x128xi32, #tpu.memory_space<vmem>> -> memref<128xi32, #tpu.memory_space<vmem>>
        %dma_wait3A_166 = arith.constant 0 : i32
        %dma_wait3A_167 = arith.constant 0 : i32
        %dma_wait3A_168 = tpu.memref_slice %arg11[%dma_wait3A_166, %dma_wait3A_167] : memref<10112x128xf32, #tpu.memory_space<vmem_shared>> -> memref<10112x128xf32, #tpu.memory_space<vmem_shared>>
        tpu.wait_indirect_dma semaphore(%run_scoped3A_156 : memref<!tpu.dma_semaphore, #tpu.memory_space<semaphore_mem>>) src(%arg9 : memref<128x128xf32, #tpu.memory_space<vmem>>) dst(%dma_wait3A_168 : memref<10112x128xf32, #tpu.memory_space<vmem_shared>>)
        tpu.yield
      }) : () -> ()
      %dma_start3A_88 = arith.constant 4 : i32
      %dma_start3A_89 = arith.constant 0 : i32
      %dma_start3A_90 = tpu.memref_slice %arg7[%dma_start3A_88, %dma_start3A_89] : memref<8x128xi32, #tpu.memory_space<vmem>> -> memref<1x128xi32, #tpu.memory_space<vmem>>
      %dma_start3A_91 = tpu.memref_squeeze %dma_start3A_90 : memref<1x128xi32, #tpu.memory_space<vmem>> -> memref<128xi32, #tpu.memory_space<vmem>>
      %dma_start3A_92 = arith.constant 0 : i32
      %dma_start3A_93 = arith.constant 0 : i32
      %dma_start3A_94 = tpu.memref_slice %arg2[%dma_start3A_92, %dma_start3A_93] : memref<10112x128xf32, #tpu.memory_space<hbm>> -> memref<10112x128xf32, #tpu.memory_space<hbm>>
      tpu.enqueue_indirect_dma source(%dma_start3A_94 : memref<10112x128xf32, #tpu.memory_space<hbm>>) target(%arg9 : memref<128x128xf32, #tpu.memory_space<vmem>>) offsets(%dma_start3A_91 : memref<128xi32, #tpu.memory_space<vmem>>) semaphore(%arg12 : memref<!tpu.dma_semaphore, #tpu.memory_space<semaphore_mem>>)
      %dma_wait3A_95 = arith.constant 3 : i32
      %dma_wait3A_96 = arith.constant 0 : i32
      %dma_wait3A_97 = tpu.memref_slice %arg7[%dma_wait3A_95, %dma_wait3A_96] : memref<8x128xi32, #tpu.memory_space<vmem>> -> memref<1x128xi32, #tpu.memory_space<vmem>>
      %dma_wait3A_98 = tpu.memref_squeeze %dma_wait3A_97 : memref<1x128xi32, #tpu.memory_space<vmem>> -> memref<128xi32, #tpu.memory_space<vmem>>
      %dma_wait3A_99 = arith.constant 0 : i32
      %dma_wait3A_100 = arith.constant 0 : i32
      %dma_wait3A_101 = tpu.memref_slice %arg2[%dma_wait3A_99, %dma_wait3A_100] : memref<10112x128xf32, #tpu.memory_space<hbm>> -> memref<10112x128xf32, #tpu.memory_space<hbm>>
      tpu.wait_indirect_dma semaphore(%arg13 : memref<!tpu.dma_semaphore, #tpu.memory_space<semaphore_mem>>) src(%dma_wait3A_101 : memref<10112x128xf32, #tpu.memory_space<hbm>>) dst(%arg10 : memref<128x128xf32, #tpu.memory_space<vmem>>)
      %run_scoped3A_102 = arith.constant 3 : i32
      "tpu.region"() ({
        %run_scoped3A_156 = tpu.sem_alloc : memref<!tpu.dma_semaphore, #tpu.memory_space<semaphore_mem>>
        %dma_start3A_157 = arith.constant 0 : i32
        %dma_start3A_158 = tpu.memref_slice %arg8[%run_scoped3A_102, %dma_start3A_157] : memref<8x128xi32, #tpu.memory_space<vmem>> -> memref<1x128xi32, #tpu.memory_space<vmem>>
        %dma_start3A_159 = tpu.memref_squeeze %dma_start3A_158 : memref<1x128xi32, #tpu.memory_space<vmem>> -> memref<128xi32, #tpu.memory_space<vmem>>
        %dma_start3A_160 = arith.constant 0 : i32
        %dma_start3A_161 = arith.constant 0 : i32
        %dma_start3A_162 = tpu.memref_slice %arg11[%dma_start3A_160, %dma_start3A_161] : memref<10112x128xf32, #tpu.memory_space<vmem_shared>> -> memref<10112x128xf32, #tpu.memory_space<vmem_shared>>
        tpu.enqueue_indirect_dma source(%arg10 : memref<128x128xf32, #tpu.memory_space<vmem>>) target(%dma_start3A_162 : memref<10112x128xf32, #tpu.memory_space<vmem_shared>>) offsets(%dma_start3A_159 : memref<128xi32, #tpu.memory_space<vmem>>) semaphore(%run_scoped3A_156 : memref<!tpu.dma_semaphore, #tpu.memory_space<semaphore_mem>>) {add = true}
        %dma_wait3A_163 = arith.constant 0 : i32
        %dma_wait3A_164 = tpu.memref_slice %arg8[%run_scoped3A_102, %dma_wait3A_163] : memref<8x128xi32, #tpu.memory_space<vmem>> -> memref<1x128xi32, #tpu.memory_space<vmem>>
        %dma_wait3A_165 = tpu.memref_squeeze %dma_wait3A_164 : memref<1x128xi32, #tpu.memory_space<vmem>> -> memref<128xi32, #tpu.memory_space<vmem>>
        %dma_wait3A_166 = arith.constant 0 : i32
        %dma_wait3A_167 = arith.constant 0 : i32
        %dma_wait3A_168 = tpu.memref_slice %arg11[%dma_wait3A_166, %dma_wait3A_167] : memref<10112x128xf32, #tpu.memory_space<vmem_shared>> -> memref<10112x128xf32, #tpu.memory_space<vmem_shared>>
        tpu.wait_indirect_dma semaphore(%run_scoped3A_156 : memref<!tpu.dma_semaphore, #tpu.memory_space<semaphore_mem>>) src(%arg10 : memref<128x128xf32, #tpu.memory_space<vmem>>) dst(%dma_wait3A_168 : memref<10112x128xf32, #tpu.memory_space<vmem_shared>>)
        tpu.yield
      }) : () -> ()
      %dma_start3A_103 = arith.constant 5 : i32
      %dma_start3A_104 = arith.constant 0 : i32
      %dma_start3A_105 = tpu.memref_slice %arg7[%dma_start3A_103, %dma_start3A_104] : memref<8x128xi32, #tpu.memory_space<vmem>> -> memref<1x128xi32, #tpu.memory_space<vmem>>
      %dma_start3A_106 = tpu.memref_squeeze %dma_start3A_105 : memref<1x128xi32, #tpu.memory_space<vmem>> -> memref<128xi32, #tpu.memory_space<vmem>>
      %dma_start3A_107 = arith.constant 0 : i32
      %dma_start3A_108 = arith.constant 0 : i32
      %dma_start3A_109 = tpu.memref_slice %arg2[%dma_start3A_107, %dma_start3A_108] : memref<10112x128xf32, #tpu.memory_space<hbm>> -> memref<10112x128xf32, #tpu.memory_space<hbm>>
      tpu.enqueue_indirect_dma source(%dma_start3A_109 : memref<10112x128xf32, #tpu.memory_space<hbm>>) target(%arg10 : memref<128x128xf32, #tpu.memory_space<vmem>>) offsets(%dma_start3A_106 : memref<128xi32, #tpu.memory_space<vmem>>) semaphore(%arg13 : memref<!tpu.dma_semaphore, #tpu.memory_space<semaphore_mem>>)
      %dma_wait3A_110 = arith.constant 4 : i32
      %dma_wait3A_111 = arith.constant 0 : i32
      %dma_wait3A_112 = tpu.memref_slice %arg7[%dma_wait3A_110, %dma_wait3A_111] : memref<8x128xi32, #tpu.memory_space<vmem>> -> memref<1x128xi32, #tpu.memory_space<vmem>>
      %dma_wait3A_113 = tpu.memref_squeeze %dma_wait3A_112 : memref<1x128xi32, #tpu.memory_space<vmem>> -> memref<128xi32, #tpu.memory_space<vmem>>
      %dma_wait3A_114 = arith.constant 0 : i32
      %dma_wait3A_115 = arith.constant 0 : i32
      %dma_wait3A_116 = tpu.memref_slice %arg2[%dma_wait3A_114, %dma_wait3A_115] : memref<10112x128xf32, #tpu.memory_space<hbm>> -> memref<10112x128xf32, #tpu.memory_space<hbm>>
      tpu.wait_indirect_dma semaphore(%arg12 : memref<!tpu.dma_semaphore, #tpu.memory_space<semaphore_mem>>) src(%dma_wait3A_116 : memref<10112x128xf32, #tpu.memory_space<hbm>>) dst(%arg9 : memref<128x128xf32, #tpu.memory_space<vmem>>)
      %run_scoped3A_117 = arith.constant 4 : i32
      "tpu.region"() ({
        %run_scoped3A_156 = tpu.sem_alloc : memref<!tpu.dma_semaphore, #tpu.memory_space<semaphore_mem>>
        %dma_start3A_157 = arith.constant 0 : i32
        %dma_start3A_158 = tpu.memref_slice %arg8[%run_scoped3A_117, %dma_start3A_157] : memref<8x128xi32, #tpu.memory_space<vmem>> -> memref<1x128xi32, #tpu.memory_space<vmem>>
        %dma_start3A_159 = tpu.memref_squeeze %dma_start3A_158 : memref<1x128xi32, #tpu.memory_space<vmem>> -> memref<128xi32, #tpu.memory_space<vmem>>
        %dma_start3A_160 = arith.constant 0 : i32
        %dma_start3A_161 = arith.constant 0 : i32
        %dma_start3A_162 = tpu.memref_slice %arg11[%dma_start3A_160, %dma_start3A_161] : memref<10112x128xf32, #tpu.memory_space<vmem_shared>> -> memref<10112x128xf32, #tpu.memory_space<vmem_shared>>
        tpu.enqueue_indirect_dma source(%arg9 : memref<128x128xf32, #tpu.memory_space<vmem>>) target(%dma_start3A_162 : memref<10112x128xf32, #tpu.memory_space<vmem_shared>>) offsets(%dma_start3A_159 : memref<128xi32, #tpu.memory_space<vmem>>) semaphore(%run_scoped3A_156 : memref<!tpu.dma_semaphore, #tpu.memory_space<semaphore_mem>>) {add = true}
        %dma_wait3A_163 = arith.constant 0 : i32
        %dma_wait3A_164 = tpu.memref_slice %arg8[%run_scoped3A_117, %dma_wait3A_163] : memref<8x128xi32, #tpu.memory_space<vmem>> -> memref<1x128xi32, #tpu.memory_space<vmem>>
        %dma_wait3A_165 = tpu.memref_squeeze %dma_wait3A_164 : memref<1x128xi32, #tpu.memory_space<vmem>> -> memref<128xi32, #tpu.memory_space<vmem>>
        %dma_wait3A_166 = arith.constant 0 : i32
        %dma_wait3A_167 = arith.constant 0 : i32
        %dma_wait3A_168 = tpu.memref_slice %arg11[%dma_wait3A_166, %dma_wait3A_167] : memref<10112x128xf32, #tpu.memory_space<vmem_shared>> -> memref<10112x128xf32, #tpu.memory_space<vmem_shared>>
        tpu.wait_indirect_dma semaphore(%run_scoped3A_156 : memref<!tpu.dma_semaphore, #tpu.memory_space<semaphore_mem>>) src(%arg9 : memref<128x128xf32, #tpu.memory_space<vmem>>) dst(%dma_wait3A_168 : memref<10112x128xf32, #tpu.memory_space<vmem_shared>>)
        tpu.yield
      }) : () -> ()
      %dma_start3A_118 = arith.constant 6 : i32
      %dma_start3A_119 = arith.constant 0 : i32
      %dma_start3A_120 = tpu.memref_slice %arg7[%dma_start3A_118, %dma_start3A_119] : memref<8x128xi32, #tpu.memory_space<vmem>> -> memref<1x128xi32, #tpu.memory_space<vmem>>
      %dma_start3A_121 = tpu.memref_squeeze %dma_start3A_120 : memref<1x128xi32, #tpu.memory_space<vmem>> -> memref<128xi32, #tpu.memory_space<vmem>>
      %dma_start3A_122 = arith.constant 0 : i32
      %dma_start3A_123 = arith.constant 0 : i32
      %dma_start3A_124 = tpu.memref_slice %arg2[%dma_start3A_122, %dma_start3A_123] : memref<10112x128xf32, #tpu.memory_space<hbm>> -> memref<10112x128xf32, #tpu.memory_space<hbm>>
      tpu.enqueue_indirect_dma source(%dma_start3A_124 : memref<10112x128xf32, #tpu.memory_space<hbm>>) target(%arg9 : memref<128x128xf32, #tpu.memory_space<vmem>>) offsets(%dma_start3A_121 : memref<128xi32, #tpu.memory_space<vmem>>) semaphore(%arg12 : memref<!tpu.dma_semaphore, #tpu.memory_space<semaphore_mem>>)
      %dma_wait3A_125 = arith.constant 5 : i32
      %dma_wait3A_126 = arith.constant 0 : i32
      %dma_wait3A_127 = tpu.memref_slice %arg7[%dma_wait3A_125, %dma_wait3A_126] : memref<8x128xi32, #tpu.memory_space<vmem>> -> memref<1x128xi32, #tpu.memory_space<vmem>>
      %dma_wait3A_128 = tpu.memref_squeeze %dma_wait3A_127 : memref<1x128xi32, #tpu.memory_space<vmem>> -> memref<128xi32, #tpu.memory_space<vmem>>
      %dma_wait3A_129 = arith.constant 0 : i32
      %dma_wait3A_130 = arith.constant 0 : i32
      %dma_wait3A_131 = tpu.memref_slice %arg2[%dma_wait3A_129, %dma_wait3A_130] : memref<10112x128xf32, #tpu.memory_space<hbm>> -> memref<10112x128xf32, #tpu.memory_space<hbm>>
      tpu.wait_indirect_dma semaphore(%arg13 : memref<!tpu.dma_semaphore, #tpu.memory_space<semaphore_mem>>) src(%dma_wait3A_131 : memref<10112x128xf32, #tpu.memory_space<hbm>>) dst(%arg10 : memref<128x128xf32, #tpu.memory_space<vmem>>)
      %run_scoped3A_132 = arith.constant 5 : i32
      "tpu.region"() ({
        %run_scoped3A_156 = tpu.sem_alloc : memref<!tpu.dma_semaphore, #tpu.memory_space<semaphore_mem>>
        %dma_start3A_157 = arith.constant 0 : i32
        %dma_start3A_158 = tpu.memref_slice %arg8[%run_scoped3A_132, %dma_start3A_157] : memref<8x128xi32, #tpu.memory_space<vmem>> -> memref<1x128xi32, #tpu.memory_space<vmem>>
        %dma_start3A_159 = tpu.memref_squeeze %dma_start3A_158 : memref<1x128xi32, #tpu.memory_space<vmem>> -> memref<128xi32, #tpu.memory_space<vmem>>
        %dma_start3A_160 = arith.constant 0 : i32
        %dma_start3A_161 = arith.constant 0 : i32
        %dma_start3A_162 = tpu.memref_slice %arg11[%dma_start3A_160, %dma_start3A_161] : memref<10112x128xf32, #tpu.memory_space<vmem_shared>> -> memref<10112x128xf32, #tpu.memory_space<vmem_shared>>
        tpu.enqueue_indirect_dma source(%arg10 : memref<128x128xf32, #tpu.memory_space<vmem>>) target(%dma_start3A_162 : memref<10112x128xf32, #tpu.memory_space<vmem_shared>>) offsets(%dma_start3A_159 : memref<128xi32, #tpu.memory_space<vmem>>) semaphore(%run_scoped3A_156 : memref<!tpu.dma_semaphore, #tpu.memory_space<semaphore_mem>>) {add = true}
        %dma_wait3A_163 = arith.constant 0 : i32
        %dma_wait3A_164 = tpu.memref_slice %arg8[%run_scoped3A_132, %dma_wait3A_163] : memref<8x128xi32, #tpu.memory_space<vmem>> -> memref<1x128xi32, #tpu.memory_space<vmem>>
        %dma_wait3A_165 = tpu.memref_squeeze %dma_wait3A_164 : memref<1x128xi32, #tpu.memory_space<vmem>> -> memref<128xi32, #tpu.memory_space<vmem>>
        %dma_wait3A_166 = arith.constant 0 : i32
        %dma_wait3A_167 = arith.constant 0 : i32
        %dma_wait3A_168 = tpu.memref_slice %arg11[%dma_wait3A_166, %dma_wait3A_167] : memref<10112x128xf32, #tpu.memory_space<vmem_shared>> -> memref<10112x128xf32, #tpu.memory_space<vmem_shared>>
        tpu.wait_indirect_dma semaphore(%run_scoped3A_156 : memref<!tpu.dma_semaphore, #tpu.memory_space<semaphore_mem>>) src(%arg10 : memref<128x128xf32, #tpu.memory_space<vmem>>) dst(%dma_wait3A_168 : memref<10112x128xf32, #tpu.memory_space<vmem_shared>>)
        tpu.yield
      }) : () -> ()
      %dma_start3A_133 = arith.constant 7 : i32
      %dma_start3A_134 = arith.constant 0 : i32
      %dma_start3A_135 = tpu.memref_slice %arg7[%dma_start3A_133, %dma_start3A_134] : memref<8x128xi32, #tpu.memory_space<vmem>> -> memref<1x128xi32, #tpu.memory_space<vmem>>
      %dma_start3A_136 = tpu.memref_squeeze %dma_start3A_135 : memref<1x128xi32, #tpu.memory_space<vmem>> -> memref<128xi32, #tpu.memory_space<vmem>>
      %dma_start3A_137 = arith.constant 0 : i32
      %dma_start3A_138 = arith.constant 0 : i32
      %dma_start3A_139 = tpu.memref_slice %arg2[%dma_start3A_137, %dma_start3A_138] : memref<10112x128xf32, #tpu.memory_space<hbm>> -> memref<10112x128xf32, #tpu.memory_space<hbm>>
      tpu.enqueue_indirect_dma source(%dma_start3A_139 : memref<10112x128xf32, #tpu.memory_space<hbm>>) target(%arg10 : memref<128x128xf32, #tpu.memory_space<vmem>>) offsets(%dma_start3A_136 : memref<128xi32, #tpu.memory_space<vmem>>) semaphore(%arg13 : memref<!tpu.dma_semaphore, #tpu.memory_space<semaphore_mem>>)
      %dma_wait3A_140 = arith.constant 6 : i32
      %dma_wait3A_141 = arith.constant 0 : i32
      %dma_wait3A_142 = tpu.memref_slice %arg7[%dma_wait3A_140, %dma_wait3A_141] : memref<8x128xi32, #tpu.memory_space<vmem>> -> memref<1x128xi32, #tpu.memory_space<vmem>>
      %dma_wait3A_143 = tpu.memref_squeeze %dma_wait3A_142 : memref<1x128xi32, #tpu.memory_space<vmem>> -> memref<128xi32, #tpu.memory_space<vmem>>
      %dma_wait3A_144 = arith.constant 0 : i32
      %dma_wait3A_145 = arith.constant 0 : i32
      %dma_wait3A_146 = tpu.memref_slice %arg2[%dma_wait3A_144, %dma_wait3A_145] : memref<10112x128xf32, #tpu.memory_space<hbm>> -> memref<10112x128xf32, #tpu.memory_space<hbm>>
      tpu.wait_indirect_dma semaphore(%arg12 : memref<!tpu.dma_semaphore, #tpu.memory_space<semaphore_mem>>) src(%dma_wait3A_146 : memref<10112x128xf32, #tpu.memory_space<hbm>>) dst(%arg9 : memref<128x128xf32, #tpu.memory_space<vmem>>)
      %run_scoped3A_147 = arith.constant 6 : i32
      "tpu.region"() ({
        %run_scoped3A_156 = tpu.sem_alloc : memref<!tpu.dma_semaphore, #tpu.memory_space<semaphore_mem>>
        %dma_start3A_157 = arith.constant 0 : i32
        %dma_start3A_158 = tpu.memref_slice %arg8[%run_scoped3A_147, %dma_start3A_157] : memref<8x128xi32, #tpu.memory_space<vmem>> -> memref<1x128xi32, #tpu.memory_space<vmem>>
        %dma_start3A_159 = tpu.memref_squeeze %dma_start3A_158 : memref<1x128xi32, #tpu.memory_space<vmem>> -> memref<128xi32, #tpu.memory_space<vmem>>
        %dma_start3A_160 = arith.constant 0 : i32
        %dma_start3A_161 = arith.constant 0 : i32
        %dma_start3A_162 = tpu.memref_slice %arg11[%dma_start3A_160, %dma_start3A_161] : memref<10112x128xf32, #tpu.memory_space<vmem_shared>> -> memref<10112x128xf32, #tpu.memory_space<vmem_shared>>
        tpu.enqueue_indirect_dma source(%arg9 : memref<128x128xf32, #tpu.memory_space<vmem>>) target(%dma_start3A_162 : memref<10112x128xf32, #tpu.memory_space<vmem_shared>>) offsets(%dma_start3A_159 : memref<128xi32, #tpu.memory_space<vmem>>) semaphore(%run_scoped3A_156 : memref<!tpu.dma_semaphore, #tpu.memory_space<semaphore_mem>>) {add = true}
        %dma_wait3A_163 = arith.constant 0 : i32
        %dma_wait3A_164 = tpu.memref_slice %arg8[%run_scoped3A_147, %dma_wait3A_163] : memref<8x128xi32, #tpu.memory_space<vmem>> -> memref<1x128xi32, #tpu.memory_space<vmem>>
        %dma_wait3A_165 = tpu.memref_squeeze %dma_wait3A_164 : memref<1x128xi32, #tpu.memory_space<vmem>> -> memref<128xi32, #tpu.memory_space<vmem>>
        %dma_wait3A_166 = arith.constant 0 : i32
        %dma_wait3A_167 = arith.constant 0 : i32
        %dma_wait3A_168 = tpu.memref_slice %arg11[%dma_wait3A_166, %dma_wait3A_167] : memref<10112x128xf32, #tpu.memory_space<vmem_shared>> -> memref<10112x128xf32, #tpu.memory_space<vmem_shared>>
        tpu.wait_indirect_dma semaphore(%run_scoped3A_156 : memref<!tpu.dma_semaphore, #tpu.memory_space<semaphore_mem>>) src(%arg9 : memref<128x128xf32, #tpu.memory_space<vmem>>) dst(%dma_wait3A_168 : memref<10112x128xf32, #tpu.memory_space<vmem_shared>>)
        tpu.yield
      }) : () -> ()
      %dma_wait3A_148 = arith.constant 7 : i32
      %dma_wait3A_149 = arith.constant 0 : i32
      %dma_wait3A_150 = tpu.memref_slice %arg7[%dma_wait3A_148, %dma_wait3A_149] : memref<8x128xi32, #tpu.memory_space<vmem>> -> memref<1x128xi32, #tpu.memory_space<vmem>>
      %dma_wait3A_151 = tpu.memref_squeeze %dma_wait3A_150 : memref<1x128xi32, #tpu.memory_space<vmem>> -> memref<128xi32, #tpu.memory_space<vmem>>
      %dma_wait3A_152 = arith.constant 0 : i32
      %dma_wait3A_153 = arith.constant 0 : i32
      %dma_wait3A_154 = tpu.memref_slice %arg2[%dma_wait3A_152, %dma_wait3A_153] : memref<10112x128xf32, #tpu.memory_space<hbm>> -> memref<10112x128xf32, #tpu.memory_space<hbm>>
      tpu.wait_indirect_dma semaphore(%arg13 : memref<!tpu.dma_semaphore, #tpu.memory_space<semaphore_mem>>) src(%dma_wait3A_154 : memref<10112x128xf32, #tpu.memory_space<hbm>>) dst(%arg10 : memref<128x128xf32, #tpu.memory_space<vmem>>)
      %run_scoped3A_155 = arith.constant 7 : i32
      "tpu.region"() ({
        %run_scoped3A_156 = tpu.sem_alloc : memref<!tpu.dma_semaphore, #tpu.memory_space<semaphore_mem>>
        %dma_start3A_157 = arith.constant 0 : i32
        %dma_start3A_158 = tpu.memref_slice %arg8[%run_scoped3A_155, %dma_start3A_157] : memref<8x128xi32, #tpu.memory_space<vmem>> -> memref<1x128xi32, #tpu.memory_space<vmem>>
        %dma_start3A_159 = tpu.memref_squeeze %dma_start3A_158 : memref<1x128xi32, #tpu.memory_space<vmem>> -> memref<128xi32, #tpu.memory_space<vmem>>
        %dma_start3A_160 = arith.constant 0 : i32
        %dma_start3A_161 = arith.constant 0 : i32
        %dma_start3A_162 = tpu.memref_slice %arg11[%dma_start3A_160, %dma_start3A_161] : memref<10112x128xf32, #tpu.memory_space<vmem_shared>> -> memref<10112x128xf32, #tpu.memory_space<vmem_shared>>
        tpu.enqueue_indirect_dma source(%arg10 : memref<128x128xf32, #tpu.memory_space<vmem>>) target(%dma_start3A_162 : memref<10112x128xf32, #tpu.memory_space<vmem_shared>>) offsets(%dma_start3A_159 : memref<128xi32, #tpu.memory_space<vmem>>) semaphore(%run_scoped3A_156 : memref<!tpu.dma_semaphore, #tpu.memory_space<semaphore_mem>>) {add = true}
        %dma_wait3A_163 = arith.constant 0 : i32
        %dma_wait3A_164 = tpu.memref_slice %arg8[%run_scoped3A_155, %dma_wait3A_163] : memref<8x128xi32, #tpu.memory_space<vmem>> -> memref<1x128xi32, #tpu.memory_space<vmem>>
        %dma_wait3A_165 = tpu.memref_squeeze %dma_wait3A_164 : memref<1x128xi32, #tpu.memory_space<vmem>> -> memref<128xi32, #tpu.memory_space<vmem>>
        %dma_wait3A_166 = arith.constant 0 : i32
        %dma_wait3A_167 = arith.constant 0 : i32
        %dma_wait3A_168 = tpu.memref_slice %arg11[%dma_wait3A_166, %dma_wait3A_167] : memref<10112x128xf32, #tpu.memory_space<vmem_shared>> -> memref<10112x128xf32, #tpu.memory_space<vmem_shared>>
        tpu.wait_indirect_dma semaphore(%run_scoped3A_156 : memref<!tpu.dma_semaphore, #tpu.memory_space<semaphore_mem>>) src(%arg10 : memref<128x128xf32, #tpu.memory_space<vmem>>) dst(%dma_wait3A_168 : memref<10112x128xf32, #tpu.memory_space<vmem_shared>>)
        tpu.yield
      }) : () -> ()
    }
    %barrier3A_29 = arith.constant 0 : index
    tpu.barrier barrier_id(%barrier3A_29)
    "tpu.region"() ({
      %run_scoped3A = tpu.sem_alloc : memref<!tpu.dma_semaphore, #tpu.memory_space<semaphore_mem>>
      %dma_start3A = arith.constant 0 : i32
      %dma_start3A_30 = tpu.memref_slice %arg6[%arg0, %mul3A_12, %dma_start3A] : memref<2x10112x128xf32, #tpu.memory_space<hbm>> -> memref<1x632x128xf32, #tpu.memory_space<hbm>>
      %dma_start3A_31 = tpu.memref_squeeze %dma_start3A_30 : memref<1x632x128xf32, #tpu.memory_space<hbm>> -> memref<632x128xf32, #tpu.memory_space<hbm>>
      %dma_start3A_32 = arith.constant 0 : i32
      %dma_start3A_33 = tpu.memref_slice %arg11[%mul3A_12, %dma_start3A_32] : memref<10112x128xf32, #tpu.memory_space<vmem_shared>> -> memref<632x128xf32, #tpu.memory_space<vmem_shared>>
      tpu.enqueue_dma source(%dma_start3A_33 : memref<632x128xf32, #tpu.memory_space<vmem_shared>>) target(%dma_start3A_31 : memref<632x128xf32, #tpu.memory_space<hbm>>) target_semaphore(%run_scoped3A : memref<!tpu.dma_semaphore, #tpu.memory_space<semaphore_mem>>)
      %dma_wait3A = arith.constant 0 : i32
      %dma_wait3A_34 = tpu.memref_slice %arg6[%arg0, %mul3A_12, %dma_wait3A] : memref<2x10112x128xf32, #tpu.memory_space<hbm>> -> memref<1x632x128xf32, #tpu.memory_space<hbm>>
      %dma_wait3A_35 = tpu.memref_squeeze %dma_wait3A_34 : memref<1x632x128xf32, #tpu.memory_space<hbm>> -> memref<632x128xf32, #tpu.memory_space<hbm>>
      %dma_wait3A_36 = arith.constant 0 : i32
      %dma_wait3A_37 = tpu.memref_slice %arg11[%mul3A_12, %dma_wait3A_36] : memref<10112x128xf32, #tpu.memory_space<vmem_shared>> -> memref<632x128xf32, #tpu.memory_space<vmem_shared>>
      tpu.wait_dma2 semaphore(%run_scoped3A : memref<!tpu.dma_semaphore, #tpu.memory_space<semaphore_mem>>) src(%dma_wait3A_37 : memref<632x128xf32, #tpu.memory_space<vmem_shared>>) dst(%dma_wait3A_35 : memref<632x128xf32, #tpu.memory_space<hbm>>)
      tpu.yield
    }) : () -> ()
    return
  }
}

#map = affine_map<(d0, d1) -> (0, 0)>
#map1 = affine_map<(d0, d1) -> (0, 0, 0)>
module attributes {stable_mosaic.version = 14 : i64} {
  func.func @_deg_body(%arg0: i32, %arg1: i32, %arg2: memref<2560x128xi32, #tpu.memory_space<hbm>>, %arg3: memref<128x128xf32, #tpu.memory_space<hbm>>, %arg4: memref<10112x128xf32, #tpu.memory_space<hbm>>, %arg5: memref<2x10112x128xf32, #tpu.memory_space<hbm>>, %arg6: memref<8x128xi32, #tpu.memory_space<vmem>>, %arg7: memref<128x128xf32, #tpu.memory_space<vmem>>, %arg8: memref<10112x128xf32, #tpu.memory_space<vmem_shared>>, %arg9: memref<!tpu.dma_semaphore, #tpu.memory_space<semaphore_mem>>, %arg10: memref<!tpu.dma_semaphore, #tpu.memory_space<semaphore_mem>>) attributes {dimension_semantics = [#tpu.dimension_semantics<core_parallel>, #tpu.dimension_semantics<subcore_parallel>], iteration_bounds = array<i64: 2, 16>, scalar_prefetch = 0 : i64, scratch_operands = 5 : i64, tpu.core_type = #tpu.core_type<sc_vector_subcore>, window_params = [{transform_indices = #map}, {transform_indices = #map}, {transform_indices = #map}, {transform_indices = #map1}]} {
    %eq3A = arith.constant 0 : i32
    %eq3A_0 = arith.cmpi eq, %arg0, %eq3A : i32
    %jit3A = arith.constant 10 : i32
    %jit3A_1 = arith.constant 10 : i32
    %select_n3A = arith.select %eq3A_0, %jit3A, %jit3A_1 : i32
    %eq3A_2 = arith.constant 0 : i32
    %eq3A_3 = arith.cmpi eq, %arg0, %eq3A_2 : i32
    %mul3A = arith.constant 10 : i32
    %mul3A_4 = arith.muli %arg1, %mul3A : i32
    %mul3A_5 = arith.constant 10 : i32
    %mul3A_6 = arith.muli %arg1, %mul3A_5 : i32
    %add3A = arith.constant 160 : i32
    %add3A_7 = arith.addi %add3A, %mul3A_6 : i32
    %select_n3A_8 = arith.select %eq3A_3, %mul3A_4, %add3A_7 : i32
    %mul3A_9 = arith.constant 8 : i32
    %mul3A_10 = arith.muli %select_n3A_8, %mul3A_9 : i32
    %mul3A_11 = arith.constant 632 : i32
    %mul3A_12 = arith.muli %arg1, %mul3A_11 : i32
    "tpu.region"() ({
      %run_scoped3A = tpu.sem_alloc : memref<!tpu.dma_semaphore, #tpu.memory_space<semaphore_mem>>
      tpu.enqueue_dma source(%arg3 : memref<128x128xf32, #tpu.memory_space<hbm>>) target(%arg7 : memref<128x128xf32, #tpu.memory_space<vmem>>) target_semaphore(%run_scoped3A : memref<!tpu.dma_semaphore, #tpu.memory_space<semaphore_mem>>)
      tpu.wait_dma2 semaphore(%run_scoped3A : memref<!tpu.dma_semaphore, #tpu.memory_space<semaphore_mem>>) src(%arg3 : memref<128x128xf32, #tpu.memory_space<hbm>>) dst(%arg7 : memref<128x128xf32, #tpu.memory_space<vmem>>)
      tpu.yield
    }) : () -> ()
    "tpu.region"() ({
      %run_scoped3A = tpu.sem_alloc : memref<!tpu.dma_semaphore, #tpu.memory_space<semaphore_mem>>
      %dma_start3A = arith.constant 0 : i32
      %dma_start3A_30 = tpu.memref_slice %arg8[%mul3A_12, %dma_start3A] : memref<10112x128xf32, #tpu.memory_space<vmem_shared>> -> memref<632x128xf32, #tpu.memory_space<vmem_shared>>
      %dma_start3A_31 = arith.constant 0 : i32
      %dma_start3A_32 = tpu.memref_slice %arg4[%mul3A_12, %dma_start3A_31] : memref<10112x128xf32, #tpu.memory_space<hbm>> -> memref<632x128xf32, #tpu.memory_space<hbm>>
      tpu.enqueue_dma source(%dma_start3A_32 : memref<632x128xf32, #tpu.memory_space<hbm>>) target(%dma_start3A_30 : memref<632x128xf32, #tpu.memory_space<vmem_shared>>) target_semaphore(%run_scoped3A : memref<!tpu.dma_semaphore, #tpu.memory_space<semaphore_mem>>)
      %dma_wait3A = arith.constant 0 : i32
      %dma_wait3A_33 = tpu.memref_slice %arg8[%mul3A_12, %dma_wait3A] : memref<10112x128xf32, #tpu.memory_space<vmem_shared>> -> memref<632x128xf32, #tpu.memory_space<vmem_shared>>
      %dma_wait3A_34 = arith.constant 0 : i32
      %dma_wait3A_35 = tpu.memref_slice %arg4[%mul3A_12, %dma_wait3A_34] : memref<10112x128xf32, #tpu.memory_space<hbm>> -> memref<632x128xf32, #tpu.memory_space<hbm>>
      tpu.wait_dma2 semaphore(%run_scoped3A : memref<!tpu.dma_semaphore, #tpu.memory_space<semaphore_mem>>) src(%dma_wait3A_35 : memref<632x128xf32, #tpu.memory_space<hbm>>) dst(%dma_wait3A_33 : memref<632x128xf32, #tpu.memory_space<vmem_shared>>)
      tpu.yield
    }) : () -> ()
    %barrier3A = arith.constant 0 : index
    tpu.barrier barrier_id(%barrier3A)
    %sub3A = arith.constant 0 : i32
    %sub3A_13 = arith.subi %select_n3A, %sub3A : i32
    %sub3A_14 = arith.constant 1 : i32
    %sub3A_15 = arith.constant 1 : i32
    %sub3A_16 = arith.subi %sub3A_14, %sub3A_15 : i32
    %add3A_17 = arith.addi %sub3A_13, %sub3A_16 : i32
    %div3A = arith.constant 1 : i32
    %div3A_18 = arith.divsi %add3A_17, %div3A : i32
    %while3A = arith.constant 1 : i32
    %while3A_19 = arith.constant 0 : i32
    %while3A_20 = arith.constant 0 : i32
    %while3A_21 = arith.subi %div3A_18, %while3A_20 : i32
    %while3A_22 = arith.addi %while3A_20, %while3A_21 : i32
    %while3A_23 = arith.constant 1 : i32
    %while3A_24 = arith.divsi %while3A_21, %while3A_23 : i32
    %while3A_25 = arith.muli %while3A_24, %while3A_23 : i32
    %while3A_26 = arith.addi %while3A_20, %while3A_25 : i32
    %while3A_27 = arith.constant 1 : i32
    scf.for %while3A_30 = %while3A_20 to %while3A_26 step %while3A_27  : i32 {
      %mul3A_31 = arith.muli %while3A_30, %while3A : i32
      %add3A_32 = arith.addi %while3A_19, %mul3A_31 : i32
      %mul3A_33 = arith.constant 8 : i32
      %mul3A_34 = arith.muli %add3A_32, %mul3A_33 : i32
      %add3A_35 = arith.addi %mul3A_10, %mul3A_34 : i32
      "tpu.region"() ({
        %run_scoped3A = tpu.sem_alloc : memref<!tpu.dma_semaphore, #tpu.memory_space<semaphore_mem>>
        %dma_start3A_146 = arith.constant 0 : i32
        %dma_start3A_147 = tpu.memref_slice %arg2[%add3A_35, %dma_start3A_146] : memref<2560x128xi32, #tpu.memory_space<hbm>> -> memref<8x128xi32, #tpu.memory_space<hbm>>
        %dma_start3A_148 = arith.constant 0 : i32
        %dma_start3A_149 = tpu.memref_slice %arg2[%add3A_35, %dma_start3A_148] : memref<2560x128xi32, #tpu.memory_space<hbm>> -> memref<8x128xi32, #tpu.memory_space<hbm>>
        tpu.enqueue_dma source(%dma_start3A_149 : memref<8x128xi32, #tpu.memory_space<hbm>>) target(%arg6 : memref<8x128xi32, #tpu.memory_space<vmem>>) target_semaphore(%run_scoped3A : memref<!tpu.dma_semaphore, #tpu.memory_space<semaphore_mem>>)
        %dma_wait3A_150 = arith.constant 0 : i32
        %dma_wait3A_151 = tpu.memref_slice %arg2[%add3A_35, %dma_wait3A_150] : memref<2560x128xi32, #tpu.memory_space<hbm>> -> memref<8x128xi32, #tpu.memory_space<hbm>>
        %dma_wait3A_152 = arith.constant 0 : i32
        %dma_wait3A_153 = tpu.memref_slice %arg2[%add3A_35, %dma_wait3A_152] : memref<2560x128xi32, #tpu.memory_space<hbm>> -> memref<8x128xi32, #tpu.memory_space<hbm>>
        tpu.wait_dma2 semaphore(%run_scoped3A : memref<!tpu.dma_semaphore, #tpu.memory_space<semaphore_mem>>) src(%dma_wait3A_153 : memref<8x128xi32, #tpu.memory_space<hbm>>) dst(%arg6 : memref<8x128xi32, #tpu.memory_space<vmem>>)
        tpu.yield
      }) : () -> ()
      %dma_start3A = arith.constant 0 : i32
      %dma_start3A_36 = arith.constant 0 : i32
      %dma_start3A_37 = tpu.memref_slice %arg6[%dma_start3A, %dma_start3A_36] : memref<8x128xi32, #tpu.memory_space<vmem>> -> memref<1x128xi32, #tpu.memory_space<vmem>>
      %dma_start3A_38 = tpu.memref_squeeze %dma_start3A_37 : memref<1x128xi32, #tpu.memory_space<vmem>> -> memref<128xi32, #tpu.memory_space<vmem>>
      %dma_start3A_39 = arith.constant 0 : i32
      %dma_start3A_40 = arith.constant 0 : i32
      %dma_start3A_41 = tpu.memref_slice %arg8[%dma_start3A_39, %dma_start3A_40] : memref<10112x128xf32, #tpu.memory_space<vmem_shared>> -> memref<10112x128xf32, #tpu.memory_space<vmem_shared>>
      tpu.enqueue_indirect_dma source(%arg7 : memref<128x128xf32, #tpu.memory_space<vmem>>) target(%dma_start3A_41 : memref<10112x128xf32, #tpu.memory_space<vmem_shared>>) offsets(%dma_start3A_38 : memref<128xi32, #tpu.memory_space<vmem>>) semaphore(%arg9 : memref<!tpu.dma_semaphore, #tpu.memory_space<semaphore_mem>>) {add = true}
      %dma_start3A_42 = arith.constant 1 : i32
      %dma_start3A_43 = arith.constant 0 : i32
      %dma_start3A_44 = tpu.memref_slice %arg6[%dma_start3A_42, %dma_start3A_43] : memref<8x128xi32, #tpu.memory_space<vmem>> -> memref<1x128xi32, #tpu.memory_space<vmem>>
      %dma_start3A_45 = tpu.memref_squeeze %dma_start3A_44 : memref<1x128xi32, #tpu.memory_space<vmem>> -> memref<128xi32, #tpu.memory_space<vmem>>
      %dma_start3A_46 = arith.constant 0 : i32
      %dma_start3A_47 = arith.constant 0 : i32
      %dma_start3A_48 = tpu.memref_slice %arg8[%dma_start3A_46, %dma_start3A_47] : memref<10112x128xf32, #tpu.memory_space<vmem_shared>> -> memref<10112x128xf32, #tpu.memory_space<vmem_shared>>
      tpu.enqueue_indirect_dma source(%arg7 : memref<128x128xf32, #tpu.memory_space<vmem>>) target(%dma_start3A_48 : memref<10112x128xf32, #tpu.memory_space<vmem_shared>>) offsets(%dma_start3A_45 : memref<128xi32, #tpu.memory_space<vmem>>) semaphore(%arg10 : memref<!tpu.dma_semaphore, #tpu.memory_space<semaphore_mem>>) {add = true}
      %dma_wait3A = arith.constant 0 : i32
      %dma_wait3A_49 = arith.constant 0 : i32
      %dma_wait3A_50 = tpu.memref_slice %arg6[%dma_wait3A, %dma_wait3A_49] : memref<8x128xi32, #tpu.memory_space<vmem>> -> memref<1x128xi32, #tpu.memory_space<vmem>>
      %dma_wait3A_51 = tpu.memref_squeeze %dma_wait3A_50 : memref<1x128xi32, #tpu.memory_space<vmem>> -> memref<128xi32, #tpu.memory_space<vmem>>
      %dma_wait3A_52 = arith.constant 0 : i32
      %dma_wait3A_53 = arith.constant 0 : i32
      %dma_wait3A_54 = tpu.memref_slice %arg8[%dma_wait3A_52, %dma_wait3A_53] : memref<10112x128xf32, #tpu.memory_space<vmem_shared>> -> memref<10112x128xf32, #tpu.memory_space<vmem_shared>>
      tpu.wait_indirect_dma semaphore(%arg9 : memref<!tpu.dma_semaphore, #tpu.memory_space<semaphore_mem>>) src(%arg7 : memref<128x128xf32, #tpu.memory_space<vmem>>) dst(%dma_wait3A_54 : memref<10112x128xf32, #tpu.memory_space<vmem_shared>>)
      %dma_start3A_55 = arith.constant 2 : i32
      %dma_start3A_56 = arith.constant 0 : i32
      %dma_start3A_57 = tpu.memref_slice %arg6[%dma_start3A_55, %dma_start3A_56] : memref<8x128xi32, #tpu.memory_space<vmem>> -> memref<1x128xi32, #tpu.memory_space<vmem>>
      %dma_start3A_58 = tpu.memref_squeeze %dma_start3A_57 : memref<1x128xi32, #tpu.memory_space<vmem>> -> memref<128xi32, #tpu.memory_space<vmem>>
      %dma_start3A_59 = arith.constant 0 : i32
      %dma_start3A_60 = arith.constant 0 : i32
      %dma_start3A_61 = tpu.memref_slice %arg8[%dma_start3A_59, %dma_start3A_60] : memref<10112x128xf32, #tpu.memory_space<vmem_shared>> -> memref<10112x128xf32, #tpu.memory_space<vmem_shared>>
      tpu.enqueue_indirect_dma source(%arg7 : memref<128x128xf32, #tpu.memory_space<vmem>>) target(%dma_start3A_61 : memref<10112x128xf32, #tpu.memory_space<vmem_shared>>) offsets(%dma_start3A_58 : memref<128xi32, #tpu.memory_space<vmem>>) semaphore(%arg9 : memref<!tpu.dma_semaphore, #tpu.memory_space<semaphore_mem>>) {add = true}
      %dma_wait3A_62 = arith.constant 1 : i32
      %dma_wait3A_63 = arith.constant 0 : i32
      %dma_wait3A_64 = tpu.memref_slice %arg6[%dma_wait3A_62, %dma_wait3A_63] : memref<8x128xi32, #tpu.memory_space<vmem>> -> memref<1x128xi32, #tpu.memory_space<vmem>>
      %dma_wait3A_65 = tpu.memref_squeeze %dma_wait3A_64 : memref<1x128xi32, #tpu.memory_space<vmem>> -> memref<128xi32, #tpu.memory_space<vmem>>
      %dma_wait3A_66 = arith.constant 0 : i32
      %dma_wait3A_67 = arith.constant 0 : i32
      %dma_wait3A_68 = tpu.memref_slice %arg8[%dma_wait3A_66, %dma_wait3A_67] : memref<10112x128xf32, #tpu.memory_space<vmem_shared>> -> memref<10112x128xf32, #tpu.memory_space<vmem_shared>>
      tpu.wait_indirect_dma semaphore(%arg10 : memref<!tpu.dma_semaphore, #tpu.memory_space<semaphore_mem>>) src(%arg7 : memref<128x128xf32, #tpu.memory_space<vmem>>) dst(%dma_wait3A_68 : memref<10112x128xf32, #tpu.memory_space<vmem_shared>>)
      %dma_start3A_69 = arith.constant 3 : i32
      %dma_start3A_70 = arith.constant 0 : i32
      %dma_start3A_71 = tpu.memref_slice %arg6[%dma_start3A_69, %dma_start3A_70] : memref<8x128xi32, #tpu.memory_space<vmem>> -> memref<1x128xi32, #tpu.memory_space<vmem>>
      %dma_start3A_72 = tpu.memref_squeeze %dma_start3A_71 : memref<1x128xi32, #tpu.memory_space<vmem>> -> memref<128xi32, #tpu.memory_space<vmem>>
      %dma_start3A_73 = arith.constant 0 : i32
      %dma_start3A_74 = arith.constant 0 : i32
      %dma_start3A_75 = tpu.memref_slice %arg8[%dma_start3A_73, %dma_start3A_74] : memref<10112x128xf32, #tpu.memory_space<vmem_shared>> -> memref<10112x128xf32, #tpu.memory_space<vmem_shared>>
      tpu.enqueue_indirect_dma source(%arg7 : memref<128x128xf32, #tpu.memory_space<vmem>>) target(%dma_start3A_75 : memref<10112x128xf32, #tpu.memory_space<vmem_shared>>) offsets(%dma_start3A_72 : memref<128xi32, #tpu.memory_space<vmem>>) semaphore(%arg10 : memref<!tpu.dma_semaphore, #tpu.memory_space<semaphore_mem>>) {add = true}
      %dma_wait3A_76 = arith.constant 2 : i32
      %dma_wait3A_77 = arith.constant 0 : i32
      %dma_wait3A_78 = tpu.memref_slice %arg6[%dma_wait3A_76, %dma_wait3A_77] : memref<8x128xi32, #tpu.memory_space<vmem>> -> memref<1x128xi32, #tpu.memory_space<vmem>>
      %dma_wait3A_79 = tpu.memref_squeeze %dma_wait3A_78 : memref<1x128xi32, #tpu.memory_space<vmem>> -> memref<128xi32, #tpu.memory_space<vmem>>
      %dma_wait3A_80 = arith.constant 0 : i32
      %dma_wait3A_81 = arith.constant 0 : i32
      %dma_wait3A_82 = tpu.memref_slice %arg8[%dma_wait3A_80, %dma_wait3A_81] : memref<10112x128xf32, #tpu.memory_space<vmem_shared>> -> memref<10112x128xf32, #tpu.memory_space<vmem_shared>>
      tpu.wait_indirect_dma semaphore(%arg9 : memref<!tpu.dma_semaphore, #tpu.memory_space<semaphore_mem>>) src(%arg7 : memref<128x128xf32, #tpu.memory_space<vmem>>) dst(%dma_wait3A_82 : memref<10112x128xf32, #tpu.memory_space<vmem_shared>>)
      %dma_start3A_83 = arith.constant 4 : i32
      %dma_start3A_84 = arith.constant 0 : i32
      %dma_start3A_85 = tpu.memref_slice %arg6[%dma_start3A_83, %dma_start3A_84] : memref<8x128xi32, #tpu.memory_space<vmem>> -> memref<1x128xi32, #tpu.memory_space<vmem>>
      %dma_start3A_86 = tpu.memref_squeeze %dma_start3A_85 : memref<1x128xi32, #tpu.memory_space<vmem>> -> memref<128xi32, #tpu.memory_space<vmem>>
      %dma_start3A_87 = arith.constant 0 : i32
      %dma_start3A_88 = arith.constant 0 : i32
      %dma_start3A_89 = tpu.memref_slice %arg8[%dma_start3A_87, %dma_start3A_88] : memref<10112x128xf32, #tpu.memory_space<vmem_shared>> -> memref<10112x128xf32, #tpu.memory_space<vmem_shared>>
      tpu.enqueue_indirect_dma source(%arg7 : memref<128x128xf32, #tpu.memory_space<vmem>>) target(%dma_start3A_89 : memref<10112x128xf32, #tpu.memory_space<vmem_shared>>) offsets(%dma_start3A_86 : memref<128xi32, #tpu.memory_space<vmem>>) semaphore(%arg9 : memref<!tpu.dma_semaphore, #tpu.memory_space<semaphore_mem>>) {add = true}
      %dma_wait3A_90 = arith.constant 3 : i32
      %dma_wait3A_91 = arith.constant 0 : i32
      %dma_wait3A_92 = tpu.memref_slice %arg6[%dma_wait3A_90, %dma_wait3A_91] : memref<8x128xi32, #tpu.memory_space<vmem>> -> memref<1x128xi32, #tpu.memory_space<vmem>>
      %dma_wait3A_93 = tpu.memref_squeeze %dma_wait3A_92 : memref<1x128xi32, #tpu.memory_space<vmem>> -> memref<128xi32, #tpu.memory_space<vmem>>
      %dma_wait3A_94 = arith.constant 0 : i32
      %dma_wait3A_95 = arith.constant 0 : i32
      %dma_wait3A_96 = tpu.memref_slice %arg8[%dma_wait3A_94, %dma_wait3A_95] : memref<10112x128xf32, #tpu.memory_space<vmem_shared>> -> memref<10112x128xf32, #tpu.memory_space<vmem_shared>>
      tpu.wait_indirect_dma semaphore(%arg10 : memref<!tpu.dma_semaphore, #tpu.memory_space<semaphore_mem>>) src(%arg7 : memref<128x128xf32, #tpu.memory_space<vmem>>) dst(%dma_wait3A_96 : memref<10112x128xf32, #tpu.memory_space<vmem_shared>>)
      %dma_start3A_97 = arith.constant 5 : i32
      %dma_start3A_98 = arith.constant 0 : i32
      %dma_start3A_99 = tpu.memref_slice %arg6[%dma_start3A_97, %dma_start3A_98] : memref<8x128xi32, #tpu.memory_space<vmem>> -> memref<1x128xi32, #tpu.memory_space<vmem>>
      %dma_start3A_100 = tpu.memref_squeeze %dma_start3A_99 : memref<1x128xi32, #tpu.memory_space<vmem>> -> memref<128xi32, #tpu.memory_space<vmem>>
      %dma_start3A_101 = arith.constant 0 : i32
      %dma_start3A_102 = arith.constant 0 : i32
      %dma_start3A_103 = tpu.memref_slice %arg8[%dma_start3A_101, %dma_start3A_102] : memref<10112x128xf32, #tpu.memory_space<vmem_shared>> -> memref<10112x128xf32, #tpu.memory_space<vmem_shared>>
      tpu.enqueue_indirect_dma source(%arg7 : memref<128x128xf32, #tpu.memory_space<vmem>>) target(%dma_start3A_103 : memref<10112x128xf32, #tpu.memory_space<vmem_shared>>) offsets(%dma_start3A_100 : memref<128xi32, #tpu.memory_space<vmem>>) semaphore(%arg10 : memref<!tpu.dma_semaphore, #tpu.memory_space<semaphore_mem>>) {add = true}
      %dma_wait3A_104 = arith.constant 4 : i32
      %dma_wait3A_105 = arith.constant 0 : i32
      %dma_wait3A_106 = tpu.memref_slice %arg6[%dma_wait3A_104, %dma_wait3A_105] : memref<8x128xi32, #tpu.memory_space<vmem>> -> memref<1x128xi32, #tpu.memory_space<vmem>>
      %dma_wait3A_107 = tpu.memref_squeeze %dma_wait3A_106 : memref<1x128xi32, #tpu.memory_space<vmem>> -> memref<128xi32, #tpu.memory_space<vmem>>
      %dma_wait3A_108 = arith.constant 0 : i32
      %dma_wait3A_109 = arith.constant 0 : i32
      %dma_wait3A_110 = tpu.memref_slice %arg8[%dma_wait3A_108, %dma_wait3A_109] : memref<10112x128xf32, #tpu.memory_space<vmem_shared>> -> memref<10112x128xf32, #tpu.memory_space<vmem_shared>>
      tpu.wait_indirect_dma semaphore(%arg9 : memref<!tpu.dma_semaphore, #tpu.memory_space<semaphore_mem>>) src(%arg7 : memref<128x128xf32, #tpu.memory_space<vmem>>) dst(%dma_wait3A_110 : memref<10112x128xf32, #tpu.memory_space<vmem_shared>>)
      %dma_start3A_111 = arith.constant 6 : i32
      %dma_start3A_112 = arith.constant 0 : i32
      %dma_start3A_113 = tpu.memref_slice %arg6[%dma_start3A_111, %dma_start3A_112] : memref<8x128xi32, #tpu.memory_space<vmem>> -> memref<1x128xi32, #tpu.memory_space<vmem>>
      %dma_start3A_114 = tpu.memref_squeeze %dma_start3A_113 : memref<1x128xi32, #tpu.memory_space<vmem>> -> memref<128xi32, #tpu.memory_space<vmem>>
      %dma_start3A_115 = arith.constant 0 : i32
      %dma_start3A_116 = arith.constant 0 : i32
      %dma_start3A_117 = tpu.memref_slice %arg8[%dma_start3A_115, %dma_start3A_116] : memref<10112x128xf32, #tpu.memory_space<vmem_shared>> -> memref<10112x128xf32, #tpu.memory_space<vmem_shared>>
      tpu.enqueue_indirect_dma source(%arg7 : memref<128x128xf32, #tpu.memory_space<vmem>>) target(%dma_start3A_117 : memref<10112x128xf32, #tpu.memory_space<vmem_shared>>) offsets(%dma_start3A_114 : memref<128xi32, #tpu.memory_space<vmem>>) semaphore(%arg9 : memref<!tpu.dma_semaphore, #tpu.memory_space<semaphore_mem>>) {add = true}
      %dma_wait3A_118 = arith.constant 5 : i32
      %dma_wait3A_119 = arith.constant 0 : i32
      %dma_wait3A_120 = tpu.memref_slice %arg6[%dma_wait3A_118, %dma_wait3A_119] : memref<8x128xi32, #tpu.memory_space<vmem>> -> memref<1x128xi32, #tpu.memory_space<vmem>>
      %dma_wait3A_121 = tpu.memref_squeeze %dma_wait3A_120 : memref<1x128xi32, #tpu.memory_space<vmem>> -> memref<128xi32, #tpu.memory_space<vmem>>
      %dma_wait3A_122 = arith.constant 0 : i32
      %dma_wait3A_123 = arith.constant 0 : i32
      %dma_wait3A_124 = tpu.memref_slice %arg8[%dma_wait3A_122, %dma_wait3A_123] : memref<10112x128xf32, #tpu.memory_space<vmem_shared>> -> memref<10112x128xf32, #tpu.memory_space<vmem_shared>>
      tpu.wait_indirect_dma semaphore(%arg10 : memref<!tpu.dma_semaphore, #tpu.memory_space<semaphore_mem>>) src(%arg7 : memref<128x128xf32, #tpu.memory_space<vmem>>) dst(%dma_wait3A_124 : memref<10112x128xf32, #tpu.memory_space<vmem_shared>>)
      %dma_start3A_125 = arith.constant 7 : i32
      %dma_start3A_126 = arith.constant 0 : i32
      %dma_start3A_127 = tpu.memref_slice %arg6[%dma_start3A_125, %dma_start3A_126] : memref<8x128xi32, #tpu.memory_space<vmem>> -> memref<1x128xi32, #tpu.memory_space<vmem>>
      %dma_start3A_128 = tpu.memref_squeeze %dma_start3A_127 : memref<1x128xi32, #tpu.memory_space<vmem>> -> memref<128xi32, #tpu.memory_space<vmem>>
      %dma_start3A_129 = arith.constant 0 : i32
      %dma_start3A_130 = arith.constant 0 : i32
      %dma_start3A_131 = tpu.memref_slice %arg8[%dma_start3A_129, %dma_start3A_130] : memref<10112x128xf32, #tpu.memory_space<vmem_shared>> -> memref<10112x128xf32, #tpu.memory_space<vmem_shared>>
      tpu.enqueue_indirect_dma source(%arg7 : memref<128x128xf32, #tpu.memory_space<vmem>>) target(%dma_start3A_131 : memref<10112x128xf32, #tpu.memory_space<vmem_shared>>) offsets(%dma_start3A_128 : memref<128xi32, #tpu.memory_space<vmem>>) semaphore(%arg10 : memref<!tpu.dma_semaphore, #tpu.memory_space<semaphore_mem>>) {add = true}
      %dma_wait3A_132 = arith.constant 6 : i32
      %dma_wait3A_133 = arith.constant 0 : i32
      %dma_wait3A_134 = tpu.memref_slice %arg6[%dma_wait3A_132, %dma_wait3A_133] : memref<8x128xi32, #tpu.memory_space<vmem>> -> memref<1x128xi32, #tpu.memory_space<vmem>>
      %dma_wait3A_135 = tpu.memref_squeeze %dma_wait3A_134 : memref<1x128xi32, #tpu.memory_space<vmem>> -> memref<128xi32, #tpu.memory_space<vmem>>
      %dma_wait3A_136 = arith.constant 0 : i32
      %dma_wait3A_137 = arith.constant 0 : i32
      %dma_wait3A_138 = tpu.memref_slice %arg8[%dma_wait3A_136, %dma_wait3A_137] : memref<10112x128xf32, #tpu.memory_space<vmem_shared>> -> memref<10112x128xf32, #tpu.memory_space<vmem_shared>>
      tpu.wait_indirect_dma semaphore(%arg9 : memref<!tpu.dma_semaphore, #tpu.memory_space<semaphore_mem>>) src(%arg7 : memref<128x128xf32, #tpu.memory_space<vmem>>) dst(%dma_wait3A_138 : memref<10112x128xf32, #tpu.memory_space<vmem_shared>>)
      %dma_wait3A_139 = arith.constant 7 : i32
      %dma_wait3A_140 = arith.constant 0 : i32
      %dma_wait3A_141 = tpu.memref_slice %arg6[%dma_wait3A_139, %dma_wait3A_140] : memref<8x128xi32, #tpu.memory_space<vmem>> -> memref<1x128xi32, #tpu.memory_space<vmem>>
      %dma_wait3A_142 = tpu.memref_squeeze %dma_wait3A_141 : memref<1x128xi32, #tpu.memory_space<vmem>> -> memref<128xi32, #tpu.memory_space<vmem>>
      %dma_wait3A_143 = arith.constant 0 : i32
      %dma_wait3A_144 = arith.constant 0 : i32
      %dma_wait3A_145 = tpu.memref_slice %arg8[%dma_wait3A_143, %dma_wait3A_144] : memref<10112x128xf32, #tpu.memory_space<vmem_shared>> -> memref<10112x128xf32, #tpu.memory_space<vmem_shared>>
      tpu.wait_indirect_dma semaphore(%arg10 : memref<!tpu.dma_semaphore, #tpu.memory_space<semaphore_mem>>) src(%arg7 : memref<128x128xf32, #tpu.memory_space<vmem>>) dst(%dma_wait3A_145 : memref<10112x128xf32, #tpu.memory_space<vmem_shared>>)
    }
    %while3A_28 = arith.constant 1 : i32
    scf.for %while3A_30 = %while3A_26 to %while3A_22 step %while3A_28  : i32 {
      %mul3A_31 = arith.muli %while3A_30, %while3A : i32
      %add3A_32 = arith.addi %while3A_19, %mul3A_31 : i32
      %mul3A_33 = arith.constant 8 : i32
      %mul3A_34 = arith.muli %add3A_32, %mul3A_33 : i32
      %add3A_35 = arith.addi %mul3A_10, %mul3A_34 : i32
      "tpu.region"() ({
        %run_scoped3A = tpu.sem_alloc : memref<!tpu.dma_semaphore, #tpu.memory_space<semaphore_mem>>
        %dma_start3A_146 = arith.constant 0 : i32
        %dma_start3A_147 = tpu.memref_slice %arg2[%add3A_35, %dma_start3A_146] : memref<2560x128xi32, #tpu.memory_space<hbm>> -> memref<8x128xi32, #tpu.memory_space<hbm>>
        %dma_start3A_148 = arith.constant 0 : i32
        %dma_start3A_149 = tpu.memref_slice %arg2[%add3A_35, %dma_start3A_148] : memref<2560x128xi32, #tpu.memory_space<hbm>> -> memref<8x128xi32, #tpu.memory_space<hbm>>
        tpu.enqueue_dma source(%dma_start3A_149 : memref<8x128xi32, #tpu.memory_space<hbm>>) target(%arg6 : memref<8x128xi32, #tpu.memory_space<vmem>>) target_semaphore(%run_scoped3A : memref<!tpu.dma_semaphore, #tpu.memory_space<semaphore_mem>>)
        %dma_wait3A_150 = arith.constant 0 : i32
        %dma_wait3A_151 = tpu.memref_slice %arg2[%add3A_35, %dma_wait3A_150] : memref<2560x128xi32, #tpu.memory_space<hbm>> -> memref<8x128xi32, #tpu.memory_space<hbm>>
        %dma_wait3A_152 = arith.constant 0 : i32
        %dma_wait3A_153 = tpu.memref_slice %arg2[%add3A_35, %dma_wait3A_152] : memref<2560x128xi32, #tpu.memory_space<hbm>> -> memref<8x128xi32, #tpu.memory_space<hbm>>
        tpu.wait_dma2 semaphore(%run_scoped3A : memref<!tpu.dma_semaphore, #tpu.memory_space<semaphore_mem>>) src(%dma_wait3A_153 : memref<8x128xi32, #tpu.memory_space<hbm>>) dst(%arg6 : memref<8x128xi32, #tpu.memory_space<vmem>>)
        tpu.yield
      }) : () -> ()
      %dma_start3A = arith.constant 0 : i32
      %dma_start3A_36 = arith.constant 0 : i32
      %dma_start3A_37 = tpu.memref_slice %arg6[%dma_start3A, %dma_start3A_36] : memref<8x128xi32, #tpu.memory_space<vmem>> -> memref<1x128xi32, #tpu.memory_space<vmem>>
      %dma_start3A_38 = tpu.memref_squeeze %dma_start3A_37 : memref<1x128xi32, #tpu.memory_space<vmem>> -> memref<128xi32, #tpu.memory_space<vmem>>
      %dma_start3A_39 = arith.constant 0 : i32
      %dma_start3A_40 = arith.constant 0 : i32
      %dma_start3A_41 = tpu.memref_slice %arg8[%dma_start3A_39, %dma_start3A_40] : memref<10112x128xf32, #tpu.memory_space<vmem_shared>> -> memref<10112x128xf32, #tpu.memory_space<vmem_shared>>
      tpu.enqueue_indirect_dma source(%arg7 : memref<128x128xf32, #tpu.memory_space<vmem>>) target(%dma_start3A_41 : memref<10112x128xf32, #tpu.memory_space<vmem_shared>>) offsets(%dma_start3A_38 : memref<128xi32, #tpu.memory_space<vmem>>) semaphore(%arg9 : memref<!tpu.dma_semaphore, #tpu.memory_space<semaphore_mem>>) {add = true}
      %dma_start3A_42 = arith.constant 1 : i32
      %dma_start3A_43 = arith.constant 0 : i32
      %dma_start3A_44 = tpu.memref_slice %arg6[%dma_start3A_42, %dma_start3A_43] : memref<8x128xi32, #tpu.memory_space<vmem>> -> memref<1x128xi32, #tpu.memory_space<vmem>>
      %dma_start3A_45 = tpu.memref_squeeze %dma_start3A_44 : memref<1x128xi32, #tpu.memory_space<vmem>> -> memref<128xi32, #tpu.memory_space<vmem>>
      %dma_start3A_46 = arith.constant 0 : i32
      %dma_start3A_47 = arith.constant 0 : i32
      %dma_start3A_48 = tpu.memref_slice %arg8[%dma_start3A_46, %dma_start3A_47] : memref<10112x128xf32, #tpu.memory_space<vmem_shared>> -> memref<10112x128xf32, #tpu.memory_space<vmem_shared>>
      tpu.enqueue_indirect_dma source(%arg7 : memref<128x128xf32, #tpu.memory_space<vmem>>) target(%dma_start3A_48 : memref<10112x128xf32, #tpu.memory_space<vmem_shared>>) offsets(%dma_start3A_45 : memref<128xi32, #tpu.memory_space<vmem>>) semaphore(%arg10 : memref<!tpu.dma_semaphore, #tpu.memory_space<semaphore_mem>>) {add = true}
      %dma_wait3A = arith.constant 0 : i32
      %dma_wait3A_49 = arith.constant 0 : i32
      %dma_wait3A_50 = tpu.memref_slice %arg6[%dma_wait3A, %dma_wait3A_49] : memref<8x128xi32, #tpu.memory_space<vmem>> -> memref<1x128xi32, #tpu.memory_space<vmem>>
      %dma_wait3A_51 = tpu.memref_squeeze %dma_wait3A_50 : memref<1x128xi32, #tpu.memory_space<vmem>> -> memref<128xi32, #tpu.memory_space<vmem>>
      %dma_wait3A_52 = arith.constant 0 : i32
      %dma_wait3A_53 = arith.constant 0 : i32
      %dma_wait3A_54 = tpu.memref_slice %arg8[%dma_wait3A_52, %dma_wait3A_53] : memref<10112x128xf32, #tpu.memory_space<vmem_shared>> -> memref<10112x128xf32, #tpu.memory_space<vmem_shared>>
      tpu.wait_indirect_dma semaphore(%arg9 : memref<!tpu.dma_semaphore, #tpu.memory_space<semaphore_mem>>) src(%arg7 : memref<128x128xf32, #tpu.memory_space<vmem>>) dst(%dma_wait3A_54 : memref<10112x128xf32, #tpu.memory_space<vmem_shared>>)
      %dma_start3A_55 = arith.constant 2 : i32
      %dma_start3A_56 = arith.constant 0 : i32
      %dma_start3A_57 = tpu.memref_slice %arg6[%dma_start3A_55, %dma_start3A_56] : memref<8x128xi32, #tpu.memory_space<vmem>> -> memref<1x128xi32, #tpu.memory_space<vmem>>
      %dma_start3A_58 = tpu.memref_squeeze %dma_start3A_57 : memref<1x128xi32, #tpu.memory_space<vmem>> -> memref<128xi32, #tpu.memory_space<vmem>>
      %dma_start3A_59 = arith.constant 0 : i32
      %dma_start3A_60 = arith.constant 0 : i32
      %dma_start3A_61 = tpu.memref_slice %arg8[%dma_start3A_59, %dma_start3A_60] : memref<10112x128xf32, #tpu.memory_space<vmem_shared>> -> memref<10112x128xf32, #tpu.memory_space<vmem_shared>>
      tpu.enqueue_indirect_dma source(%arg7 : memref<128x128xf32, #tpu.memory_space<vmem>>) target(%dma_start3A_61 : memref<10112x128xf32, #tpu.memory_space<vmem_shared>>) offsets(%dma_start3A_58 : memref<128xi32, #tpu.memory_space<vmem>>) semaphore(%arg9 : memref<!tpu.dma_semaphore, #tpu.memory_space<semaphore_mem>>) {add = true}
      %dma_wait3A_62 = arith.constant 1 : i32
      %dma_wait3A_63 = arith.constant 0 : i32
      %dma_wait3A_64 = tpu.memref_slice %arg6[%dma_wait3A_62, %dma_wait3A_63] : memref<8x128xi32, #tpu.memory_space<vmem>> -> memref<1x128xi32, #tpu.memory_space<vmem>>
      %dma_wait3A_65 = tpu.memref_squeeze %dma_wait3A_64 : memref<1x128xi32, #tpu.memory_space<vmem>> -> memref<128xi32, #tpu.memory_space<vmem>>
      %dma_wait3A_66 = arith.constant 0 : i32
      %dma_wait3A_67 = arith.constant 0 : i32
      %dma_wait3A_68 = tpu.memref_slice %arg8[%dma_wait3A_66, %dma_wait3A_67] : memref<10112x128xf32, #tpu.memory_space<vmem_shared>> -> memref<10112x128xf32, #tpu.memory_space<vmem_shared>>
      tpu.wait_indirect_dma semaphore(%arg10 : memref<!tpu.dma_semaphore, #tpu.memory_space<semaphore_mem>>) src(%arg7 : memref<128x128xf32, #tpu.memory_space<vmem>>) dst(%dma_wait3A_68 : memref<10112x128xf32, #tpu.memory_space<vmem_shared>>)
      %dma_start3A_69 = arith.constant 3 : i32
      %dma_start3A_70 = arith.constant 0 : i32
      %dma_start3A_71 = tpu.memref_slice %arg6[%dma_start3A_69, %dma_start3A_70] : memref<8x128xi32, #tpu.memory_space<vmem>> -> memref<1x128xi32, #tpu.memory_space<vmem>>
      %dma_start3A_72 = tpu.memref_squeeze %dma_start3A_71 : memref<1x128xi32, #tpu.memory_space<vmem>> -> memref<128xi32, #tpu.memory_space<vmem>>
      %dma_start3A_73 = arith.constant 0 : i32
      %dma_start3A_74 = arith.constant 0 : i32
      %dma_start3A_75 = tpu.memref_slice %arg8[%dma_start3A_73, %dma_start3A_74] : memref<10112x128xf32, #tpu.memory_space<vmem_shared>> -> memref<10112x128xf32, #tpu.memory_space<vmem_shared>>
      tpu.enqueue_indirect_dma source(%arg7 : memref<128x128xf32, #tpu.memory_space<vmem>>) target(%dma_start3A_75 : memref<10112x128xf32, #tpu.memory_space<vmem_shared>>) offsets(%dma_start3A_72 : memref<128xi32, #tpu.memory_space<vmem>>) semaphore(%arg10 : memref<!tpu.dma_semaphore, #tpu.memory_space<semaphore_mem>>) {add = true}
      %dma_wait3A_76 = arith.constant 2 : i32
      %dma_wait3A_77 = arith.constant 0 : i32
      %dma_wait3A_78 = tpu.memref_slice %arg6[%dma_wait3A_76, %dma_wait3A_77] : memref<8x128xi32, #tpu.memory_space<vmem>> -> memref<1x128xi32, #tpu.memory_space<vmem>>
      %dma_wait3A_79 = tpu.memref_squeeze %dma_wait3A_78 : memref<1x128xi32, #tpu.memory_space<vmem>> -> memref<128xi32, #tpu.memory_space<vmem>>
      %dma_wait3A_80 = arith.constant 0 : i32
      %dma_wait3A_81 = arith.constant 0 : i32
      %dma_wait3A_82 = tpu.memref_slice %arg8[%dma_wait3A_80, %dma_wait3A_81] : memref<10112x128xf32, #tpu.memory_space<vmem_shared>> -> memref<10112x128xf32, #tpu.memory_space<vmem_shared>>
      tpu.wait_indirect_dma semaphore(%arg9 : memref<!tpu.dma_semaphore, #tpu.memory_space<semaphore_mem>>) src(%arg7 : memref<128x128xf32, #tpu.memory_space<vmem>>) dst(%dma_wait3A_82 : memref<10112x128xf32, #tpu.memory_space<vmem_shared>>)
      %dma_start3A_83 = arith.constant 4 : i32
      %dma_start3A_84 = arith.constant 0 : i32
      %dma_start3A_85 = tpu.memref_slice %arg6[%dma_start3A_83, %dma_start3A_84] : memref<8x128xi32, #tpu.memory_space<vmem>> -> memref<1x128xi32, #tpu.memory_space<vmem>>
      %dma_start3A_86 = tpu.memref_squeeze %dma_start3A_85 : memref<1x128xi32, #tpu.memory_space<vmem>> -> memref<128xi32, #tpu.memory_space<vmem>>
      %dma_start3A_87 = arith.constant 0 : i32
      %dma_start3A_88 = arith.constant 0 : i32
      %dma_start3A_89 = tpu.memref_slice %arg8[%dma_start3A_87, %dma_start3A_88] : memref<10112x128xf32, #tpu.memory_space<vmem_shared>> -> memref<10112x128xf32, #tpu.memory_space<vmem_shared>>
      tpu.enqueue_indirect_dma source(%arg7 : memref<128x128xf32, #tpu.memory_space<vmem>>) target(%dma_start3A_89 : memref<10112x128xf32, #tpu.memory_space<vmem_shared>>) offsets(%dma_start3A_86 : memref<128xi32, #tpu.memory_space<vmem>>) semaphore(%arg9 : memref<!tpu.dma_semaphore, #tpu.memory_space<semaphore_mem>>) {add = true}
      %dma_wait3A_90 = arith.constant 3 : i32
      %dma_wait3A_91 = arith.constant 0 : i32
      %dma_wait3A_92 = tpu.memref_slice %arg6[%dma_wait3A_90, %dma_wait3A_91] : memref<8x128xi32, #tpu.memory_space<vmem>> -> memref<1x128xi32, #tpu.memory_space<vmem>>
      %dma_wait3A_93 = tpu.memref_squeeze %dma_wait3A_92 : memref<1x128xi32, #tpu.memory_space<vmem>> -> memref<128xi32, #tpu.memory_space<vmem>>
      %dma_wait3A_94 = arith.constant 0 : i32
      %dma_wait3A_95 = arith.constant 0 : i32
      %dma_wait3A_96 = tpu.memref_slice %arg8[%dma_wait3A_94, %dma_wait3A_95] : memref<10112x128xf32, #tpu.memory_space<vmem_shared>> -> memref<10112x128xf32, #tpu.memory_space<vmem_shared>>
      tpu.wait_indirect_dma semaphore(%arg10 : memref<!tpu.dma_semaphore, #tpu.memory_space<semaphore_mem>>) src(%arg7 : memref<128x128xf32, #tpu.memory_space<vmem>>) dst(%dma_wait3A_96 : memref<10112x128xf32, #tpu.memory_space<vmem_shared>>)
      %dma_start3A_97 = arith.constant 5 : i32
      %dma_start3A_98 = arith.constant 0 : i32
      %dma_start3A_99 = tpu.memref_slice %arg6[%dma_start3A_97, %dma_start3A_98] : memref<8x128xi32, #tpu.memory_space<vmem>> -> memref<1x128xi32, #tpu.memory_space<vmem>>
      %dma_start3A_100 = tpu.memref_squeeze %dma_start3A_99 : memref<1x128xi32, #tpu.memory_space<vmem>> -> memref<128xi32, #tpu.memory_space<vmem>>
      %dma_start3A_101 = arith.constant 0 : i32
      %dma_start3A_102 = arith.constant 0 : i32
      %dma_start3A_103 = tpu.memref_slice %arg8[%dma_start3A_101, %dma_start3A_102] : memref<10112x128xf32, #tpu.memory_space<vmem_shared>> -> memref<10112x128xf32, #tpu.memory_space<vmem_shared>>
      tpu.enqueue_indirect_dma source(%arg7 : memref<128x128xf32, #tpu.memory_space<vmem>>) target(%dma_start3A_103 : memref<10112x128xf32, #tpu.memory_space<vmem_shared>>) offsets(%dma_start3A_100 : memref<128xi32, #tpu.memory_space<vmem>>) semaphore(%arg10 : memref<!tpu.dma_semaphore, #tpu.memory_space<semaphore_mem>>) {add = true}
      %dma_wait3A_104 = arith.constant 4 : i32
      %dma_wait3A_105 = arith.constant 0 : i32
      %dma_wait3A_106 = tpu.memref_slice %arg6[%dma_wait3A_104, %dma_wait3A_105] : memref<8x128xi32, #tpu.memory_space<vmem>> -> memref<1x128xi32, #tpu.memory_space<vmem>>
      %dma_wait3A_107 = tpu.memref_squeeze %dma_wait3A_106 : memref<1x128xi32, #tpu.memory_space<vmem>> -> memref<128xi32, #tpu.memory_space<vmem>>
      %dma_wait3A_108 = arith.constant 0 : i32
      %dma_wait3A_109 = arith.constant 0 : i32
      %dma_wait3A_110 = tpu.memref_slice %arg8[%dma_wait3A_108, %dma_wait3A_109] : memref<10112x128xf32, #tpu.memory_space<vmem_shared>> -> memref<10112x128xf32, #tpu.memory_space<vmem_shared>>
      tpu.wait_indirect_dma semaphore(%arg9 : memref<!tpu.dma_semaphore, #tpu.memory_space<semaphore_mem>>) src(%arg7 : memref<128x128xf32, #tpu.memory_space<vmem>>) dst(%dma_wait3A_110 : memref<10112x128xf32, #tpu.memory_space<vmem_shared>>)
      %dma_start3A_111 = arith.constant 6 : i32
      %dma_start3A_112 = arith.constant 0 : i32
      %dma_start3A_113 = tpu.memref_slice %arg6[%dma_start3A_111, %dma_start3A_112] : memref<8x128xi32, #tpu.memory_space<vmem>> -> memref<1x128xi32, #tpu.memory_space<vmem>>
      %dma_start3A_114 = tpu.memref_squeeze %dma_start3A_113 : memref<1x128xi32, #tpu.memory_space<vmem>> -> memref<128xi32, #tpu.memory_space<vmem>>
      %dma_start3A_115 = arith.constant 0 : i32
      %dma_start3A_116 = arith.constant 0 : i32
      %dma_start3A_117 = tpu.memref_slice %arg8[%dma_start3A_115, %dma_start3A_116] : memref<10112x128xf32, #tpu.memory_space<vmem_shared>> -> memref<10112x128xf32, #tpu.memory_space<vmem_shared>>
      tpu.enqueue_indirect_dma source(%arg7 : memref<128x128xf32, #tpu.memory_space<vmem>>) target(%dma_start3A_117 : memref<10112x128xf32, #tpu.memory_space<vmem_shared>>) offsets(%dma_start3A_114 : memref<128xi32, #tpu.memory_space<vmem>>) semaphore(%arg9 : memref<!tpu.dma_semaphore, #tpu.memory_space<semaphore_mem>>) {add = true}
      %dma_wait3A_118 = arith.constant 5 : i32
      %dma_wait3A_119 = arith.constant 0 : i32
      %dma_wait3A_120 = tpu.memref_slice %arg6[%dma_wait3A_118, %dma_wait3A_119] : memref<8x128xi32, #tpu.memory_space<vmem>> -> memref<1x128xi32, #tpu.memory_space<vmem>>
      %dma_wait3A_121 = tpu.memref_squeeze %dma_wait3A_120 : memref<1x128xi32, #tpu.memory_space<vmem>> -> memref<128xi32, #tpu.memory_space<vmem>>
      %dma_wait3A_122 = arith.constant 0 : i32
      %dma_wait3A_123 = arith.constant 0 : i32
      %dma_wait3A_124 = tpu.memref_slice %arg8[%dma_wait3A_122, %dma_wait3A_123] : memref<10112x128xf32, #tpu.memory_space<vmem_shared>> -> memref<10112x128xf32, #tpu.memory_space<vmem_shared>>
      tpu.wait_indirect_dma semaphore(%arg10 : memref<!tpu.dma_semaphore, #tpu.memory_space<semaphore_mem>>) src(%arg7 : memref<128x128xf32, #tpu.memory_space<vmem>>) dst(%dma_wait3A_124 : memref<10112x128xf32, #tpu.memory_space<vmem_shared>>)
      %dma_start3A_125 = arith.constant 7 : i32
      %dma_start3A_126 = arith.constant 0 : i32
      %dma_start3A_127 = tpu.memref_slice %arg6[%dma_start3A_125, %dma_start3A_126] : memref<8x128xi32, #tpu.memory_space<vmem>> -> memref<1x128xi32, #tpu.memory_space<vmem>>
      %dma_start3A_128 = tpu.memref_squeeze %dma_start3A_127 : memref<1x128xi32, #tpu.memory_space<vmem>> -> memref<128xi32, #tpu.memory_space<vmem>>
      %dma_start3A_129 = arith.constant 0 : i32
      %dma_start3A_130 = arith.constant 0 : i32
      %dma_start3A_131 = tpu.memref_slice %arg8[%dma_start3A_129, %dma_start3A_130] : memref<10112x128xf32, #tpu.memory_space<vmem_shared>> -> memref<10112x128xf32, #tpu.memory_space<vmem_shared>>
      tpu.enqueue_indirect_dma source(%arg7 : memref<128x128xf32, #tpu.memory_space<vmem>>) target(%dma_start3A_131 : memref<10112x128xf32, #tpu.memory_space<vmem_shared>>) offsets(%dma_start3A_128 : memref<128xi32, #tpu.memory_space<vmem>>) semaphore(%arg10 : memref<!tpu.dma_semaphore, #tpu.memory_space<semaphore_mem>>) {add = true}
      %dma_wait3A_132 = arith.constant 6 : i32
      %dma_wait3A_133 = arith.constant 0 : i32
      %dma_wait3A_134 = tpu.memref_slice %arg6[%dma_wait3A_132, %dma_wait3A_133] : memref<8x128xi32, #tpu.memory_space<vmem>> -> memref<1x128xi32, #tpu.memory_space<vmem>>
      %dma_wait3A_135 = tpu.memref_squeeze %dma_wait3A_134 : memref<1x128xi32, #tpu.memory_space<vmem>> -> memref<128xi32, #tpu.memory_space<vmem>>
      %dma_wait3A_136 = arith.constant 0 : i32
      %dma_wait3A_137 = arith.constant 0 : i32
      %dma_wait3A_138 = tpu.memref_slice %arg8[%dma_wait3A_136, %dma_wait3A_137] : memref<10112x128xf32, #tpu.memory_space<vmem_shared>> -> memref<10112x128xf32, #tpu.memory_space<vmem_shared>>
      tpu.wait_indirect_dma semaphore(%arg9 : memref<!tpu.dma_semaphore, #tpu.memory_space<semaphore_mem>>) src(%arg7 : memref<128x128xf32, #tpu.memory_space<vmem>>) dst(%dma_wait3A_138 : memref<10112x128xf32, #tpu.memory_space<vmem_shared>>)
      %dma_wait3A_139 = arith.constant 7 : i32
      %dma_wait3A_140 = arith.constant 0 : i32
      %dma_wait3A_141 = tpu.memref_slice %arg6[%dma_wait3A_139, %dma_wait3A_140] : memref<8x128xi32, #tpu.memory_space<vmem>> -> memref<1x128xi32, #tpu.memory_space<vmem>>
      %dma_wait3A_142 = tpu.memref_squeeze %dma_wait3A_141 : memref<1x128xi32, #tpu.memory_space<vmem>> -> memref<128xi32, #tpu.memory_space<vmem>>
      %dma_wait3A_143 = arith.constant 0 : i32
      %dma_wait3A_144 = arith.constant 0 : i32
      %dma_wait3A_145 = tpu.memref_slice %arg8[%dma_wait3A_143, %dma_wait3A_144] : memref<10112x128xf32, #tpu.memory_space<vmem_shared>> -> memref<10112x128xf32, #tpu.memory_space<vmem_shared>>
      tpu.wait_indirect_dma semaphore(%arg10 : memref<!tpu.dma_semaphore, #tpu.memory_space<semaphore_mem>>) src(%arg7 : memref<128x128xf32, #tpu.memory_space<vmem>>) dst(%dma_wait3A_145 : memref<10112x128xf32, #tpu.memory_space<vmem_shared>>)
    }
    %barrier3A_29 = arith.constant 0 : index
    tpu.barrier barrier_id(%barrier3A_29)
    "tpu.region"() ({
      %run_scoped3A = tpu.sem_alloc : memref<!tpu.dma_semaphore, #tpu.memory_space<semaphore_mem>>
      %dma_start3A = arith.constant 0 : i32
      %dma_start3A_30 = tpu.memref_slice %arg5[%arg0, %mul3A_12, %dma_start3A] : memref<2x10112x128xf32, #tpu.memory_space<hbm>> -> memref<1x632x128xf32, #tpu.memory_space<hbm>>
      %dma_start3A_31 = tpu.memref_squeeze %dma_start3A_30 : memref<1x632x128xf32, #tpu.memory_space<hbm>> -> memref<632x128xf32, #tpu.memory_space<hbm>>
      %dma_start3A_32 = arith.constant 0 : i32
      %dma_start3A_33 = tpu.memref_slice %arg8[%mul3A_12, %dma_start3A_32] : memref<10112x128xf32, #tpu.memory_space<vmem_shared>> -> memref<632x128xf32, #tpu.memory_space<vmem_shared>>
      tpu.enqueue_dma source(%dma_start3A_33 : memref<632x128xf32, #tpu.memory_space<vmem_shared>>) target(%dma_start3A_31 : memref<632x128xf32, #tpu.memory_space<hbm>>) target_semaphore(%run_scoped3A : memref<!tpu.dma_semaphore, #tpu.memory_space<semaphore_mem>>)
      %dma_wait3A = arith.constant 0 : i32
      %dma_wait3A_34 = tpu.memref_slice %arg5[%arg0, %mul3A_12, %dma_wait3A] : memref<2x10112x128xf32, #tpu.memory_space<hbm>> -> memref<1x632x128xf32, #tpu.memory_space<hbm>>
      %dma_wait3A_35 = tpu.memref_squeeze %dma_wait3A_34 : memref<1x632x128xf32, #tpu.memory_space<hbm>> -> memref<632x128xf32, #tpu.memory_space<hbm>>
      %dma_wait3A_36 = arith.constant 0 : i32
      %dma_wait3A_37 = tpu.memref_slice %arg8[%mul3A_12, %dma_wait3A_36] : memref<10112x128xf32, #tpu.memory_space<vmem_shared>> -> memref<632x128xf32, #tpu.memory_space<vmem_shared>>
      tpu.wait_dma2 semaphore(%run_scoped3A : memref<!tpu.dma_semaphore, #tpu.memory_space<semaphore_mem>>) src(%dma_wait3A_37 : memref<632x128xf32, #tpu.memory_space<vmem_shared>>) dst(%dma_wait3A_35 : memref<632x128xf32, #tpu.memory_space<hbm>>)
      tpu.yield
    }) : () -> ()
    return
  }
}

#map = affine_map<(d0, d1) -> (0, 0)>
#map1 = affine_map<(d0, d1) -> (0, 0, 0)>
module attributes {stable_mosaic.version = 14 : i64} {
  func.func @_conv_body(%arg0: i32, %arg1: i32, %arg2: memref<10112x128xf32, #tpu.memory_space<hbm>>, %arg3: memref<2560x128xi32, #tpu.memory_space<hbm>>, %arg4: memref<2560x128xi32, #tpu.memory_space<hbm>>, %arg5: memref<10112x128xf32, #tpu.memory_space<hbm>>, %arg6: memref<2x10112x128xf32, #tpu.memory_space<hbm>>, %arg7: memref<8x128xi32, #tpu.memory_space<vmem>>, %arg8: memref<8x128xi32, #tpu.memory_space<vmem>>, %arg9: memref<128x128xf32, #tpu.memory_space<vmem>>, %arg10: memref<128x128xf32, #tpu.memory_space<vmem>>, %arg11: memref<10112x128xf32, #tpu.memory_space<vmem_shared>>, %arg12: memref<!tpu.dma_semaphore, #tpu.memory_space<semaphore_mem>>, %arg13: memref<!tpu.dma_semaphore, #tpu.memory_space<semaphore_mem>>) attributes {dimension_semantics = [#tpu.dimension_semantics<core_parallel>, #tpu.dimension_semantics<subcore_parallel>], iteration_bounds = array<i64: 2, 16>, scalar_prefetch = 0 : i64, scratch_operands = 7 : i64, tpu.core_type = #tpu.core_type<sc_vector_subcore>, window_params = [{transform_indices = #map}, {transform_indices = #map}, {transform_indices = #map}, {transform_indices = #map}, {transform_indices = #map1}]} {
    %eq3A = arith.constant 0 : i32
    %eq3A_0 = arith.cmpi eq, %arg0, %eq3A : i32
    %jit3A = arith.constant 18 : i32
    %jit3A_1 = arith.constant 2 : i32
    %select_n3A = arith.select %eq3A_0, %jit3A, %jit3A_1 : i32
    %eq3A_2 = arith.constant 0 : i32
    %eq3A_3 = arith.cmpi eq, %arg0, %eq3A_2 : i32
    %mul3A = arith.constant 18 : i32
    %mul3A_4 = arith.muli %arg1, %mul3A : i32
    %mul3A_5 = arith.constant 2 : i32
    %mul3A_6 = arith.muli %arg1, %mul3A_5 : i32
    %add3A = arith.constant 288 : i32
    %add3A_7 = arith.addi %add3A, %mul3A_6 : i32
    %select_n3A_8 = arith.select %eq3A_3, %mul3A_4, %add3A_7 : i32
    %mul3A_9 = arith.constant 8 : i32
    %mul3A_10 = arith.muli %select_n3A_8, %mul3A_9 : i32
    %mul3A_11 = arith.constant 632 : i32
    %mul3A_12 = arith.muli %arg1, %mul3A_11 : i32
    "tpu.region"() ({
      %run_scoped3A = tpu.sem_alloc : memref<!tpu.dma_semaphore, #tpu.memory_space<semaphore_mem>>
      %dma_start3A = arith.constant 0 : i32
      %dma_start3A_30 = tpu.memref_slice %arg11[%mul3A_12, %dma_start3A] : memref<10112x128xf32, #tpu.memory_space<vmem_shared>> -> memref<632x128xf32, #tpu.memory_space<vmem_shared>>
      %dma_start3A_31 = arith.constant 0 : i32
      %dma_start3A_32 = tpu.memref_slice %arg5[%mul3A_12, %dma_start3A_31] : memref<10112x128xf32, #tpu.memory_space<hbm>> -> memref<632x128xf32, #tpu.memory_space<hbm>>
      tpu.enqueue_dma source(%dma_start3A_32 : memref<632x128xf32, #tpu.memory_space<hbm>>) target(%dma_start3A_30 : memref<632x128xf32, #tpu.memory_space<vmem_shared>>) target_semaphore(%run_scoped3A : memref<!tpu.dma_semaphore, #tpu.memory_space<semaphore_mem>>)
      %dma_wait3A = arith.constant 0 : i32
      %dma_wait3A_33 = tpu.memref_slice %arg11[%mul3A_12, %dma_wait3A] : memref<10112x128xf32, #tpu.memory_space<vmem_shared>> -> memref<632x128xf32, #tpu.memory_space<vmem_shared>>
      %dma_wait3A_34 = arith.constant 0 : i32
      %dma_wait3A_35 = tpu.memref_slice %arg5[%mul3A_12, %dma_wait3A_34] : memref<10112x128xf32, #tpu.memory_space<hbm>> -> memref<632x128xf32, #tpu.memory_space<hbm>>
      tpu.wait_dma2 semaphore(%run_scoped3A : memref<!tpu.dma_semaphore, #tpu.memory_space<semaphore_mem>>) src(%dma_wait3A_35 : memref<632x128xf32, #tpu.memory_space<hbm>>) dst(%dma_wait3A_33 : memref<632x128xf32, #tpu.memory_space<vmem_shared>>)
      tpu.yield
    }) : () -> ()
    %barrier3A = arith.constant 0 : index
    tpu.barrier barrier_id(%barrier3A)
    %sub3A = arith.constant 0 : i32
    %sub3A_13 = arith.subi %select_n3A, %sub3A : i32
    %sub3A_14 = arith.constant 1 : i32
    %sub3A_15 = arith.constant 1 : i32
    %sub3A_16 = arith.subi %sub3A_14, %sub3A_15 : i32
    %add3A_17 = arith.addi %sub3A_13, %sub3A_16 : i32
    %div3A = arith.constant 1 : i32
    %div3A_18 = arith.divsi %add3A_17, %div3A : i32
    %while3A = arith.constant 1 : i32
    %while3A_19 = arith.constant 0 : i32
    %while3A_20 = arith.constant 0 : i32
    %while3A_21 = arith.subi %div3A_18, %while3A_20 : i32
    %while3A_22 = arith.addi %while3A_20, %while3A_21 : i32
    %while3A_23 = arith.constant 1 : i32
    %while3A_24 = arith.divsi %while3A_21, %while3A_23 : i32
    %while3A_25 = arith.muli %while3A_24, %while3A_23 : i32
    %while3A_26 = arith.addi %while3A_20, %while3A_25 : i32
    %while3A_27 = arith.constant 1 : i32
    scf.for %while3A_30 = %while3A_20 to %while3A_26 step %while3A_27  : i32 {
      %mul3A_31 = arith.muli %while3A_30, %while3A : i32
      %add3A_32 = arith.addi %while3A_19, %mul3A_31 : i32
      %mul3A_33 = arith.constant 8 : i32
      %mul3A_34 = arith.muli %add3A_32, %mul3A_33 : i32
      %add3A_35 = arith.addi %mul3A_10, %mul3A_34 : i32
      "tpu.region"() ({
        %run_scoped3A_156 = tpu.sem_alloc : memref<!tpu.dma_semaphore, #tpu.memory_space<semaphore_mem>>
        %dma_start3A_157 = arith.constant 0 : i32
        %dma_start3A_158 = tpu.memref_slice %arg3[%add3A_35, %dma_start3A_157] : memref<2560x128xi32, #tpu.memory_space<hbm>> -> memref<8x128xi32, #tpu.memory_space<hbm>>
        %dma_start3A_159 = arith.constant 0 : i32
        %dma_start3A_160 = tpu.memref_slice %arg3[%add3A_35, %dma_start3A_159] : memref<2560x128xi32, #tpu.memory_space<hbm>> -> memref<8x128xi32, #tpu.memory_space<hbm>>
        tpu.enqueue_dma source(%dma_start3A_160 : memref<8x128xi32, #tpu.memory_space<hbm>>) target(%arg7 : memref<8x128xi32, #tpu.memory_space<vmem>>) target_semaphore(%run_scoped3A_156 : memref<!tpu.dma_semaphore, #tpu.memory_space<semaphore_mem>>)
        %dma_wait3A_161 = arith.constant 0 : i32
        %dma_wait3A_162 = tpu.memref_slice %arg3[%add3A_35, %dma_wait3A_161] : memref<2560x128xi32, #tpu.memory_space<hbm>> -> memref<8x128xi32, #tpu.memory_space<hbm>>
        %dma_wait3A_163 = arith.constant 0 : i32
        %dma_wait3A_164 = tpu.memref_slice %arg3[%add3A_35, %dma_wait3A_163] : memref<2560x128xi32, #tpu.memory_space<hbm>> -> memref<8x128xi32, #tpu.memory_space<hbm>>
        tpu.wait_dma2 semaphore(%run_scoped3A_156 : memref<!tpu.dma_semaphore, #tpu.memory_space<semaphore_mem>>) src(%dma_wait3A_164 : memref<8x128xi32, #tpu.memory_space<hbm>>) dst(%arg7 : memref<8x128xi32, #tpu.memory_space<vmem>>)
        tpu.yield
      }) : () -> ()
      %mul3A_36 = arith.constant 8 : i32
      %mul3A_37 = arith.muli %add3A_32, %mul3A_36 : i32
      %add3A_38 = arith.addi %mul3A_10, %mul3A_37 : i32
      "tpu.region"() ({
        %run_scoped3A_156 = tpu.sem_alloc : memref<!tpu.dma_semaphore, #tpu.memory_space<semaphore_mem>>
        %dma_start3A_157 = arith.constant 0 : i32
        %dma_start3A_158 = tpu.memref_slice %arg4[%add3A_38, %dma_start3A_157] : memref<2560x128xi32, #tpu.memory_space<hbm>> -> memref<8x128xi32, #tpu.memory_space<hbm>>
        %dma_start3A_159 = arith.constant 0 : i32
        %dma_start3A_160 = tpu.memref_slice %arg4[%add3A_38, %dma_start3A_159] : memref<2560x128xi32, #tpu.memory_space<hbm>> -> memref<8x128xi32, #tpu.memory_space<hbm>>
        tpu.enqueue_dma source(%dma_start3A_160 : memref<8x128xi32, #tpu.memory_space<hbm>>) target(%arg8 : memref<8x128xi32, #tpu.memory_space<vmem>>) target_semaphore(%run_scoped3A_156 : memref<!tpu.dma_semaphore, #tpu.memory_space<semaphore_mem>>)
        %dma_wait3A_161 = arith.constant 0 : i32
        %dma_wait3A_162 = tpu.memref_slice %arg4[%add3A_38, %dma_wait3A_161] : memref<2560x128xi32, #tpu.memory_space<hbm>> -> memref<8x128xi32, #tpu.memory_space<hbm>>
        %dma_wait3A_163 = arith.constant 0 : i32
        %dma_wait3A_164 = tpu.memref_slice %arg4[%add3A_38, %dma_wait3A_163] : memref<2560x128xi32, #tpu.memory_space<hbm>> -> memref<8x128xi32, #tpu.memory_space<hbm>>
        tpu.wait_dma2 semaphore(%run_scoped3A_156 : memref<!tpu.dma_semaphore, #tpu.memory_space<semaphore_mem>>) src(%dma_wait3A_164 : memref<8x128xi32, #tpu.memory_space<hbm>>) dst(%arg8 : memref<8x128xi32, #tpu.memory_space<vmem>>)
        tpu.yield
      }) : () -> ()
      %dma_start3A = arith.constant 0 : i32
      %dma_start3A_39 = arith.constant 0 : i32
      %dma_start3A_40 = tpu.memref_slice %arg7[%dma_start3A, %dma_start3A_39] : memref<8x128xi32, #tpu.memory_space<vmem>> -> memref<1x128xi32, #tpu.memory_space<vmem>>
      %dma_start3A_41 = tpu.memref_squeeze %dma_start3A_40 : memref<1x128xi32, #tpu.memory_space<vmem>> -> memref<128xi32, #tpu.memory_space<vmem>>
      %dma_start3A_42 = arith.constant 0 : i32
      %dma_start3A_43 = arith.constant 0 : i32
      %dma_start3A_44 = tpu.memref_slice %arg2[%dma_start3A_42, %dma_start3A_43] : memref<10112x128xf32, #tpu.memory_space<hbm>> -> memref<10112x128xf32, #tpu.memory_space<hbm>>
      tpu.enqueue_indirect_dma source(%dma_start3A_44 : memref<10112x128xf32, #tpu.memory_space<hbm>>) target(%arg9 : memref<128x128xf32, #tpu.memory_space<vmem>>) offsets(%dma_start3A_41 : memref<128xi32, #tpu.memory_space<vmem>>) semaphore(%arg12 : memref<!tpu.dma_semaphore, #tpu.memory_space<semaphore_mem>>)
      %dma_start3A_45 = arith.constant 1 : i32
      %dma_start3A_46 = arith.constant 0 : i32
      %dma_start3A_47 = tpu.memref_slice %arg7[%dma_start3A_45, %dma_start3A_46] : memref<8x128xi32, #tpu.memory_space<vmem>> -> memref<1x128xi32, #tpu.memory_space<vmem>>
      %dma_start3A_48 = tpu.memref_squeeze %dma_start3A_47 : memref<1x128xi32, #tpu.memory_space<vmem>> -> memref<128xi32, #tpu.memory_space<vmem>>
      %dma_start3A_49 = arith.constant 0 : i32
      %dma_start3A_50 = arith.constant 0 : i32
      %dma_start3A_51 = tpu.memref_slice %arg2[%dma_start3A_49, %dma_start3A_50] : memref<10112x128xf32, #tpu.memory_space<hbm>> -> memref<10112x128xf32, #tpu.memory_space<hbm>>
      tpu.enqueue_indirect_dma source(%dma_start3A_51 : memref<10112x128xf32, #tpu.memory_space<hbm>>) target(%arg10 : memref<128x128xf32, #tpu.memory_space<vmem>>) offsets(%dma_start3A_48 : memref<128xi32, #tpu.memory_space<vmem>>) semaphore(%arg13 : memref<!tpu.dma_semaphore, #tpu.memory_space<semaphore_mem>>)
      %dma_wait3A = arith.constant 0 : i32
      %dma_wait3A_52 = arith.constant 0 : i32
      %dma_wait3A_53 = tpu.memref_slice %arg7[%dma_wait3A, %dma_wait3A_52] : memref<8x128xi32, #tpu.memory_space<vmem>> -> memref<1x128xi32, #tpu.memory_space<vmem>>
      %dma_wait3A_54 = tpu.memref_squeeze %dma_wait3A_53 : memref<1x128xi32, #tpu.memory_space<vmem>> -> memref<128xi32, #tpu.memory_space<vmem>>
      %dma_wait3A_55 = arith.constant 0 : i32
      %dma_wait3A_56 = arith.constant 0 : i32
      %dma_wait3A_57 = tpu.memref_slice %arg2[%dma_wait3A_55, %dma_wait3A_56] : memref<10112x128xf32, #tpu.memory_space<hbm>> -> memref<10112x128xf32, #tpu.memory_space<hbm>>
      tpu.wait_indirect_dma semaphore(%arg12 : memref<!tpu.dma_semaphore, #tpu.memory_space<semaphore_mem>>) src(%dma_wait3A_57 : memref<10112x128xf32, #tpu.memory_space<hbm>>) dst(%arg9 : memref<128x128xf32, #tpu.memory_space<vmem>>)
      %run_scoped3A = arith.constant 0 : i32
      "tpu.region"() ({
        %run_scoped3A_156 = tpu.sem_alloc : memref<!tpu.dma_semaphore, #tpu.memory_space<semaphore_mem>>
        %dma_start3A_157 = arith.constant 0 : i32
        %dma_start3A_158 = tpu.memref_slice %arg8[%run_scoped3A, %dma_start3A_157] : memref<8x128xi32, #tpu.memory_space<vmem>> -> memref<1x128xi32, #tpu.memory_space<vmem>>
        %dma_start3A_159 = tpu.memref_squeeze %dma_start3A_158 : memref<1x128xi32, #tpu.memory_space<vmem>> -> memref<128xi32, #tpu.memory_space<vmem>>
        %dma_start3A_160 = arith.constant 0 : i32
        %dma_start3A_161 = arith.constant 0 : i32
        %dma_start3A_162 = tpu.memref_slice %arg11[%dma_start3A_160, %dma_start3A_161] : memref<10112x128xf32, #tpu.memory_space<vmem_shared>> -> memref<10112x128xf32, #tpu.memory_space<vmem_shared>>
        tpu.enqueue_indirect_dma source(%arg9 : memref<128x128xf32, #tpu.memory_space<vmem>>) target(%dma_start3A_162 : memref<10112x128xf32, #tpu.memory_space<vmem_shared>>) offsets(%dma_start3A_159 : memref<128xi32, #tpu.memory_space<vmem>>) semaphore(%run_scoped3A_156 : memref<!tpu.dma_semaphore, #tpu.memory_space<semaphore_mem>>) {add = true}
        %dma_wait3A_163 = arith.constant 0 : i32
        %dma_wait3A_164 = tpu.memref_slice %arg8[%run_scoped3A, %dma_wait3A_163] : memref<8x128xi32, #tpu.memory_space<vmem>> -> memref<1x128xi32, #tpu.memory_space<vmem>>
        %dma_wait3A_165 = tpu.memref_squeeze %dma_wait3A_164 : memref<1x128xi32, #tpu.memory_space<vmem>> -> memref<128xi32, #tpu.memory_space<vmem>>
        %dma_wait3A_166 = arith.constant 0 : i32
        %dma_wait3A_167 = arith.constant 0 : i32
        %dma_wait3A_168 = tpu.memref_slice %arg11[%dma_wait3A_166, %dma_wait3A_167] : memref<10112x128xf32, #tpu.memory_space<vmem_shared>> -> memref<10112x128xf32, #tpu.memory_space<vmem_shared>>
        tpu.wait_indirect_dma semaphore(%run_scoped3A_156 : memref<!tpu.dma_semaphore, #tpu.memory_space<semaphore_mem>>) src(%arg9 : memref<128x128xf32, #tpu.memory_space<vmem>>) dst(%dma_wait3A_168 : memref<10112x128xf32, #tpu.memory_space<vmem_shared>>)
        tpu.yield
      }) : () -> ()
      %dma_start3A_58 = arith.constant 2 : i32
      %dma_start3A_59 = arith.constant 0 : i32
      %dma_start3A_60 = tpu.memref_slice %arg7[%dma_start3A_58, %dma_start3A_59] : memref<8x128xi32, #tpu.memory_space<vmem>> -> memref<1x128xi32, #tpu.memory_space<vmem>>
      %dma_start3A_61 = tpu.memref_squeeze %dma_start3A_60 : memref<1x128xi32, #tpu.memory_space<vmem>> -> memref<128xi32, #tpu.memory_space<vmem>>
      %dma_start3A_62 = arith.constant 0 : i32
      %dma_start3A_63 = arith.constant 0 : i32
      %dma_start3A_64 = tpu.memref_slice %arg2[%dma_start3A_62, %dma_start3A_63] : memref<10112x128xf32, #tpu.memory_space<hbm>> -> memref<10112x128xf32, #tpu.memory_space<hbm>>
      tpu.enqueue_indirect_dma source(%dma_start3A_64 : memref<10112x128xf32, #tpu.memory_space<hbm>>) target(%arg9 : memref<128x128xf32, #tpu.memory_space<vmem>>) offsets(%dma_start3A_61 : memref<128xi32, #tpu.memory_space<vmem>>) semaphore(%arg12 : memref<!tpu.dma_semaphore, #tpu.memory_space<semaphore_mem>>)
      %dma_wait3A_65 = arith.constant 1 : i32
      %dma_wait3A_66 = arith.constant 0 : i32
      %dma_wait3A_67 = tpu.memref_slice %arg7[%dma_wait3A_65, %dma_wait3A_66] : memref<8x128xi32, #tpu.memory_space<vmem>> -> memref<1x128xi32, #tpu.memory_space<vmem>>
      %dma_wait3A_68 = tpu.memref_squeeze %dma_wait3A_67 : memref<1x128xi32, #tpu.memory_space<vmem>> -> memref<128xi32, #tpu.memory_space<vmem>>
      %dma_wait3A_69 = arith.constant 0 : i32
      %dma_wait3A_70 = arith.constant 0 : i32
      %dma_wait3A_71 = tpu.memref_slice %arg2[%dma_wait3A_69, %dma_wait3A_70] : memref<10112x128xf32, #tpu.memory_space<hbm>> -> memref<10112x128xf32, #tpu.memory_space<hbm>>
      tpu.wait_indirect_dma semaphore(%arg13 : memref<!tpu.dma_semaphore, #tpu.memory_space<semaphore_mem>>) src(%dma_wait3A_71 : memref<10112x128xf32, #tpu.memory_space<hbm>>) dst(%arg10 : memref<128x128xf32, #tpu.memory_space<vmem>>)
      %run_scoped3A_72 = arith.constant 1 : i32
      "tpu.region"() ({
        %run_scoped3A_156 = tpu.sem_alloc : memref<!tpu.dma_semaphore, #tpu.memory_space<semaphore_mem>>
        %dma_start3A_157 = arith.constant 0 : i32
        %dma_start3A_158 = tpu.memref_slice %arg8[%run_scoped3A_72, %dma_start3A_157] : memref<8x128xi32, #tpu.memory_space<vmem>> -> memref<1x128xi32, #tpu.memory_space<vmem>>
        %dma_start3A_159 = tpu.memref_squeeze %dma_start3A_158 : memref<1x128xi32, #tpu.memory_space<vmem>> -> memref<128xi32, #tpu.memory_space<vmem>>
        %dma_start3A_160 = arith.constant 0 : i32
        %dma_start3A_161 = arith.constant 0 : i32
        %dma_start3A_162 = tpu.memref_slice %arg11[%dma_start3A_160, %dma_start3A_161] : memref<10112x128xf32, #tpu.memory_space<vmem_shared>> -> memref<10112x128xf32, #tpu.memory_space<vmem_shared>>
        tpu.enqueue_indirect_dma source(%arg10 : memref<128x128xf32, #tpu.memory_space<vmem>>) target(%dma_start3A_162 : memref<10112x128xf32, #tpu.memory_space<vmem_shared>>) offsets(%dma_start3A_159 : memref<128xi32, #tpu.memory_space<vmem>>) semaphore(%run_scoped3A_156 : memref<!tpu.dma_semaphore, #tpu.memory_space<semaphore_mem>>) {add = true}
        %dma_wait3A_163 = arith.constant 0 : i32
        %dma_wait3A_164 = tpu.memref_slice %arg8[%run_scoped3A_72, %dma_wait3A_163] : memref<8x128xi32, #tpu.memory_space<vmem>> -> memref<1x128xi32, #tpu.memory_space<vmem>>
        %dma_wait3A_165 = tpu.memref_squeeze %dma_wait3A_164 : memref<1x128xi32, #tpu.memory_space<vmem>> -> memref<128xi32, #tpu.memory_space<vmem>>
        %dma_wait3A_166 = arith.constant 0 : i32
        %dma_wait3A_167 = arith.constant 0 : i32
        %dma_wait3A_168 = tpu.memref_slice %arg11[%dma_wait3A_166, %dma_wait3A_167] : memref<10112x128xf32, #tpu.memory_space<vmem_shared>> -> memref<10112x128xf32, #tpu.memory_space<vmem_shared>>
        tpu.wait_indirect_dma semaphore(%run_scoped3A_156 : memref<!tpu.dma_semaphore, #tpu.memory_space<semaphore_mem>>) src(%arg10 : memref<128x128xf32, #tpu.memory_space<vmem>>) dst(%dma_wait3A_168 : memref<10112x128xf32, #tpu.memory_space<vmem_shared>>)
        tpu.yield
      }) : () -> ()
      %dma_start3A_73 = arith.constant 3 : i32
      %dma_start3A_74 = arith.constant 0 : i32
      %dma_start3A_75 = tpu.memref_slice %arg7[%dma_start3A_73, %dma_start3A_74] : memref<8x128xi32, #tpu.memory_space<vmem>> -> memref<1x128xi32, #tpu.memory_space<vmem>>
      %dma_start3A_76 = tpu.memref_squeeze %dma_start3A_75 : memref<1x128xi32, #tpu.memory_space<vmem>> -> memref<128xi32, #tpu.memory_space<vmem>>
      %dma_start3A_77 = arith.constant 0 : i32
      %dma_start3A_78 = arith.constant 0 : i32
      %dma_start3A_79 = tpu.memref_slice %arg2[%dma_start3A_77, %dma_start3A_78] : memref<10112x128xf32, #tpu.memory_space<hbm>> -> memref<10112x128xf32, #tpu.memory_space<hbm>>
      tpu.enqueue_indirect_dma source(%dma_start3A_79 : memref<10112x128xf32, #tpu.memory_space<hbm>>) target(%arg10 : memref<128x128xf32, #tpu.memory_space<vmem>>) offsets(%dma_start3A_76 : memref<128xi32, #tpu.memory_space<vmem>>) semaphore(%arg13 : memref<!tpu.dma_semaphore, #tpu.memory_space<semaphore_mem>>)
      %dma_wait3A_80 = arith.constant 2 : i32
      %dma_wait3A_81 = arith.constant 0 : i32
      %dma_wait3A_82 = tpu.memref_slice %arg7[%dma_wait3A_80, %dma_wait3A_81] : memref<8x128xi32, #tpu.memory_space<vmem>> -> memref<1x128xi32, #tpu.memory_space<vmem>>
      %dma_wait3A_83 = tpu.memref_squeeze %dma_wait3A_82 : memref<1x128xi32, #tpu.memory_space<vmem>> -> memref<128xi32, #tpu.memory_space<vmem>>
      %dma_wait3A_84 = arith.constant 0 : i32
      %dma_wait3A_85 = arith.constant 0 : i32
      %dma_wait3A_86 = tpu.memref_slice %arg2[%dma_wait3A_84, %dma_wait3A_85] : memref<10112x128xf32, #tpu.memory_space<hbm>> -> memref<10112x128xf32, #tpu.memory_space<hbm>>
      tpu.wait_indirect_dma semaphore(%arg12 : memref<!tpu.dma_semaphore, #tpu.memory_space<semaphore_mem>>) src(%dma_wait3A_86 : memref<10112x128xf32, #tpu.memory_space<hbm>>) dst(%arg9 : memref<128x128xf32, #tpu.memory_space<vmem>>)
      %run_scoped3A_87 = arith.constant 2 : i32
      "tpu.region"() ({
        %run_scoped3A_156 = tpu.sem_alloc : memref<!tpu.dma_semaphore, #tpu.memory_space<semaphore_mem>>
        %dma_start3A_157 = arith.constant 0 : i32
        %dma_start3A_158 = tpu.memref_slice %arg8[%run_scoped3A_87, %dma_start3A_157] : memref<8x128xi32, #tpu.memory_space<vmem>> -> memref<1x128xi32, #tpu.memory_space<vmem>>
        %dma_start3A_159 = tpu.memref_squeeze %dma_start3A_158 : memref<1x128xi32, #tpu.memory_space<vmem>> -> memref<128xi32, #tpu.memory_space<vmem>>
        %dma_start3A_160 = arith.constant 0 : i32
        %dma_start3A_161 = arith.constant 0 : i32
        %dma_start3A_162 = tpu.memref_slice %arg11[%dma_start3A_160, %dma_start3A_161] : memref<10112x128xf32, #tpu.memory_space<vmem_shared>> -> memref<10112x128xf32, #tpu.memory_space<vmem_shared>>
        tpu.enqueue_indirect_dma source(%arg9 : memref<128x128xf32, #tpu.memory_space<vmem>>) target(%dma_start3A_162 : memref<10112x128xf32, #tpu.memory_space<vmem_shared>>) offsets(%dma_start3A_159 : memref<128xi32, #tpu.memory_space<vmem>>) semaphore(%run_scoped3A_156 : memref<!tpu.dma_semaphore, #tpu.memory_space<semaphore_mem>>) {add = true}
        %dma_wait3A_163 = arith.constant 0 : i32
        %dma_wait3A_164 = tpu.memref_slice %arg8[%run_scoped3A_87, %dma_wait3A_163] : memref<8x128xi32, #tpu.memory_space<vmem>> -> memref<1x128xi32, #tpu.memory_space<vmem>>
        %dma_wait3A_165 = tpu.memref_squeeze %dma_wait3A_164 : memref<1x128xi32, #tpu.memory_space<vmem>> -> memref<128xi32, #tpu.memory_space<vmem>>
        %dma_wait3A_166 = arith.constant 0 : i32
        %dma_wait3A_167 = arith.constant 0 : i32
        %dma_wait3A_168 = tpu.memref_slice %arg11[%dma_wait3A_166, %dma_wait3A_167] : memref<10112x128xf32, #tpu.memory_space<vmem_shared>> -> memref<10112x128xf32, #tpu.memory_space<vmem_shared>>
        tpu.wait_indirect_dma semaphore(%run_scoped3A_156 : memref<!tpu.dma_semaphore, #tpu.memory_space<semaphore_mem>>) src(%arg9 : memref<128x128xf32, #tpu.memory_space<vmem>>) dst(%dma_wait3A_168 : memref<10112x128xf32, #tpu.memory_space<vmem_shared>>)
        tpu.yield
      }) : () -> ()
      %dma_start3A_88 = arith.constant 4 : i32
      %dma_start3A_89 = arith.constant 0 : i32
      %dma_start3A_90 = tpu.memref_slice %arg7[%dma_start3A_88, %dma_start3A_89] : memref<8x128xi32, #tpu.memory_space<vmem>> -> memref<1x128xi32, #tpu.memory_space<vmem>>
      %dma_start3A_91 = tpu.memref_squeeze %dma_start3A_90 : memref<1x128xi32, #tpu.memory_space<vmem>> -> memref<128xi32, #tpu.memory_space<vmem>>
      %dma_start3A_92 = arith.constant 0 : i32
      %dma_start3A_93 = arith.constant 0 : i32
      %dma_start3A_94 = tpu.memref_slice %arg2[%dma_start3A_92, %dma_start3A_93] : memref<10112x128xf32, #tpu.memory_space<hbm>> -> memref<10112x128xf32, #tpu.memory_space<hbm>>
      tpu.enqueue_indirect_dma source(%dma_start3A_94 : memref<10112x128xf32, #tpu.memory_space<hbm>>) target(%arg9 : memref<128x128xf32, #tpu.memory_space<vmem>>) offsets(%dma_start3A_91 : memref<128xi32, #tpu.memory_space<vmem>>) semaphore(%arg12 : memref<!tpu.dma_semaphore, #tpu.memory_space<semaphore_mem>>)
      %dma_wait3A_95 = arith.constant 3 : i32
      %dma_wait3A_96 = arith.constant 0 : i32
      %dma_wait3A_97 = tpu.memref_slice %arg7[%dma_wait3A_95, %dma_wait3A_96] : memref<8x128xi32, #tpu.memory_space<vmem>> -> memref<1x128xi32, #tpu.memory_space<vmem>>
      %dma_wait3A_98 = tpu.memref_squeeze %dma_wait3A_97 : memref<1x128xi32, #tpu.memory_space<vmem>> -> memref<128xi32, #tpu.memory_space<vmem>>
      %dma_wait3A_99 = arith.constant 0 : i32
      %dma_wait3A_100 = arith.constant 0 : i32
      %dma_wait3A_101 = tpu.memref_slice %arg2[%dma_wait3A_99, %dma_wait3A_100] : memref<10112x128xf32, #tpu.memory_space<hbm>> -> memref<10112x128xf32, #tpu.memory_space<hbm>>
      tpu.wait_indirect_dma semaphore(%arg13 : memref<!tpu.dma_semaphore, #tpu.memory_space<semaphore_mem>>) src(%dma_wait3A_101 : memref<10112x128xf32, #tpu.memory_space<hbm>>) dst(%arg10 : memref<128x128xf32, #tpu.memory_space<vmem>>)
      %run_scoped3A_102 = arith.constant 3 : i32
      "tpu.region"() ({
        %run_scoped3A_156 = tpu.sem_alloc : memref<!tpu.dma_semaphore, #tpu.memory_space<semaphore_mem>>
        %dma_start3A_157 = arith.constant 0 : i32
        %dma_start3A_158 = tpu.memref_slice %arg8[%run_scoped3A_102, %dma_start3A_157] : memref<8x128xi32, #tpu.memory_space<vmem>> -> memref<1x128xi32, #tpu.memory_space<vmem>>
        %dma_start3A_159 = tpu.memref_squeeze %dma_start3A_158 : memref<1x128xi32, #tpu.memory_space<vmem>> -> memref<128xi32, #tpu.memory_space<vmem>>
        %dma_start3A_160 = arith.constant 0 : i32
        %dma_start3A_161 = arith.constant 0 : i32
        %dma_start3A_162 = tpu.memref_slice %arg11[%dma_start3A_160, %dma_start3A_161] : memref<10112x128xf32, #tpu.memory_space<vmem_shared>> -> memref<10112x128xf32, #tpu.memory_space<vmem_shared>>
        tpu.enqueue_indirect_dma source(%arg10 : memref<128x128xf32, #tpu.memory_space<vmem>>) target(%dma_start3A_162 : memref<10112x128xf32, #tpu.memory_space<vmem_shared>>) offsets(%dma_start3A_159 : memref<128xi32, #tpu.memory_space<vmem>>) semaphore(%run_scoped3A_156 : memref<!tpu.dma_semaphore, #tpu.memory_space<semaphore_mem>>) {add = true}
        %dma_wait3A_163 = arith.constant 0 : i32
        %dma_wait3A_164 = tpu.memref_slice %arg8[%run_scoped3A_102, %dma_wait3A_163] : memref<8x128xi32, #tpu.memory_space<vmem>> -> memref<1x128xi32, #tpu.memory_space<vmem>>
        %dma_wait3A_165 = tpu.memref_squeeze %dma_wait3A_164 : memref<1x128xi32, #tpu.memory_space<vmem>> -> memref<128xi32, #tpu.memory_space<vmem>>
        %dma_wait3A_166 = arith.constant 0 : i32
        %dma_wait3A_167 = arith.constant 0 : i32
        %dma_wait3A_168 = tpu.memref_slice %arg11[%dma_wait3A_166, %dma_wait3A_167] : memref<10112x128xf32, #tpu.memory_space<vmem_shared>> -> memref<10112x128xf32, #tpu.memory_space<vmem_shared>>
        tpu.wait_indirect_dma semaphore(%run_scoped3A_156 : memref<!tpu.dma_semaphore, #tpu.memory_space<semaphore_mem>>) src(%arg10 : memref<128x128xf32, #tpu.memory_space<vmem>>) dst(%dma_wait3A_168 : memref<10112x128xf32, #tpu.memory_space<vmem_shared>>)
        tpu.yield
      }) : () -> ()
      %dma_start3A_103 = arith.constant 5 : i32
      %dma_start3A_104 = arith.constant 0 : i32
      %dma_start3A_105 = tpu.memref_slice %arg7[%dma_start3A_103, %dma_start3A_104] : memref<8x128xi32, #tpu.memory_space<vmem>> -> memref<1x128xi32, #tpu.memory_space<vmem>>
      %dma_start3A_106 = tpu.memref_squeeze %dma_start3A_105 : memref<1x128xi32, #tpu.memory_space<vmem>> -> memref<128xi32, #tpu.memory_space<vmem>>
      %dma_start3A_107 = arith.constant 0 : i32
      %dma_start3A_108 = arith.constant 0 : i32
      %dma_start3A_109 = tpu.memref_slice %arg2[%dma_start3A_107, %dma_start3A_108] : memref<10112x128xf32, #tpu.memory_space<hbm>> -> memref<10112x128xf32, #tpu.memory_space<hbm>>
      tpu.enqueue_indirect_dma source(%dma_start3A_109 : memref<10112x128xf32, #tpu.memory_space<hbm>>) target(%arg10 : memref<128x128xf32, #tpu.memory_space<vmem>>) offsets(%dma_start3A_106 : memref<128xi32, #tpu.memory_space<vmem>>) semaphore(%arg13 : memref<!tpu.dma_semaphore, #tpu.memory_space<semaphore_mem>>)
      %dma_wait3A_110 = arith.constant 4 : i32
      %dma_wait3A_111 = arith.constant 0 : i32
      %dma_wait3A_112 = tpu.memref_slice %arg7[%dma_wait3A_110, %dma_wait3A_111] : memref<8x128xi32, #tpu.memory_space<vmem>> -> memref<1x128xi32, #tpu.memory_space<vmem>>
      %dma_wait3A_113 = tpu.memref_squeeze %dma_wait3A_112 : memref<1x128xi32, #tpu.memory_space<vmem>> -> memref<128xi32, #tpu.memory_space<vmem>>
      %dma_wait3A_114 = arith.constant 0 : i32
      %dma_wait3A_115 = arith.constant 0 : i32
      %dma_wait3A_116 = tpu.memref_slice %arg2[%dma_wait3A_114, %dma_wait3A_115] : memref<10112x128xf32, #tpu.memory_space<hbm>> -> memref<10112x128xf32, #tpu.memory_space<hbm>>
      tpu.wait_indirect_dma semaphore(%arg12 : memref<!tpu.dma_semaphore, #tpu.memory_space<semaphore_mem>>) src(%dma_wait3A_116 : memref<10112x128xf32, #tpu.memory_space<hbm>>) dst(%arg9 : memref<128x128xf32, #tpu.memory_space<vmem>>)
      %run_scoped3A_117 = arith.constant 4 : i32
      "tpu.region"() ({
        %run_scoped3A_156 = tpu.sem_alloc : memref<!tpu.dma_semaphore, #tpu.memory_space<semaphore_mem>>
        %dma_start3A_157 = arith.constant 0 : i32
        %dma_start3A_158 = tpu.memref_slice %arg8[%run_scoped3A_117, %dma_start3A_157] : memref<8x128xi32, #tpu.memory_space<vmem>> -> memref<1x128xi32, #tpu.memory_space<vmem>>
        %dma_start3A_159 = tpu.memref_squeeze %dma_start3A_158 : memref<1x128xi32, #tpu.memory_space<vmem>> -> memref<128xi32, #tpu.memory_space<vmem>>
        %dma_start3A_160 = arith.constant 0 : i32
        %dma_start3A_161 = arith.constant 0 : i32
        %dma_start3A_162 = tpu.memref_slice %arg11[%dma_start3A_160, %dma_start3A_161] : memref<10112x128xf32, #tpu.memory_space<vmem_shared>> -> memref<10112x128xf32, #tpu.memory_space<vmem_shared>>
        tpu.enqueue_indirect_dma source(%arg9 : memref<128x128xf32, #tpu.memory_space<vmem>>) target(%dma_start3A_162 : memref<10112x128xf32, #tpu.memory_space<vmem_shared>>) offsets(%dma_start3A_159 : memref<128xi32, #tpu.memory_space<vmem>>) semaphore(%run_scoped3A_156 : memref<!tpu.dma_semaphore, #tpu.memory_space<semaphore_mem>>) {add = true}
        %dma_wait3A_163 = arith.constant 0 : i32
        %dma_wait3A_164 = tpu.memref_slice %arg8[%run_scoped3A_117, %dma_wait3A_163] : memref<8x128xi32, #tpu.memory_space<vmem>> -> memref<1x128xi32, #tpu.memory_space<vmem>>
        %dma_wait3A_165 = tpu.memref_squeeze %dma_wait3A_164 : memref<1x128xi32, #tpu.memory_space<vmem>> -> memref<128xi32, #tpu.memory_space<vmem>>
        %dma_wait3A_166 = arith.constant 0 : i32
        %dma_wait3A_167 = arith.constant 0 : i32
        %dma_wait3A_168 = tpu.memref_slice %arg11[%dma_wait3A_166, %dma_wait3A_167] : memref<10112x128xf32, #tpu.memory_space<vmem_shared>> -> memref<10112x128xf32, #tpu.memory_space<vmem_shared>>
        tpu.wait_indirect_dma semaphore(%run_scoped3A_156 : memref<!tpu.dma_semaphore, #tpu.memory_space<semaphore_mem>>) src(%arg9 : memref<128x128xf32, #tpu.memory_space<vmem>>) dst(%dma_wait3A_168 : memref<10112x128xf32, #tpu.memory_space<vmem_shared>>)
        tpu.yield
      }) : () -> ()
      %dma_start3A_118 = arith.constant 6 : i32
      %dma_start3A_119 = arith.constant 0 : i32
      %dma_start3A_120 = tpu.memref_slice %arg7[%dma_start3A_118, %dma_start3A_119] : memref<8x128xi32, #tpu.memory_space<vmem>> -> memref<1x128xi32, #tpu.memory_space<vmem>>
      %dma_start3A_121 = tpu.memref_squeeze %dma_start3A_120 : memref<1x128xi32, #tpu.memory_space<vmem>> -> memref<128xi32, #tpu.memory_space<vmem>>
      %dma_start3A_122 = arith.constant 0 : i32
      %dma_start3A_123 = arith.constant 0 : i32
      %dma_start3A_124 = tpu.memref_slice %arg2[%dma_start3A_122, %dma_start3A_123] : memref<10112x128xf32, #tpu.memory_space<hbm>> -> memref<10112x128xf32, #tpu.memory_space<hbm>>
      tpu.enqueue_indirect_dma source(%dma_start3A_124 : memref<10112x128xf32, #tpu.memory_space<hbm>>) target(%arg9 : memref<128x128xf32, #tpu.memory_space<vmem>>) offsets(%dma_start3A_121 : memref<128xi32, #tpu.memory_space<vmem>>) semaphore(%arg12 : memref<!tpu.dma_semaphore, #tpu.memory_space<semaphore_mem>>)
      %dma_wait3A_125 = arith.constant 5 : i32
      %dma_wait3A_126 = arith.constant 0 : i32
      %dma_wait3A_127 = tpu.memref_slice %arg7[%dma_wait3A_125, %dma_wait3A_126] : memref<8x128xi32, #tpu.memory_space<vmem>> -> memref<1x128xi32, #tpu.memory_space<vmem>>
      %dma_wait3A_128 = tpu.memref_squeeze %dma_wait3A_127 : memref<1x128xi32, #tpu.memory_space<vmem>> -> memref<128xi32, #tpu.memory_space<vmem>>
      %dma_wait3A_129 = arith.constant 0 : i32
      %dma_wait3A_130 = arith.constant 0 : i32
      %dma_wait3A_131 = tpu.memref_slice %arg2[%dma_wait3A_129, %dma_wait3A_130] : memref<10112x128xf32, #tpu.memory_space<hbm>> -> memref<10112x128xf32, #tpu.memory_space<hbm>>
      tpu.wait_indirect_dma semaphore(%arg13 : memref<!tpu.dma_semaphore, #tpu.memory_space<semaphore_mem>>) src(%dma_wait3A_131 : memref<10112x128xf32, #tpu.memory_space<hbm>>) dst(%arg10 : memref<128x128xf32, #tpu.memory_space<vmem>>)
      %run_scoped3A_132 = arith.constant 5 : i32
      "tpu.region"() ({
        %run_scoped3A_156 = tpu.sem_alloc : memref<!tpu.dma_semaphore, #tpu.memory_space<semaphore_mem>>
        %dma_start3A_157 = arith.constant 0 : i32
        %dma_start3A_158 = tpu.memref_slice %arg8[%run_scoped3A_132, %dma_start3A_157] : memref<8x128xi32, #tpu.memory_space<vmem>> -> memref<1x128xi32, #tpu.memory_space<vmem>>
        %dma_start3A_159 = tpu.memref_squeeze %dma_start3A_158 : memref<1x128xi32, #tpu.memory_space<vmem>> -> memref<128xi32, #tpu.memory_space<vmem>>
        %dma_start3A_160 = arith.constant 0 : i32
        %dma_start3A_161 = arith.constant 0 : i32
        %dma_start3A_162 = tpu.memref_slice %arg11[%dma_start3A_160, %dma_start3A_161] : memref<10112x128xf32, #tpu.memory_space<vmem_shared>> -> memref<10112x128xf32, #tpu.memory_space<vmem_shared>>
        tpu.enqueue_indirect_dma source(%arg10 : memref<128x128xf32, #tpu.memory_space<vmem>>) target(%dma_start3A_162 : memref<10112x128xf32, #tpu.memory_space<vmem_shared>>) offsets(%dma_start3A_159 : memref<128xi32, #tpu.memory_space<vmem>>) semaphore(%run_scoped3A_156 : memref<!tpu.dma_semaphore, #tpu.memory_space<semaphore_mem>>) {add = true}
        %dma_wait3A_163 = arith.constant 0 : i32
        %dma_wait3A_164 = tpu.memref_slice %arg8[%run_scoped3A_132, %dma_wait3A_163] : memref<8x128xi32, #tpu.memory_space<vmem>> -> memref<1x128xi32, #tpu.memory_space<vmem>>
        %dma_wait3A_165 = tpu.memref_squeeze %dma_wait3A_164 : memref<1x128xi32, #tpu.memory_space<vmem>> -> memref<128xi32, #tpu.memory_space<vmem>>
        %dma_wait3A_166 = arith.constant 0 : i32
        %dma_wait3A_167 = arith.constant 0 : i32
        %dma_wait3A_168 = tpu.memref_slice %arg11[%dma_wait3A_166, %dma_wait3A_167] : memref<10112x128xf32, #tpu.memory_space<vmem_shared>> -> memref<10112x128xf32, #tpu.memory_space<vmem_shared>>
        tpu.wait_indirect_dma semaphore(%run_scoped3A_156 : memref<!tpu.dma_semaphore, #tpu.memory_space<semaphore_mem>>) src(%arg10 : memref<128x128xf32, #tpu.memory_space<vmem>>) dst(%dma_wait3A_168 : memref<10112x128xf32, #tpu.memory_space<vmem_shared>>)
        tpu.yield
      }) : () -> ()
      %dma_start3A_133 = arith.constant 7 : i32
      %dma_start3A_134 = arith.constant 0 : i32
      %dma_start3A_135 = tpu.memref_slice %arg7[%dma_start3A_133, %dma_start3A_134] : memref<8x128xi32, #tpu.memory_space<vmem>> -> memref<1x128xi32, #tpu.memory_space<vmem>>
      %dma_start3A_136 = tpu.memref_squeeze %dma_start3A_135 : memref<1x128xi32, #tpu.memory_space<vmem>> -> memref<128xi32, #tpu.memory_space<vmem>>
      %dma_start3A_137 = arith.constant 0 : i32
      %dma_start3A_138 = arith.constant 0 : i32
      %dma_start3A_139 = tpu.memref_slice %arg2[%dma_start3A_137, %dma_start3A_138] : memref<10112x128xf32, #tpu.memory_space<hbm>> -> memref<10112x128xf32, #tpu.memory_space<hbm>>
      tpu.enqueue_indirect_dma source(%dma_start3A_139 : memref<10112x128xf32, #tpu.memory_space<hbm>>) target(%arg10 : memref<128x128xf32, #tpu.memory_space<vmem>>) offsets(%dma_start3A_136 : memref<128xi32, #tpu.memory_space<vmem>>) semaphore(%arg13 : memref<!tpu.dma_semaphore, #tpu.memory_space<semaphore_mem>>)
      %dma_wait3A_140 = arith.constant 6 : i32
      %dma_wait3A_141 = arith.constant 0 : i32
      %dma_wait3A_142 = tpu.memref_slice %arg7[%dma_wait3A_140, %dma_wait3A_141] : memref<8x128xi32, #tpu.memory_space<vmem>> -> memref<1x128xi32, #tpu.memory_space<vmem>>
      %dma_wait3A_143 = tpu.memref_squeeze %dma_wait3A_142 : memref<1x128xi32, #tpu.memory_space<vmem>> -> memref<128xi32, #tpu.memory_space<vmem>>
      %dma_wait3A_144 = arith.constant 0 : i32
      %dma_wait3A_145 = arith.constant 0 : i32
      %dma_wait3A_146 = tpu.memref_slice %arg2[%dma_wait3A_144, %dma_wait3A_145] : memref<10112x128xf32, #tpu.memory_space<hbm>> -> memref<10112x128xf32, #tpu.memory_space<hbm>>
      tpu.wait_indirect_dma semaphore(%arg12 : memref<!tpu.dma_semaphore, #tpu.memory_space<semaphore_mem>>) src(%dma_wait3A_146 : memref<10112x128xf32, #tpu.memory_space<hbm>>) dst(%arg9 : memref<128x128xf32, #tpu.memory_space<vmem>>)
      %run_scoped3A_147 = arith.constant 6 : i32
      "tpu.region"() ({
        %run_scoped3A_156 = tpu.sem_alloc : memref<!tpu.dma_semaphore, #tpu.memory_space<semaphore_mem>>
        %dma_start3A_157 = arith.constant 0 : i32
        %dma_start3A_158 = tpu.memref_slice %arg8[%run_scoped3A_147, %dma_start3A_157] : memref<8x128xi32, #tpu.memory_space<vmem>> -> memref<1x128xi32, #tpu.memory_space<vmem>>
        %dma_start3A_159 = tpu.memref_squeeze %dma_start3A_158 : memref<1x128xi32, #tpu.memory_space<vmem>> -> memref<128xi32, #tpu.memory_space<vmem>>
        %dma_start3A_160 = arith.constant 0 : i32
        %dma_start3A_161 = arith.constant 0 : i32
        %dma_start3A_162 = tpu.memref_slice %arg11[%dma_start3A_160, %dma_start3A_161] : memref<10112x128xf32, #tpu.memory_space<vmem_shared>> -> memref<10112x128xf32, #tpu.memory_space<vmem_shared>>
        tpu.enqueue_indirect_dma source(%arg9 : memref<128x128xf32, #tpu.memory_space<vmem>>) target(%dma_start3A_162 : memref<10112x128xf32, #tpu.memory_space<vmem_shared>>) offsets(%dma_start3A_159 : memref<128xi32, #tpu.memory_space<vmem>>) semaphore(%run_scoped3A_156 : memref<!tpu.dma_semaphore, #tpu.memory_space<semaphore_mem>>) {add = true}
        %dma_wait3A_163 = arith.constant 0 : i32
        %dma_wait3A_164 = tpu.memref_slice %arg8[%run_scoped3A_147, %dma_wait3A_163] : memref<8x128xi32, #tpu.memory_space<vmem>> -> memref<1x128xi32, #tpu.memory_space<vmem>>
        %dma_wait3A_165 = tpu.memref_squeeze %dma_wait3A_164 : memref<1x128xi32, #tpu.memory_space<vmem>> -> memref<128xi32, #tpu.memory_space<vmem>>
        %dma_wait3A_166 = arith.constant 0 : i32
        %dma_wait3A_167 = arith.constant 0 : i32
        %dma_wait3A_168 = tpu.memref_slice %arg11[%dma_wait3A_166, %dma_wait3A_167] : memref<10112x128xf32, #tpu.memory_space<vmem_shared>> -> memref<10112x128xf32, #tpu.memory_space<vmem_shared>>
        tpu.wait_indirect_dma semaphore(%run_scoped3A_156 : memref<!tpu.dma_semaphore, #tpu.memory_space<semaphore_mem>>) src(%arg9 : memref<128x128xf32, #tpu.memory_space<vmem>>) dst(%dma_wait3A_168 : memref<10112x128xf32, #tpu.memory_space<vmem_shared>>)
        tpu.yield
      }) : () -> ()
      %dma_wait3A_148 = arith.constant 7 : i32
      %dma_wait3A_149 = arith.constant 0 : i32
      %dma_wait3A_150 = tpu.memref_slice %arg7[%dma_wait3A_148, %dma_wait3A_149] : memref<8x128xi32, #tpu.memory_space<vmem>> -> memref<1x128xi32, #tpu.memory_space<vmem>>
      %dma_wait3A_151 = tpu.memref_squeeze %dma_wait3A_150 : memref<1x128xi32, #tpu.memory_space<vmem>> -> memref<128xi32, #tpu.memory_space<vmem>>
      %dma_wait3A_152 = arith.constant 0 : i32
      %dma_wait3A_153 = arith.constant 0 : i32
      %dma_wait3A_154 = tpu.memref_slice %arg2[%dma_wait3A_152, %dma_wait3A_153] : memref<10112x128xf32, #tpu.memory_space<hbm>> -> memref<10112x128xf32, #tpu.memory_space<hbm>>
      tpu.wait_indirect_dma semaphore(%arg13 : memref<!tpu.dma_semaphore, #tpu.memory_space<semaphore_mem>>) src(%dma_wait3A_154 : memref<10112x128xf32, #tpu.memory_space<hbm>>) dst(%arg10 : memref<128x128xf32, #tpu.memory_space<vmem>>)
      %run_scoped3A_155 = arith.constant 7 : i32
      "tpu.region"() ({
        %run_scoped3A_156 = tpu.sem_alloc : memref<!tpu.dma_semaphore, #tpu.memory_space<semaphore_mem>>
        %dma_start3A_157 = arith.constant 0 : i32
        %dma_start3A_158 = tpu.memref_slice %arg8[%run_scoped3A_155, %dma_start3A_157] : memref<8x128xi32, #tpu.memory_space<vmem>> -> memref<1x128xi32, #tpu.memory_space<vmem>>
        %dma_start3A_159 = tpu.memref_squeeze %dma_start3A_158 : memref<1x128xi32, #tpu.memory_space<vmem>> -> memref<128xi32, #tpu.memory_space<vmem>>
        %dma_start3A_160 = arith.constant 0 : i32
        %dma_start3A_161 = arith.constant 0 : i32
        %dma_start3A_162 = tpu.memref_slice %arg11[%dma_start3A_160, %dma_start3A_161] : memref<10112x128xf32, #tpu.memory_space<vmem_shared>> -> memref<10112x128xf32, #tpu.memory_space<vmem_shared>>
        tpu.enqueue_indirect_dma source(%arg10 : memref<128x128xf32, #tpu.memory_space<vmem>>) target(%dma_start3A_162 : memref<10112x128xf32, #tpu.memory_space<vmem_shared>>) offsets(%dma_start3A_159 : memref<128xi32, #tpu.memory_space<vmem>>) semaphore(%run_scoped3A_156 : memref<!tpu.dma_semaphore, #tpu.memory_space<semaphore_mem>>) {add = true}
        %dma_wait3A_163 = arith.constant 0 : i32
        %dma_wait3A_164 = tpu.memref_slice %arg8[%run_scoped3A_155, %dma_wait3A_163] : memref<8x128xi32, #tpu.memory_space<vmem>> -> memref<1x128xi32, #tpu.memory_space<vmem>>
        %dma_wait3A_165 = tpu.memref_squeeze %dma_wait3A_164 : memref<1x128xi32, #tpu.memory_space<vmem>> -> memref<128xi32, #tpu.memory_space<vmem>>
        %dma_wait3A_166 = arith.constant 0 : i32
        %dma_wait3A_167 = arith.constant 0 : i32
        %dma_wait3A_168 = tpu.memref_slice %arg11[%dma_wait3A_166, %dma_wait3A_167] : memref<10112x128xf32, #tpu.memory_space<vmem_shared>> -> memref<10112x128xf32, #tpu.memory_space<vmem_shared>>
        tpu.wait_indirect_dma semaphore(%run_scoped3A_156 : memref<!tpu.dma_semaphore, #tpu.memory_space<semaphore_mem>>) src(%arg10 : memref<128x128xf32, #tpu.memory_space<vmem>>) dst(%dma_wait3A_168 : memref<10112x128xf32, #tpu.memory_space<vmem_shared>>)
        tpu.yield
      }) : () -> ()
    }
    %while3A_28 = arith.constant 1 : i32
    scf.for %while3A_30 = %while3A_26 to %while3A_22 step %while3A_28  : i32 {
      %mul3A_31 = arith.muli %while3A_30, %while3A : i32
      %add3A_32 = arith.addi %while3A_19, %mul3A_31 : i32
      %mul3A_33 = arith.constant 8 : i32
      %mul3A_34 = arith.muli %add3A_32, %mul3A_33 : i32
      %add3A_35 = arith.addi %mul3A_10, %mul3A_34 : i32
      "tpu.region"() ({
        %run_scoped3A_156 = tpu.sem_alloc : memref<!tpu.dma_semaphore, #tpu.memory_space<semaphore_mem>>
        %dma_start3A_157 = arith.constant 0 : i32
        %dma_start3A_158 = tpu.memref_slice %arg3[%add3A_35, %dma_start3A_157] : memref<2560x128xi32, #tpu.memory_space<hbm>> -> memref<8x128xi32, #tpu.memory_space<hbm>>
        %dma_start3A_159 = arith.constant 0 : i32
        %dma_start3A_160 = tpu.memref_slice %arg3[%add3A_35, %dma_start3A_159] : memref<2560x128xi32, #tpu.memory_space<hbm>> -> memref<8x128xi32, #tpu.memory_space<hbm>>
        tpu.enqueue_dma source(%dma_start3A_160 : memref<8x128xi32, #tpu.memory_space<hbm>>) target(%arg7 : memref<8x128xi32, #tpu.memory_space<vmem>>) target_semaphore(%run_scoped3A_156 : memref<!tpu.dma_semaphore, #tpu.memory_space<semaphore_mem>>)
        %dma_wait3A_161 = arith.constant 0 : i32
        %dma_wait3A_162 = tpu.memref_slice %arg3[%add3A_35, %dma_wait3A_161] : memref<2560x128xi32, #tpu.memory_space<hbm>> -> memref<8x128xi32, #tpu.memory_space<hbm>>
        %dma_wait3A_163 = arith.constant 0 : i32
        %dma_wait3A_164 = tpu.memref_slice %arg3[%add3A_35, %dma_wait3A_163] : memref<2560x128xi32, #tpu.memory_space<hbm>> -> memref<8x128xi32, #tpu.memory_space<hbm>>
        tpu.wait_dma2 semaphore(%run_scoped3A_156 : memref<!tpu.dma_semaphore, #tpu.memory_space<semaphore_mem>>) src(%dma_wait3A_164 : memref<8x128xi32, #tpu.memory_space<hbm>>) dst(%arg7 : memref<8x128xi32, #tpu.memory_space<vmem>>)
        tpu.yield
      }) : () -> ()
      %mul3A_36 = arith.constant 8 : i32
      %mul3A_37 = arith.muli %add3A_32, %mul3A_36 : i32
      %add3A_38 = arith.addi %mul3A_10, %mul3A_37 : i32
      "tpu.region"() ({
        %run_scoped3A_156 = tpu.sem_alloc : memref<!tpu.dma_semaphore, #tpu.memory_space<semaphore_mem>>
        %dma_start3A_157 = arith.constant 0 : i32
        %dma_start3A_158 = tpu.memref_slice %arg4[%add3A_38, %dma_start3A_157] : memref<2560x128xi32, #tpu.memory_space<hbm>> -> memref<8x128xi32, #tpu.memory_space<hbm>>
        %dma_start3A_159 = arith.constant 0 : i32
        %dma_start3A_160 = tpu.memref_slice %arg4[%add3A_38, %dma_start3A_159] : memref<2560x128xi32, #tpu.memory_space<hbm>> -> memref<8x128xi32, #tpu.memory_space<hbm>>
        tpu.enqueue_dma source(%dma_start3A_160 : memref<8x128xi32, #tpu.memory_space<hbm>>) target(%arg8 : memref<8x128xi32, #tpu.memory_space<vmem>>) target_semaphore(%run_scoped3A_156 : memref<!tpu.dma_semaphore, #tpu.memory_space<semaphore_mem>>)
        %dma_wait3A_161 = arith.constant 0 : i32
        %dma_wait3A_162 = tpu.memref_slice %arg4[%add3A_38, %dma_wait3A_161] : memref<2560x128xi32, #tpu.memory_space<hbm>> -> memref<8x128xi32, #tpu.memory_space<hbm>>
        %dma_wait3A_163 = arith.constant 0 : i32
        %dma_wait3A_164 = tpu.memref_slice %arg4[%add3A_38, %dma_wait3A_163] : memref<2560x128xi32, #tpu.memory_space<hbm>> -> memref<8x128xi32, #tpu.memory_space<hbm>>
        tpu.wait_dma2 semaphore(%run_scoped3A_156 : memref<!tpu.dma_semaphore, #tpu.memory_space<semaphore_mem>>) src(%dma_wait3A_164 : memref<8x128xi32, #tpu.memory_space<hbm>>) dst(%arg8 : memref<8x128xi32, #tpu.memory_space<vmem>>)
        tpu.yield
      }) : () -> ()
      %dma_start3A = arith.constant 0 : i32
      %dma_start3A_39 = arith.constant 0 : i32
      %dma_start3A_40 = tpu.memref_slice %arg7[%dma_start3A, %dma_start3A_39] : memref<8x128xi32, #tpu.memory_space<vmem>> -> memref<1x128xi32, #tpu.memory_space<vmem>>
      %dma_start3A_41 = tpu.memref_squeeze %dma_start3A_40 : memref<1x128xi32, #tpu.memory_space<vmem>> -> memref<128xi32, #tpu.memory_space<vmem>>
      %dma_start3A_42 = arith.constant 0 : i32
      %dma_start3A_43 = arith.constant 0 : i32
      %dma_start3A_44 = tpu.memref_slice %arg2[%dma_start3A_42, %dma_start3A_43] : memref<10112x128xf32, #tpu.memory_space<hbm>> -> memref<10112x128xf32, #tpu.memory_space<hbm>>
      tpu.enqueue_indirect_dma source(%dma_start3A_44 : memref<10112x128xf32, #tpu.memory_space<hbm>>) target(%arg9 : memref<128x128xf32, #tpu.memory_space<vmem>>) offsets(%dma_start3A_41 : memref<128xi32, #tpu.memory_space<vmem>>) semaphore(%arg12 : memref<!tpu.dma_semaphore, #tpu.memory_space<semaphore_mem>>)
      %dma_start3A_45 = arith.constant 1 : i32
      %dma_start3A_46 = arith.constant 0 : i32
      %dma_start3A_47 = tpu.memref_slice %arg7[%dma_start3A_45, %dma_start3A_46] : memref<8x128xi32, #tpu.memory_space<vmem>> -> memref<1x128xi32, #tpu.memory_space<vmem>>
      %dma_start3A_48 = tpu.memref_squeeze %dma_start3A_47 : memref<1x128xi32, #tpu.memory_space<vmem>> -> memref<128xi32, #tpu.memory_space<vmem>>
      %dma_start3A_49 = arith.constant 0 : i32
      %dma_start3A_50 = arith.constant 0 : i32
      %dma_start3A_51 = tpu.memref_slice %arg2[%dma_start3A_49, %dma_start3A_50] : memref<10112x128xf32, #tpu.memory_space<hbm>> -> memref<10112x128xf32, #tpu.memory_space<hbm>>
      tpu.enqueue_indirect_dma source(%dma_start3A_51 : memref<10112x128xf32, #tpu.memory_space<hbm>>) target(%arg10 : memref<128x128xf32, #tpu.memory_space<vmem>>) offsets(%dma_start3A_48 : memref<128xi32, #tpu.memory_space<vmem>>) semaphore(%arg13 : memref<!tpu.dma_semaphore, #tpu.memory_space<semaphore_mem>>)
      %dma_wait3A = arith.constant 0 : i32
      %dma_wait3A_52 = arith.constant 0 : i32
      %dma_wait3A_53 = tpu.memref_slice %arg7[%dma_wait3A, %dma_wait3A_52] : memref<8x128xi32, #tpu.memory_space<vmem>> -> memref<1x128xi32, #tpu.memory_space<vmem>>
      %dma_wait3A_54 = tpu.memref_squeeze %dma_wait3A_53 : memref<1x128xi32, #tpu.memory_space<vmem>> -> memref<128xi32, #tpu.memory_space<vmem>>
      %dma_wait3A_55 = arith.constant 0 : i32
      %dma_wait3A_56 = arith.constant 0 : i32
      %dma_wait3A_57 = tpu.memref_slice %arg2[%dma_wait3A_55, %dma_wait3A_56] : memref<10112x128xf32, #tpu.memory_space<hbm>> -> memref<10112x128xf32, #tpu.memory_space<hbm>>
      tpu.wait_indirect_dma semaphore(%arg12 : memref<!tpu.dma_semaphore, #tpu.memory_space<semaphore_mem>>) src(%dma_wait3A_57 : memref<10112x128xf32, #tpu.memory_space<hbm>>) dst(%arg9 : memref<128x128xf32, #tpu.memory_space<vmem>>)
      %run_scoped3A = arith.constant 0 : i32
      "tpu.region"() ({
        %run_scoped3A_156 = tpu.sem_alloc : memref<!tpu.dma_semaphore, #tpu.memory_space<semaphore_mem>>
        %dma_start3A_157 = arith.constant 0 : i32
        %dma_start3A_158 = tpu.memref_slice %arg8[%run_scoped3A, %dma_start3A_157] : memref<8x128xi32, #tpu.memory_space<vmem>> -> memref<1x128xi32, #tpu.memory_space<vmem>>
        %dma_start3A_159 = tpu.memref_squeeze %dma_start3A_158 : memref<1x128xi32, #tpu.memory_space<vmem>> -> memref<128xi32, #tpu.memory_space<vmem>>
        %dma_start3A_160 = arith.constant 0 : i32
        %dma_start3A_161 = arith.constant 0 : i32
        %dma_start3A_162 = tpu.memref_slice %arg11[%dma_start3A_160, %dma_start3A_161] : memref<10112x128xf32, #tpu.memory_space<vmem_shared>> -> memref<10112x128xf32, #tpu.memory_space<vmem_shared>>
        tpu.enqueue_indirect_dma source(%arg9 : memref<128x128xf32, #tpu.memory_space<vmem>>) target(%dma_start3A_162 : memref<10112x128xf32, #tpu.memory_space<vmem_shared>>) offsets(%dma_start3A_159 : memref<128xi32, #tpu.memory_space<vmem>>) semaphore(%run_scoped3A_156 : memref<!tpu.dma_semaphore, #tpu.memory_space<semaphore_mem>>) {add = true}
        %dma_wait3A_163 = arith.constant 0 : i32
        %dma_wait3A_164 = tpu.memref_slice %arg8[%run_scoped3A, %dma_wait3A_163] : memref<8x128xi32, #tpu.memory_space<vmem>> -> memref<1x128xi32, #tpu.memory_space<vmem>>
        %dma_wait3A_165 = tpu.memref_squeeze %dma_wait3A_164 : memref<1x128xi32, #tpu.memory_space<vmem>> -> memref<128xi32, #tpu.memory_space<vmem>>
        %dma_wait3A_166 = arith.constant 0 : i32
        %dma_wait3A_167 = arith.constant 0 : i32
        %dma_wait3A_168 = tpu.memref_slice %arg11[%dma_wait3A_166, %dma_wait3A_167] : memref<10112x128xf32, #tpu.memory_space<vmem_shared>> -> memref<10112x128xf32, #tpu.memory_space<vmem_shared>>
        tpu.wait_indirect_dma semaphore(%run_scoped3A_156 : memref<!tpu.dma_semaphore, #tpu.memory_space<semaphore_mem>>) src(%arg9 : memref<128x128xf32, #tpu.memory_space<vmem>>) dst(%dma_wait3A_168 : memref<10112x128xf32, #tpu.memory_space<vmem_shared>>)
        tpu.yield
      }) : () -> ()
      %dma_start3A_58 = arith.constant 2 : i32
      %dma_start3A_59 = arith.constant 0 : i32
      %dma_start3A_60 = tpu.memref_slice %arg7[%dma_start3A_58, %dma_start3A_59] : memref<8x128xi32, #tpu.memory_space<vmem>> -> memref<1x128xi32, #tpu.memory_space<vmem>>
      %dma_start3A_61 = tpu.memref_squeeze %dma_start3A_60 : memref<1x128xi32, #tpu.memory_space<vmem>> -> memref<128xi32, #tpu.memory_space<vmem>>
      %dma_start3A_62 = arith.constant 0 : i32
      %dma_start3A_63 = arith.constant 0 : i32
      %dma_start3A_64 = tpu.memref_slice %arg2[%dma_start3A_62, %dma_start3A_63] : memref<10112x128xf32, #tpu.memory_space<hbm>> -> memref<10112x128xf32, #tpu.memory_space<hbm>>
      tpu.enqueue_indirect_dma source(%dma_start3A_64 : memref<10112x128xf32, #tpu.memory_space<hbm>>) target(%arg9 : memref<128x128xf32, #tpu.memory_space<vmem>>) offsets(%dma_start3A_61 : memref<128xi32, #tpu.memory_space<vmem>>) semaphore(%arg12 : memref<!tpu.dma_semaphore, #tpu.memory_space<semaphore_mem>>)
      %dma_wait3A_65 = arith.constant 1 : i32
      %dma_wait3A_66 = arith.constant 0 : i32
      %dma_wait3A_67 = tpu.memref_slice %arg7[%dma_wait3A_65, %dma_wait3A_66] : memref<8x128xi32, #tpu.memory_space<vmem>> -> memref<1x128xi32, #tpu.memory_space<vmem>>
      %dma_wait3A_68 = tpu.memref_squeeze %dma_wait3A_67 : memref<1x128xi32, #tpu.memory_space<vmem>> -> memref<128xi32, #tpu.memory_space<vmem>>
      %dma_wait3A_69 = arith.constant 0 : i32
      %dma_wait3A_70 = arith.constant 0 : i32
      %dma_wait3A_71 = tpu.memref_slice %arg2[%dma_wait3A_69, %dma_wait3A_70] : memref<10112x128xf32, #tpu.memory_space<hbm>> -> memref<10112x128xf32, #tpu.memory_space<hbm>>
      tpu.wait_indirect_dma semaphore(%arg13 : memref<!tpu.dma_semaphore, #tpu.memory_space<semaphore_mem>>) src(%dma_wait3A_71 : memref<10112x128xf32, #tpu.memory_space<hbm>>) dst(%arg10 : memref<128x128xf32, #tpu.memory_space<vmem>>)
      %run_scoped3A_72 = arith.constant 1 : i32
      "tpu.region"() ({
        %run_scoped3A_156 = tpu.sem_alloc : memref<!tpu.dma_semaphore, #tpu.memory_space<semaphore_mem>>
        %dma_start3A_157 = arith.constant 0 : i32
        %dma_start3A_158 = tpu.memref_slice %arg8[%run_scoped3A_72, %dma_start3A_157] : memref<8x128xi32, #tpu.memory_space<vmem>> -> memref<1x128xi32, #tpu.memory_space<vmem>>
        %dma_start3A_159 = tpu.memref_squeeze %dma_start3A_158 : memref<1x128xi32, #tpu.memory_space<vmem>> -> memref<128xi32, #tpu.memory_space<vmem>>
        %dma_start3A_160 = arith.constant 0 : i32
        %dma_start3A_161 = arith.constant 0 : i32
        %dma_start3A_162 = tpu.memref_slice %arg11[%dma_start3A_160, %dma_start3A_161] : memref<10112x128xf32, #tpu.memory_space<vmem_shared>> -> memref<10112x128xf32, #tpu.memory_space<vmem_shared>>
        tpu.enqueue_indirect_dma source(%arg10 : memref<128x128xf32, #tpu.memory_space<vmem>>) target(%dma_start3A_162 : memref<10112x128xf32, #tpu.memory_space<vmem_shared>>) offsets(%dma_start3A_159 : memref<128xi32, #tpu.memory_space<vmem>>) semaphore(%run_scoped3A_156 : memref<!tpu.dma_semaphore, #tpu.memory_space<semaphore_mem>>) {add = true}
        %dma_wait3A_163 = arith.constant 0 : i32
        %dma_wait3A_164 = tpu.memref_slice %arg8[%run_scoped3A_72, %dma_wait3A_163] : memref<8x128xi32, #tpu.memory_space<vmem>> -> memref<1x128xi32, #tpu.memory_space<vmem>>
        %dma_wait3A_165 = tpu.memref_squeeze %dma_wait3A_164 : memref<1x128xi32, #tpu.memory_space<vmem>> -> memref<128xi32, #tpu.memory_space<vmem>>
        %dma_wait3A_166 = arith.constant 0 : i32
        %dma_wait3A_167 = arith.constant 0 : i32
        %dma_wait3A_168 = tpu.memref_slice %arg11[%dma_wait3A_166, %dma_wait3A_167] : memref<10112x128xf32, #tpu.memory_space<vmem_shared>> -> memref<10112x128xf32, #tpu.memory_space<vmem_shared>>
        tpu.wait_indirect_dma semaphore(%run_scoped3A_156 : memref<!tpu.dma_semaphore, #tpu.memory_space<semaphore_mem>>) src(%arg10 : memref<128x128xf32, #tpu.memory_space<vmem>>) dst(%dma_wait3A_168 : memref<10112x128xf32, #tpu.memory_space<vmem_shared>>)
        tpu.yield
      }) : () -> ()
      %dma_start3A_73 = arith.constant 3 : i32
      %dma_start3A_74 = arith.constant 0 : i32
      %dma_start3A_75 = tpu.memref_slice %arg7[%dma_start3A_73, %dma_start3A_74] : memref<8x128xi32, #tpu.memory_space<vmem>> -> memref<1x128xi32, #tpu.memory_space<vmem>>
      %dma_start3A_76 = tpu.memref_squeeze %dma_start3A_75 : memref<1x128xi32, #tpu.memory_space<vmem>> -> memref<128xi32, #tpu.memory_space<vmem>>
      %dma_start3A_77 = arith.constant 0 : i32
      %dma_start3A_78 = arith.constant 0 : i32
      %dma_start3A_79 = tpu.memref_slice %arg2[%dma_start3A_77, %dma_start3A_78] : memref<10112x128xf32, #tpu.memory_space<hbm>> -> memref<10112x128xf32, #tpu.memory_space<hbm>>
      tpu.enqueue_indirect_dma source(%dma_start3A_79 : memref<10112x128xf32, #tpu.memory_space<hbm>>) target(%arg10 : memref<128x128xf32, #tpu.memory_space<vmem>>) offsets(%dma_start3A_76 : memref<128xi32, #tpu.memory_space<vmem>>) semaphore(%arg13 : memref<!tpu.dma_semaphore, #tpu.memory_space<semaphore_mem>>)
      %dma_wait3A_80 = arith.constant 2 : i32
      %dma_wait3A_81 = arith.constant 0 : i32
      %dma_wait3A_82 = tpu.memref_slice %arg7[%dma_wait3A_80, %dma_wait3A_81] : memref<8x128xi32, #tpu.memory_space<vmem>> -> memref<1x128xi32, #tpu.memory_space<vmem>>
      %dma_wait3A_83 = tpu.memref_squeeze %dma_wait3A_82 : memref<1x128xi32, #tpu.memory_space<vmem>> -> memref<128xi32, #tpu.memory_space<vmem>>
      %dma_wait3A_84 = arith.constant 0 : i32
      %dma_wait3A_85 = arith.constant 0 : i32
      %dma_wait3A_86 = tpu.memref_slice %arg2[%dma_wait3A_84, %dma_wait3A_85] : memref<10112x128xf32, #tpu.memory_space<hbm>> -> memref<10112x128xf32, #tpu.memory_space<hbm>>
      tpu.wait_indirect_dma semaphore(%arg12 : memref<!tpu.dma_semaphore, #tpu.memory_space<semaphore_mem>>) src(%dma_wait3A_86 : memref<10112x128xf32, #tpu.memory_space<hbm>>) dst(%arg9 : memref<128x128xf32, #tpu.memory_space<vmem>>)
      %run_scoped3A_87 = arith.constant 2 : i32
      "tpu.region"() ({
        %run_scoped3A_156 = tpu.sem_alloc : memref<!tpu.dma_semaphore, #tpu.memory_space<semaphore_mem>>
        %dma_start3A_157 = arith.constant 0 : i32
        %dma_start3A_158 = tpu.memref_slice %arg8[%run_scoped3A_87, %dma_start3A_157] : memref<8x128xi32, #tpu.memory_space<vmem>> -> memref<1x128xi32, #tpu.memory_space<vmem>>
        %dma_start3A_159 = tpu.memref_squeeze %dma_start3A_158 : memref<1x128xi32, #tpu.memory_space<vmem>> -> memref<128xi32, #tpu.memory_space<vmem>>
        %dma_start3A_160 = arith.constant 0 : i32
        %dma_start3A_161 = arith.constant 0 : i32
        %dma_start3A_162 = tpu.memref_slice %arg11[%dma_start3A_160, %dma_start3A_161] : memref<10112x128xf32, #tpu.memory_space<vmem_shared>> -> memref<10112x128xf32, #tpu.memory_space<vmem_shared>>
        tpu.enqueue_indirect_dma source(%arg9 : memref<128x128xf32, #tpu.memory_space<vmem>>) target(%dma_start3A_162 : memref<10112x128xf32, #tpu.memory_space<vmem_shared>>) offsets(%dma_start3A_159 : memref<128xi32, #tpu.memory_space<vmem>>) semaphore(%run_scoped3A_156 : memref<!tpu.dma_semaphore, #tpu.memory_space<semaphore_mem>>) {add = true}
        %dma_wait3A_163 = arith.constant 0 : i32
        %dma_wait3A_164 = tpu.memref_slice %arg8[%run_scoped3A_87, %dma_wait3A_163] : memref<8x128xi32, #tpu.memory_space<vmem>> -> memref<1x128xi32, #tpu.memory_space<vmem>>
        %dma_wait3A_165 = tpu.memref_squeeze %dma_wait3A_164 : memref<1x128xi32, #tpu.memory_space<vmem>> -> memref<128xi32, #tpu.memory_space<vmem>>
        %dma_wait3A_166 = arith.constant 0 : i32
        %dma_wait3A_167 = arith.constant 0 : i32
        %dma_wait3A_168 = tpu.memref_slice %arg11[%dma_wait3A_166, %dma_wait3A_167] : memref<10112x128xf32, #tpu.memory_space<vmem_shared>> -> memref<10112x128xf32, #tpu.memory_space<vmem_shared>>
        tpu.wait_indirect_dma semaphore(%run_scoped3A_156 : memref<!tpu.dma_semaphore, #tpu.memory_space<semaphore_mem>>) src(%arg9 : memref<128x128xf32, #tpu.memory_space<vmem>>) dst(%dma_wait3A_168 : memref<10112x128xf32, #tpu.memory_space<vmem_shared>>)
        tpu.yield
      }) : () -> ()
      %dma_start3A_88 = arith.constant 4 : i32
      %dma_start3A_89 = arith.constant 0 : i32
      %dma_start3A_90 = tpu.memref_slice %arg7[%dma_start3A_88, %dma_start3A_89] : memref<8x128xi32, #tpu.memory_space<vmem>> -> memref<1x128xi32, #tpu.memory_space<vmem>>
      %dma_start3A_91 = tpu.memref_squeeze %dma_start3A_90 : memref<1x128xi32, #tpu.memory_space<vmem>> -> memref<128xi32, #tpu.memory_space<vmem>>
      %dma_start3A_92 = arith.constant 0 : i32
      %dma_start3A_93 = arith.constant 0 : i32
      %dma_start3A_94 = tpu.memref_slice %arg2[%dma_start3A_92, %dma_start3A_93] : memref<10112x128xf32, #tpu.memory_space<hbm>> -> memref<10112x128xf32, #tpu.memory_space<hbm>>
      tpu.enqueue_indirect_dma source(%dma_start3A_94 : memref<10112x128xf32, #tpu.memory_space<hbm>>) target(%arg9 : memref<128x128xf32, #tpu.memory_space<vmem>>) offsets(%dma_start3A_91 : memref<128xi32, #tpu.memory_space<vmem>>) semaphore(%arg12 : memref<!tpu.dma_semaphore, #tpu.memory_space<semaphore_mem>>)
      %dma_wait3A_95 = arith.constant 3 : i32
      %dma_wait3A_96 = arith.constant 0 : i32
      %dma_wait3A_97 = tpu.memref_slice %arg7[%dma_wait3A_95, %dma_wait3A_96] : memref<8x128xi32, #tpu.memory_space<vmem>> -> memref<1x128xi32, #tpu.memory_space<vmem>>
      %dma_wait3A_98 = tpu.memref_squeeze %dma_wait3A_97 : memref<1x128xi32, #tpu.memory_space<vmem>> -> memref<128xi32, #tpu.memory_space<vmem>>
      %dma_wait3A_99 = arith.constant 0 : i32
      %dma_wait3A_100 = arith.constant 0 : i32
      %dma_wait3A_101 = tpu.memref_slice %arg2[%dma_wait3A_99, %dma_wait3A_100] : memref<10112x128xf32, #tpu.memory_space<hbm>> -> memref<10112x128xf32, #tpu.memory_space<hbm>>
      tpu.wait_indirect_dma semaphore(%arg13 : memref<!tpu.dma_semaphore, #tpu.memory_space<semaphore_mem>>) src(%dma_wait3A_101 : memref<10112x128xf32, #tpu.memory_space<hbm>>) dst(%arg10 : memref<128x128xf32, #tpu.memory_space<vmem>>)
      %run_scoped3A_102 = arith.constant 3 : i32
      "tpu.region"() ({
        %run_scoped3A_156 = tpu.sem_alloc : memref<!tpu.dma_semaphore, #tpu.memory_space<semaphore_mem>>
        %dma_start3A_157 = arith.constant 0 : i32
        %dma_start3A_158 = tpu.memref_slice %arg8[%run_scoped3A_102, %dma_start3A_157] : memref<8x128xi32, #tpu.memory_space<vmem>> -> memref<1x128xi32, #tpu.memory_space<vmem>>
        %dma_start3A_159 = tpu.memref_squeeze %dma_start3A_158 : memref<1x128xi32, #tpu.memory_space<vmem>> -> memref<128xi32, #tpu.memory_space<vmem>>
        %dma_start3A_160 = arith.constant 0 : i32
        %dma_start3A_161 = arith.constant 0 : i32
        %dma_start3A_162 = tpu.memref_slice %arg11[%dma_start3A_160, %dma_start3A_161] : memref<10112x128xf32, #tpu.memory_space<vmem_shared>> -> memref<10112x128xf32, #tpu.memory_space<vmem_shared>>
        tpu.enqueue_indirect_dma source(%arg10 : memref<128x128xf32, #tpu.memory_space<vmem>>) target(%dma_start3A_162 : memref<10112x128xf32, #tpu.memory_space<vmem_shared>>) offsets(%dma_start3A_159 : memref<128xi32, #tpu.memory_space<vmem>>) semaphore(%run_scoped3A_156 : memref<!tpu.dma_semaphore, #tpu.memory_space<semaphore_mem>>) {add = true}
        %dma_wait3A_163 = arith.constant 0 : i32
        %dma_wait3A_164 = tpu.memref_slice %arg8[%run_scoped3A_102, %dma_wait3A_163] : memref<8x128xi32, #tpu.memory_space<vmem>> -> memref<1x128xi32, #tpu.memory_space<vmem>>
        %dma_wait3A_165 = tpu.memref_squeeze %dma_wait3A_164 : memref<1x128xi32, #tpu.memory_space<vmem>> -> memref<128xi32, #tpu.memory_space<vmem>>
        %dma_wait3A_166 = arith.constant 0 : i32
        %dma_wait3A_167 = arith.constant 0 : i32
        %dma_wait3A_168 = tpu.memref_slice %arg11[%dma_wait3A_166, %dma_wait3A_167] : memref<10112x128xf32, #tpu.memory_space<vmem_shared>> -> memref<10112x128xf32, #tpu.memory_space<vmem_shared>>
        tpu.wait_indirect_dma semaphore(%run_scoped3A_156 : memref<!tpu.dma_semaphore, #tpu.memory_space<semaphore_mem>>) src(%arg10 : memref<128x128xf32, #tpu.memory_space<vmem>>) dst(%dma_wait3A_168 : memref<10112x128xf32, #tpu.memory_space<vmem_shared>>)
        tpu.yield
      }) : () -> ()
      %dma_start3A_103 = arith.constant 5 : i32
      %dma_start3A_104 = arith.constant 0 : i32
      %dma_start3A_105 = tpu.memref_slice %arg7[%dma_start3A_103, %dma_start3A_104] : memref<8x128xi32, #tpu.memory_space<vmem>> -> memref<1x128xi32, #tpu.memory_space<vmem>>
      %dma_start3A_106 = tpu.memref_squeeze %dma_start3A_105 : memref<1x128xi32, #tpu.memory_space<vmem>> -> memref<128xi32, #tpu.memory_space<vmem>>
      %dma_start3A_107 = arith.constant 0 : i32
      %dma_start3A_108 = arith.constant 0 : i32
      %dma_start3A_109 = tpu.memref_slice %arg2[%dma_start3A_107, %dma_start3A_108] : memref<10112x128xf32, #tpu.memory_space<hbm>> -> memref<10112x128xf32, #tpu.memory_space<hbm>>
      tpu.enqueue_indirect_dma source(%dma_start3A_109 : memref<10112x128xf32, #tpu.memory_space<hbm>>) target(%arg10 : memref<128x128xf32, #tpu.memory_space<vmem>>) offsets(%dma_start3A_106 : memref<128xi32, #tpu.memory_space<vmem>>) semaphore(%arg13 : memref<!tpu.dma_semaphore, #tpu.memory_space<semaphore_mem>>)
      %dma_wait3A_110 = arith.constant 4 : i32
      %dma_wait3A_111 = arith.constant 0 : i32
      %dma_wait3A_112 = tpu.memref_slice %arg7[%dma_wait3A_110, %dma_wait3A_111] : memref<8x128xi32, #tpu.memory_space<vmem>> -> memref<1x128xi32, #tpu.memory_space<vmem>>
      %dma_wait3A_113 = tpu.memref_squeeze %dma_wait3A_112 : memref<1x128xi32, #tpu.memory_space<vmem>> -> memref<128xi32, #tpu.memory_space<vmem>>
      %dma_wait3A_114 = arith.constant 0 : i32
      %dma_wait3A_115 = arith.constant 0 : i32
      %dma_wait3A_116 = tpu.memref_slice %arg2[%dma_wait3A_114, %dma_wait3A_115] : memref<10112x128xf32, #tpu.memory_space<hbm>> -> memref<10112x128xf32, #tpu.memory_space<hbm>>
      tpu.wait_indirect_dma semaphore(%arg12 : memref<!tpu.dma_semaphore, #tpu.memory_space<semaphore_mem>>) src(%dma_wait3A_116 : memref<10112x128xf32, #tpu.memory_space<hbm>>) dst(%arg9 : memref<128x128xf32, #tpu.memory_space<vmem>>)
      %run_scoped3A_117 = arith.constant 4 : i32
      "tpu.region"() ({
        %run_scoped3A_156 = tpu.sem_alloc : memref<!tpu.dma_semaphore, #tpu.memory_space<semaphore_mem>>
        %dma_start3A_157 = arith.constant 0 : i32
        %dma_start3A_158 = tpu.memref_slice %arg8[%run_scoped3A_117, %dma_start3A_157] : memref<8x128xi32, #tpu.memory_space<vmem>> -> memref<1x128xi32, #tpu.memory_space<vmem>>
        %dma_start3A_159 = tpu.memref_squeeze %dma_start3A_158 : memref<1x128xi32, #tpu.memory_space<vmem>> -> memref<128xi32, #tpu.memory_space<vmem>>
        %dma_start3A_160 = arith.constant 0 : i32
        %dma_start3A_161 = arith.constant 0 : i32
        %dma_start3A_162 = tpu.memref_slice %arg11[%dma_start3A_160, %dma_start3A_161] : memref<10112x128xf32, #tpu.memory_space<vmem_shared>> -> memref<10112x128xf32, #tpu.memory_space<vmem_shared>>
        tpu.enqueue_indirect_dma source(%arg9 : memref<128x128xf32, #tpu.memory_space<vmem>>) target(%dma_start3A_162 : memref<10112x128xf32, #tpu.memory_space<vmem_shared>>) offsets(%dma_start3A_159 : memref<128xi32, #tpu.memory_space<vmem>>) semaphore(%run_scoped3A_156 : memref<!tpu.dma_semaphore, #tpu.memory_space<semaphore_mem>>) {add = true}
        %dma_wait3A_163 = arith.constant 0 : i32
        %dma_wait3A_164 = tpu.memref_slice %arg8[%run_scoped3A_117, %dma_wait3A_163] : memref<8x128xi32, #tpu.memory_space<vmem>> -> memref<1x128xi32, #tpu.memory_space<vmem>>
        %dma_wait3A_165 = tpu.memref_squeeze %dma_wait3A_164 : memref<1x128xi32, #tpu.memory_space<vmem>> -> memref<128xi32, #tpu.memory_space<vmem>>
        %dma_wait3A_166 = arith.constant 0 : i32
        %dma_wait3A_167 = arith.constant 0 : i32
        %dma_wait3A_168 = tpu.memref_slice %arg11[%dma_wait3A_166, %dma_wait3A_167] : memref<10112x128xf32, #tpu.memory_space<vmem_shared>> -> memref<10112x128xf32, #tpu.memory_space<vmem_shared>>
        tpu.wait_indirect_dma semaphore(%run_scoped3A_156 : memref<!tpu.dma_semaphore, #tpu.memory_space<semaphore_mem>>) src(%arg9 : memref<128x128xf32, #tpu.memory_space<vmem>>) dst(%dma_wait3A_168 : memref<10112x128xf32, #tpu.memory_space<vmem_shared>>)
        tpu.yield
      }) : () -> ()
      %dma_start3A_118 = arith.constant 6 : i32
      %dma_start3A_119 = arith.constant 0 : i32
      %dma_start3A_120 = tpu.memref_slice %arg7[%dma_start3A_118, %dma_start3A_119] : memref<8x128xi32, #tpu.memory_space<vmem>> -> memref<1x128xi32, #tpu.memory_space<vmem>>
      %dma_start3A_121 = tpu.memref_squeeze %dma_start3A_120 : memref<1x128xi32, #tpu.memory_space<vmem>> -> memref<128xi32, #tpu.memory_space<vmem>>
      %dma_start3A_122 = arith.constant 0 : i32
      %dma_start3A_123 = arith.constant 0 : i32
      %dma_start3A_124 = tpu.memref_slice %arg2[%dma_start3A_122, %dma_start3A_123] : memref<10112x128xf32, #tpu.memory_space<hbm>> -> memref<10112x128xf32, #tpu.memory_space<hbm>>
      tpu.enqueue_indirect_dma source(%dma_start3A_124 : memref<10112x128xf32, #tpu.memory_space<hbm>>) target(%arg9 : memref<128x128xf32, #tpu.memory_space<vmem>>) offsets(%dma_start3A_121 : memref<128xi32, #tpu.memory_space<vmem>>) semaphore(%arg12 : memref<!tpu.dma_semaphore, #tpu.memory_space<semaphore_mem>>)
      %dma_wait3A_125 = arith.constant 5 : i32
      %dma_wait3A_126 = arith.constant 0 : i32
      %dma_wait3A_127 = tpu.memref_slice %arg7[%dma_wait3A_125, %dma_wait3A_126] : memref<8x128xi32, #tpu.memory_space<vmem>> -> memref<1x128xi32, #tpu.memory_space<vmem>>
      %dma_wait3A_128 = tpu.memref_squeeze %dma_wait3A_127 : memref<1x128xi32, #tpu.memory_space<vmem>> -> memref<128xi32, #tpu.memory_space<vmem>>
      %dma_wait3A_129 = arith.constant 0 : i32
      %dma_wait3A_130 = arith.constant 0 : i32
      %dma_wait3A_131 = tpu.memref_slice %arg2[%dma_wait3A_129, %dma_wait3A_130] : memref<10112x128xf32, #tpu.memory_space<hbm>> -> memref<10112x128xf32, #tpu.memory_space<hbm>>
      tpu.wait_indirect_dma semaphore(%arg13 : memref<!tpu.dma_semaphore, #tpu.memory_space<semaphore_mem>>) src(%dma_wait3A_131 : memref<10112x128xf32, #tpu.memory_space<hbm>>) dst(%arg10 : memref<128x128xf32, #tpu.memory_space<vmem>>)
      %run_scoped3A_132 = arith.constant 5 : i32
      "tpu.region"() ({
        %run_scoped3A_156 = tpu.sem_alloc : memref<!tpu.dma_semaphore, #tpu.memory_space<semaphore_mem>>
        %dma_start3A_157 = arith.constant 0 : i32
        %dma_start3A_158 = tpu.memref_slice %arg8[%run_scoped3A_132, %dma_start3A_157] : memref<8x128xi32, #tpu.memory_space<vmem>> -> memref<1x128xi32, #tpu.memory_space<vmem>>
        %dma_start3A_159 = tpu.memref_squeeze %dma_start3A_158 : memref<1x128xi32, #tpu.memory_space<vmem>> -> memref<128xi32, #tpu.memory_space<vmem>>
        %dma_start3A_160 = arith.constant 0 : i32
        %dma_start3A_161 = arith.constant 0 : i32
        %dma_start3A_162 = tpu.memref_slice %arg11[%dma_start3A_160, %dma_start3A_161] : memref<10112x128xf32, #tpu.memory_space<vmem_shared>> -> memref<10112x128xf32, #tpu.memory_space<vmem_shared>>
        tpu.enqueue_indirect_dma source(%arg10 : memref<128x128xf32, #tpu.memory_space<vmem>>) target(%dma_start3A_162 : memref<10112x128xf32, #tpu.memory_space<vmem_shared>>) offsets(%dma_start3A_159 : memref<128xi32, #tpu.memory_space<vmem>>) semaphore(%run_scoped3A_156 : memref<!tpu.dma_semaphore, #tpu.memory_space<semaphore_mem>>) {add = true}
        %dma_wait3A_163 = arith.constant 0 : i32
        %dma_wait3A_164 = tpu.memref_slice %arg8[%run_scoped3A_132, %dma_wait3A_163] : memref<8x128xi32, #tpu.memory_space<vmem>> -> memref<1x128xi32, #tpu.memory_space<vmem>>
        %dma_wait3A_165 = tpu.memref_squeeze %dma_wait3A_164 : memref<1x128xi32, #tpu.memory_space<vmem>> -> memref<128xi32, #tpu.memory_space<vmem>>
        %dma_wait3A_166 = arith.constant 0 : i32
        %dma_wait3A_167 = arith.constant 0 : i32
        %dma_wait3A_168 = tpu.memref_slice %arg11[%dma_wait3A_166, %dma_wait3A_167] : memref<10112x128xf32, #tpu.memory_space<vmem_shared>> -> memref<10112x128xf32, #tpu.memory_space<vmem_shared>>
        tpu.wait_indirect_dma semaphore(%run_scoped3A_156 : memref<!tpu.dma_semaphore, #tpu.memory_space<semaphore_mem>>) src(%arg10 : memref<128x128xf32, #tpu.memory_space<vmem>>) dst(%dma_wait3A_168 : memref<10112x128xf32, #tpu.memory_space<vmem_shared>>)
        tpu.yield
      }) : () -> ()
      %dma_start3A_133 = arith.constant 7 : i32
      %dma_start3A_134 = arith.constant 0 : i32
      %dma_start3A_135 = tpu.memref_slice %arg7[%dma_start3A_133, %dma_start3A_134] : memref<8x128xi32, #tpu.memory_space<vmem>> -> memref<1x128xi32, #tpu.memory_space<vmem>>
      %dma_start3A_136 = tpu.memref_squeeze %dma_start3A_135 : memref<1x128xi32, #tpu.memory_space<vmem>> -> memref<128xi32, #tpu.memory_space<vmem>>
      %dma_start3A_137 = arith.constant 0 : i32
      %dma_start3A_138 = arith.constant 0 : i32
      %dma_start3A_139 = tpu.memref_slice %arg2[%dma_start3A_137, %dma_start3A_138] : memref<10112x128xf32, #tpu.memory_space<hbm>> -> memref<10112x128xf32, #tpu.memory_space<hbm>>
      tpu.enqueue_indirect_dma source(%dma_start3A_139 : memref<10112x128xf32, #tpu.memory_space<hbm>>) target(%arg10 : memref<128x128xf32, #tpu.memory_space<vmem>>) offsets(%dma_start3A_136 : memref<128xi32, #tpu.memory_space<vmem>>) semaphore(%arg13 : memref<!tpu.dma_semaphore, #tpu.memory_space<semaphore_mem>>)
      %dma_wait3A_140 = arith.constant 6 : i32
      %dma_wait3A_141 = arith.constant 0 : i32
      %dma_wait3A_142 = tpu.memref_slice %arg7[%dma_wait3A_140, %dma_wait3A_141] : memref<8x128xi32, #tpu.memory_space<vmem>> -> memref<1x128xi32, #tpu.memory_space<vmem>>
      %dma_wait3A_143 = tpu.memref_squeeze %dma_wait3A_142 : memref<1x128xi32, #tpu.memory_space<vmem>> -> memref<128xi32, #tpu.memory_space<vmem>>
      %dma_wait3A_144 = arith.constant 0 : i32
      %dma_wait3A_145 = arith.constant 0 : i32
      %dma_wait3A_146 = tpu.memref_slice %arg2[%dma_wait3A_144, %dma_wait3A_145] : memref<10112x128xf32, #tpu.memory_space<hbm>> -> memref<10112x128xf32, #tpu.memory_space<hbm>>
      tpu.wait_indirect_dma semaphore(%arg12 : memref<!tpu.dma_semaphore, #tpu.memory_space<semaphore_mem>>) src(%dma_wait3A_146 : memref<10112x128xf32, #tpu.memory_space<hbm>>) dst(%arg9 : memref<128x128xf32, #tpu.memory_space<vmem>>)
      %run_scoped3A_147 = arith.constant 6 : i32
      "tpu.region"() ({
        %run_scoped3A_156 = tpu.sem_alloc : memref<!tpu.dma_semaphore, #tpu.memory_space<semaphore_mem>>
        %dma_start3A_157 = arith.constant 0 : i32
        %dma_start3A_158 = tpu.memref_slice %arg8[%run_scoped3A_147, %dma_start3A_157] : memref<8x128xi32, #tpu.memory_space<vmem>> -> memref<1x128xi32, #tpu.memory_space<vmem>>
        %dma_start3A_159 = tpu.memref_squeeze %dma_start3A_158 : memref<1x128xi32, #tpu.memory_space<vmem>> -> memref<128xi32, #tpu.memory_space<vmem>>
        %dma_start3A_160 = arith.constant 0 : i32
        %dma_start3A_161 = arith.constant 0 : i32
        %dma_start3A_162 = tpu.memref_slice %arg11[%dma_start3A_160, %dma_start3A_161] : memref<10112x128xf32, #tpu.memory_space<vmem_shared>> -> memref<10112x128xf32, #tpu.memory_space<vmem_shared>>
        tpu.enqueue_indirect_dma source(%arg9 : memref<128x128xf32, #tpu.memory_space<vmem>>) target(%dma_start3A_162 : memref<10112x128xf32, #tpu.memory_space<vmem_shared>>) offsets(%dma_start3A_159 : memref<128xi32, #tpu.memory_space<vmem>>) semaphore(%run_scoped3A_156 : memref<!tpu.dma_semaphore, #tpu.memory_space<semaphore_mem>>) {add = true}
        %dma_wait3A_163 = arith.constant 0 : i32
        %dma_wait3A_164 = tpu.memref_slice %arg8[%run_scoped3A_147, %dma_wait3A_163] : memref<8x128xi32, #tpu.memory_space<vmem>> -> memref<1x128xi32, #tpu.memory_space<vmem>>
        %dma_wait3A_165 = tpu.memref_squeeze %dma_wait3A_164 : memref<1x128xi32, #tpu.memory_space<vmem>> -> memref<128xi32, #tpu.memory_space<vmem>>
        %dma_wait3A_166 = arith.constant 0 : i32
        %dma_wait3A_167 = arith.constant 0 : i32
        %dma_wait3A_168 = tpu.memref_slice %arg11[%dma_wait3A_166, %dma_wait3A_167] : memref<10112x128xf32, #tpu.memory_space<vmem_shared>> -> memref<10112x128xf32, #tpu.memory_space<vmem_shared>>
        tpu.wait_indirect_dma semaphore(%run_scoped3A_156 : memref<!tpu.dma_semaphore, #tpu.memory_space<semaphore_mem>>) src(%arg9 : memref<128x128xf32, #tpu.memory_space<vmem>>) dst(%dma_wait3A_168 : memref<10112x128xf32, #tpu.memory_space<vmem_shared>>)
        tpu.yield
      }) : () -> ()
      %dma_wait3A_148 = arith.constant 7 : i32
      %dma_wait3A_149 = arith.constant 0 : i32
      %dma_wait3A_150 = tpu.memref_slice %arg7[%dma_wait3A_148, %dma_wait3A_149] : memref<8x128xi32, #tpu.memory_space<vmem>> -> memref<1x128xi32, #tpu.memory_space<vmem>>
      %dma_wait3A_151 = tpu.memref_squeeze %dma_wait3A_150 : memref<1x128xi32, #tpu.memory_space<vmem>> -> memref<128xi32, #tpu.memory_space<vmem>>
      %dma_wait3A_152 = arith.constant 0 : i32
      %dma_wait3A_153 = arith.constant 0 : i32
      %dma_wait3A_154 = tpu.memref_slice %arg2[%dma_wait3A_152, %dma_wait3A_153] : memref<10112x128xf32, #tpu.memory_space<hbm>> -> memref<10112x128xf32, #tpu.memory_space<hbm>>
      tpu.wait_indirect_dma semaphore(%arg13 : memref<!tpu.dma_semaphore, #tpu.memory_space<semaphore_mem>>) src(%dma_wait3A_154 : memref<10112x128xf32, #tpu.memory_space<hbm>>) dst(%arg10 : memref<128x128xf32, #tpu.memory_space<vmem>>)
      %run_scoped3A_155 = arith.constant 7 : i32
      "tpu.region"() ({
        %run_scoped3A_156 = tpu.sem_alloc : memref<!tpu.dma_semaphore, #tpu.memory_space<semaphore_mem>>
        %dma_start3A_157 = arith.constant 0 : i32
        %dma_start3A_158 = tpu.memref_slice %arg8[%run_scoped3A_155, %dma_start3A_157] : memref<8x128xi32, #tpu.memory_space<vmem>> -> memref<1x128xi32, #tpu.memory_space<vmem>>
        %dma_start3A_159 = tpu.memref_squeeze %dma_start3A_158 : memref<1x128xi32, #tpu.memory_space<vmem>> -> memref<128xi32, #tpu.memory_space<vmem>>
        %dma_start3A_160 = arith.constant 0 : i32
        %dma_start3A_161 = arith.constant 0 : i32
        %dma_start3A_162 = tpu.memref_slice %arg11[%dma_start3A_160, %dma_start3A_161] : memref<10112x128xf32, #tpu.memory_space<vmem_shared>> -> memref<10112x128xf32, #tpu.memory_space<vmem_shared>>
        tpu.enqueue_indirect_dma source(%arg10 : memref<128x128xf32, #tpu.memory_space<vmem>>) target(%dma_start3A_162 : memref<10112x128xf32, #tpu.memory_space<vmem_shared>>) offsets(%dma_start3A_159 : memref<128xi32, #tpu.memory_space<vmem>>) semaphore(%run_scoped3A_156 : memref<!tpu.dma_semaphore, #tpu.memory_space<semaphore_mem>>) {add = true}
        %dma_wait3A_163 = arith.constant 0 : i32
        %dma_wait3A_164 = tpu.memref_slice %arg8[%run_scoped3A_155, %dma_wait3A_163] : memref<8x128xi32, #tpu.memory_space<vmem>> -> memref<1x128xi32, #tpu.memory_space<vmem>>
        %dma_wait3A_165 = tpu.memref_squeeze %dma_wait3A_164 : memref<1x128xi32, #tpu.memory_space<vmem>> -> memref<128xi32, #tpu.memory_space<vmem>>
        %dma_wait3A_166 = arith.constant 0 : i32
        %dma_wait3A_167 = arith.constant 0 : i32
        %dma_wait3A_168 = tpu.memref_slice %arg11[%dma_wait3A_166, %dma_wait3A_167] : memref<10112x128xf32, #tpu.memory_space<vmem_shared>> -> memref<10112x128xf32, #tpu.memory_space<vmem_shared>>
        tpu.wait_indirect_dma semaphore(%run_scoped3A_156 : memref<!tpu.dma_semaphore, #tpu.memory_space<semaphore_mem>>) src(%arg10 : memref<128x128xf32, #tpu.memory_space<vmem>>) dst(%dma_wait3A_168 : memref<10112x128xf32, #tpu.memory_space<vmem_shared>>)
        tpu.yield
      }) : () -> ()
    }
    %barrier3A_29 = arith.constant 0 : index
    tpu.barrier barrier_id(%barrier3A_29)
    "tpu.region"() ({
      %run_scoped3A = tpu.sem_alloc : memref<!tpu.dma_semaphore, #tpu.memory_space<semaphore_mem>>
      %dma_start3A = arith.constant 0 : i32
      %dma_start3A_30 = tpu.memref_slice %arg6[%arg0, %mul3A_12, %dma_start3A] : memref<2x10112x128xf32, #tpu.memory_space<hbm>> -> memref<1x632x128xf32, #tpu.memory_space<hbm>>
      %dma_start3A_31 = tpu.memref_squeeze %dma_start3A_30 : memref<1x632x128xf32, #tpu.memory_space<hbm>> -> memref<632x128xf32, #tpu.memory_space<hbm>>
      %dma_start3A_32 = arith.constant 0 : i32
      %dma_start3A_33 = tpu.memref_slice %arg11[%mul3A_12, %dma_start3A_32] : memref<10112x128xf32, #tpu.memory_space<vmem_shared>> -> memref<632x128xf32, #tpu.memory_space<vmem_shared>>
      tpu.enqueue_dma source(%dma_start3A_33 : memref<632x128xf32, #tpu.memory_space<vmem_shared>>) target(%dma_start3A_31 : memref<632x128xf32, #tpu.memory_space<hbm>>) target_semaphore(%run_scoped3A : memref<!tpu.dma_semaphore, #tpu.memory_space<semaphore_mem>>)
      %dma_wait3A = arith.constant 0 : i32
      %dma_wait3A_34 = tpu.memref_slice %arg6[%arg0, %mul3A_12, %dma_wait3A] : memref<2x10112x128xf32, #tpu.memory_space<hbm>> -> memref<1x632x128xf32, #tpu.memory_space<hbm>>
      %dma_wait3A_35 = tpu.memref_squeeze %dma_wait3A_34 : memref<1x632x128xf32, #tpu.memory_space<hbm>> -> memref<632x128xf32, #tpu.memory_space<hbm>>
      %dma_wait3A_36 = arith.constant 0 : i32
      %dma_wait3A_37 = tpu.memref_slice %arg11[%mul3A_12, %dma_wait3A_36] : memref<10112x128xf32, #tpu.memory_space<vmem_shared>> -> memref<632x128xf32, #tpu.memory_space<vmem_shared>>
      tpu.wait_dma2 semaphore(%run_scoped3A : memref<!tpu.dma_semaphore, #tpu.memory_space<semaphore_mem>>) src(%dma_wait3A_37 : memref<632x128xf32, #tpu.memory_space<vmem_shared>>) dst(%dma_wait3A_35 : memref<632x128xf32, #tpu.memory_space<hbm>>)
      tpu.yield
    }) : () -> ()
    return
  }
}

module attributes {stable_mosaic.version = 14 : i64} {
  func.func @_tc_front(%arg0: memref<2x10112x128xf32, #tpu.memory_space<vmem>>, %arg1: memref<10112x128xf32, #tpu.memory_space<vmem>>, %arg2: memref<128x128xf32, #tpu.memory_space<vmem>>, %arg3: memref<1x128xf32, #tpu.memory_space<vmem>>, %arg4: memref<128x128xf32, #tpu.memory_space<vmem>>, %arg5: memref<10112x128xf32, #tpu.memory_space<vmem>>) attributes {dimension_semantics = [], scalar_prefetch = 0 : i64, scratch_operands = 0 : i64, tpu.core_type = #tpu.core_type<tc>} {
    %get3A = arith.constant 0 : index
    %get3A_0 = arith.constant 0 : index
    %get3A_1 = arith.constant 0 : index
    %get3A_2 = vector.load %arg0[%get3A, %get3A_0, %get3A_1] : memref<2x10112x128xf32, #tpu.memory_space<vmem>>, vector<1x10112x128xf32>
    %get3A_3 = vector.shape_cast %get3A_2 : vector<1x10112x128xf32> to vector<10112x128xf32>
    %get3A_4 = arith.constant 1 : index
    %get3A_5 = arith.constant 0 : index
    %get3A_6 = arith.constant 0 : index
    %get3A_7 = vector.load %arg0[%get3A_4, %get3A_5, %get3A_6] : memref<2x10112x128xf32, #tpu.memory_space<vmem>>, vector<1x10112x128xf32>
    %get3A_8 = vector.shape_cast %get3A_7 : vector<1x10112x128xf32> to vector<10112x128xf32>
    %add3A = arith.addf %get3A_3, %get3A_8 : vector<10112x128xf32>
    %add3A_9 = arith.constant 1.000000e+00 : f32
    %add3A_10 = vector.broadcast %add3A_9 : f32 to vector<10112x128xf32>
    %add3A_11 = arith.addf %add3A, %add3A_10 : vector<10112x128xf32>
    %max3A = arith.constant 9.99999996E-13 : f32
    %max3A_12 = vector.broadcast %max3A : f32 to vector<10112x128xf32>
    %max3A_13 = arith.maximumf %add3A_11, %max3A_12 : vector<10112x128xf32>
    %rsqrt3A = math.rsqrt %max3A_13 : vector<10112x128xf32>
    %get3A_14 = arith.constant 0 : index
    %get3A_15 = arith.constant 0 : index
    %get3A_16 = vector.load %arg1[%get3A_14, %get3A_15] : memref<10112x128xf32, #tpu.memory_space<vmem>>, vector<10112x128xf32>
    %get3A_17 = arith.constant 0 : index
    %get3A_18 = arith.constant 0 : index
    %get3A_19 = vector.load %arg2[%get3A_17, %get3A_18] : memref<128x128xf32, #tpu.memory_space<vmem>>, vector<128x128xf32>
    %dot_general3A = arith.constant dense<0.000000e+00> : vector<10112x128xf32>
    %dot_general3A_20 = tpu.matmul %get3A_16, %get3A_19, %dot_general3A {dimension_numbers = #tpu.dot_dimension_numbers<[1], [0], [0], [1], [0, 0, 1, 1], [], []>, transpose_lhs_hint = false} : vector<10112x128xf32>, vector<128x128xf32>, vector<10112x128xf32> -> vector<10112x128xf32>
    %get3A_21 = arith.constant 0 : index
    %get3A_22 = arith.constant 0 : index
    %get3A_23 = vector.load %arg3[%get3A_21, %get3A_22] : memref<1x128xf32, #tpu.memory_space<vmem>>, vector<1x128xf32>
    %add3A_24 = vector.broadcast %get3A_23 : vector<1x128xf32> to vector<10112x128xf32>
    %add3A_25 = arith.addf %dot_general3A_20, %add3A_24 : vector<10112x128xf32>
    %get3A_26 = arith.constant 0 : index
    %get3A_27 = arith.constant 0 : index
    %get3A_28 = vector.load %arg4[%get3A_26, %get3A_27] : memref<128x128xf32, #tpu.memory_space<vmem>>, vector<128x128xf32>
    %dot_general3A_29 = arith.constant dense<0.000000e+00> : vector<10112x128xf32>
    %dot_general3A_30 = tpu.matmul %add3A_25, %get3A_28, %dot_general3A_29 {dimension_numbers = #tpu.dot_dimension_numbers<[1], [0], [0], [1], [0, 0, 1, 1], [], []>, transpose_lhs_hint = false} : vector<10112x128xf32>, vector<128x128xf32>, vector<10112x128xf32> -> vector<10112x128xf32>
    %mul3A = arith.mulf %dot_general3A_30, %rsqrt3A : vector<10112x128xf32>
    %swap3A = arith.constant 0 : index
    %swap3A_31 = arith.constant 0 : index
    %swap3A_32 = vector.load %arg5[%swap3A, %swap3A_31] : memref<10112x128xf32, #tpu.memory_space<vmem>>, vector<10112x128xf32>
    tpu.vector_store %arg5[%swap3A, %swap3A_31], %mul3A {strides = array<i32>} : memref<10112x128xf32, #tpu.memory_space<vmem>>, vector<10112x128xf32>,
    return
  }
}

module attributes {stable_mosaic.version = 14 : i64} {
  func.func @_tc_out(%arg0: memref<2x10112x128xf32, #tpu.memory_space<vmem>>, %arg1: memref<2x10112x128xf32, #tpu.memory_space<vmem>>, %arg2: memref<10112x128xf32, #tpu.memory_space<vmem>>, %arg3: memref<128x128xf32, #tpu.memory_space<vmem>>, %arg4: memref<1x128xf32, #tpu.memory_space<vmem>>, %arg5: memref<1x128xf32, #tpu.memory_space<vmem>>, %arg6: memref<10000x128xf32, #tpu.memory_space<vmem>>) attributes {dimension_semantics = [], scalar_prefetch = 0 : i64, scratch_operands = 0 : i64, tpu.core_type = #tpu.core_type<tc>} {
    %get3A = arith.constant 0 : index
    %get3A_0 = arith.constant 0 : index
    %get3A_1 = arith.constant 0 : index
    %get3A_2 = vector.load %arg0[%get3A, %get3A_0, %get3A_1] : memref<2x10112x128xf32, #tpu.memory_space<vmem>>, vector<1x10112x128xf32>
    %get3A_3 = vector.shape_cast %get3A_2 : vector<1x10112x128xf32> to vector<10112x128xf32>
    %get3A_4 = arith.constant 1 : index
    %get3A_5 = arith.constant 0 : index
    %get3A_6 = arith.constant 0 : index
    %get3A_7 = vector.load %arg0[%get3A_4, %get3A_5, %get3A_6] : memref<2x10112x128xf32, #tpu.memory_space<vmem>>, vector<1x10112x128xf32>
    %get3A_8 = vector.shape_cast %get3A_7 : vector<1x10112x128xf32> to vector<10112x128xf32>
    %add3A = arith.addf %get3A_3, %get3A_8 : vector<10112x128xf32>
    %add3A_9 = arith.constant 1.000000e+00 : f32
    %add3A_10 = vector.broadcast %add3A_9 : f32 to vector<10112x128xf32>
    %add3A_11 = arith.addf %add3A, %add3A_10 : vector<10112x128xf32>
    %max3A = arith.constant 9.99999996E-13 : f32
    %max3A_12 = vector.broadcast %max3A : f32 to vector<10112x128xf32>
    %max3A_13 = arith.maximumf %add3A_11, %max3A_12 : vector<10112x128xf32>
    %rsqrt3A = math.rsqrt %max3A_13 : vector<10112x128xf32>
    %get3A_14 = arith.constant 0 : index
    %get3A_15 = arith.constant 0 : index
    %get3A_16 = arith.constant 0 : index
    %get3A_17 = vector.load %arg1[%get3A_14, %get3A_15, %get3A_16] : memref<2x10112x128xf32, #tpu.memory_space<vmem>>, vector<1x10112x128xf32>
    %get3A_18 = vector.shape_cast %get3A_17 : vector<1x10112x128xf32> to vector<10112x128xf32>
    %get3A_19 = arith.constant 1 : index
    %get3A_20 = arith.constant 0 : index
    %get3A_21 = arith.constant 0 : index
    %get3A_22 = vector.load %arg1[%get3A_19, %get3A_20, %get3A_21] : memref<2x10112x128xf32, #tpu.memory_space<vmem>>, vector<1x10112x128xf32>
    %get3A_23 = vector.shape_cast %get3A_22 : vector<1x10112x128xf32> to vector<10112x128xf32>
    %add3A_24 = arith.addf %get3A_18, %get3A_23 : vector<10112x128xf32>
    %get3A_25 = arith.constant 0 : index
    %get3A_26 = arith.constant 0 : index
    %get3A_27 = vector.load %arg2[%get3A_25, %get3A_26] : memref<10112x128xf32, #tpu.memory_space<vmem>>, vector<10112x128xf32>
    %add3A_28 = arith.addf %add3A_24, %get3A_27 : vector<10112x128xf32>
    %mul3A = arith.mulf %add3A_28, %rsqrt3A : vector<10112x128xf32>
    %get3A_29 = arith.constant 0 : index
    %get3A_30 = arith.constant 0 : index
    %get3A_31 = vector.load %arg4[%get3A_29, %get3A_30] : memref<1x128xf32, #tpu.memory_space<vmem>>, vector<1x128xf32>
    %add3A_32 = vector.broadcast %get3A_31 : vector<1x128xf32> to vector<10112x128xf32>
    %add3A_33 = arith.addf %mul3A, %add3A_32 : vector<10112x128xf32>
    %max3A_34 = arith.constant 0.000000e+00 : f32
    %max3A_35 = vector.broadcast %max3A_34 : f32 to vector<10112x128xf32>
    %max3A_36 = arith.maximumf %add3A_33, %max3A_35 : vector<10112x128xf32>
    %get3A_37 = arith.constant 0 : index
    %get3A_38 = arith.constant 0 : index
    %get3A_39 = vector.load %arg3[%get3A_37, %get3A_38] : memref<128x128xf32, #tpu.memory_space<vmem>>, vector<128x128xf32>
    %dot_general3A = arith.constant dense<0.000000e+00> : vector<10112x128xf32>
    %dot_general3A_40 = tpu.matmul %max3A_36, %get3A_39, %dot_general3A {dimension_numbers = #tpu.dot_dimension_numbers<[1], [0], [0], [1], [0, 0, 1, 1], [], []>, transpose_lhs_hint = false} : vector<10112x128xf32>, vector<128x128xf32>, vector<10112x128xf32> -> vector<10112x128xf32>
    %get3A_41 = arith.constant 0 : index
    %get3A_42 = arith.constant 0 : index
    %get3A_43 = vector.load %arg5[%get3A_41, %get3A_42] : memref<1x128xf32, #tpu.memory_space<vmem>>, vector<1x128xf32>
    %add3A_44 = vector.broadcast %get3A_43 : vector<1x128xf32> to vector<10112x128xf32>
    %add3A_45 = arith.addf %dot_general3A_40, %add3A_44 : vector<10112x128xf32>
    %slice3A = vector.extract_strided_slice %add3A_45 {offsets = [0, 0], sizes = [10000, 128], strides = [1, 1]} : vector<10112x128xf32> to vector<10000x128xf32>
    %swap3A = arith.constant 0 : index
    %swap3A_46 = arith.constant 0 : index
    %swap3A_47 = vector.load %arg6[%swap3A, %swap3A_46] : memref<10000x128xf32, #tpu.memory_space<vmem>>, vector<10000x128xf32>
    tpu.vector_store %arg6[%swap3A, %swap3A_46], %slice3A {strides = array<i32>} : memref<10000x128xf32, #tpu.memory_space<vmem>>, vector<10000x128xf32>,
    return
  }
}

module attributes {stable_mosaic.version = 14 : i64} {
  func.func @_tc_mid(%arg0: memref<2x10112x128xf32, #tpu.memory_space<vmem>>, %arg1: memref<2x10112x128xf32, #tpu.memory_space<vmem>>, %arg2: memref<10112x128xf32, #tpu.memory_space<vmem>>, %arg3: memref<128x128xf32, #tpu.memory_space<vmem>>, %arg4: memref<1x128xf32, #tpu.memory_space<vmem>>, %arg5: memref<10112x128xf32, #tpu.memory_space<vmem>>) attributes {dimension_semantics = [], scalar_prefetch = 0 : i64, scratch_operands = 0 : i64, tpu.core_type = #tpu.core_type<tc>} {
    %get3A = arith.constant 0 : index
    %get3A_0 = arith.constant 0 : index
    %get3A_1 = arith.constant 0 : index
    %get3A_2 = vector.load %arg0[%get3A, %get3A_0, %get3A_1] : memref<2x10112x128xf32, #tpu.memory_space<vmem>>, vector<1x10112x128xf32>
    %get3A_3 = vector.shape_cast %get3A_2 : vector<1x10112x128xf32> to vector<10112x128xf32>
    %get3A_4 = arith.constant 1 : index
    %get3A_5 = arith.constant 0 : index
    %get3A_6 = arith.constant 0 : index
    %get3A_7 = vector.load %arg0[%get3A_4, %get3A_5, %get3A_6] : memref<2x10112x128xf32, #tpu.memory_space<vmem>>, vector<1x10112x128xf32>
    %get3A_8 = vector.shape_cast %get3A_7 : vector<1x10112x128xf32> to vector<10112x128xf32>
    %add3A = arith.addf %get3A_3, %get3A_8 : vector<10112x128xf32>
    %add3A_9 = arith.constant 1.000000e+00 : f32
    %add3A_10 = vector.broadcast %add3A_9 : f32 to vector<10112x128xf32>
    %add3A_11 = arith.addf %add3A, %add3A_10 : vector<10112x128xf32>
    %max3A = arith.constant 9.99999996E-13 : f32
    %max3A_12 = vector.broadcast %max3A : f32 to vector<10112x128xf32>
    %max3A_13 = arith.maximumf %add3A_11, %max3A_12 : vector<10112x128xf32>
    %rsqrt3A = math.rsqrt %max3A_13 : vector<10112x128xf32>
    %get3A_14 = arith.constant 0 : index
    %get3A_15 = arith.constant 0 : index
    %get3A_16 = arith.constant 0 : index
    %get3A_17 = vector.load %arg1[%get3A_14, %get3A_15, %get3A_16] : memref<2x10112x128xf32, #tpu.memory_space<vmem>>, vector<1x10112x128xf32>
    %get3A_18 = vector.shape_cast %get3A_17 : vector<1x10112x128xf32> to vector<10112x128xf32>
    %get3A_19 = arith.constant 1 : index
    %get3A_20 = arith.constant 0 : index
    %get3A_21 = arith.constant 0 : index
    %get3A_22 = vector.load %arg1[%get3A_19, %get3A_20, %get3A_21] : memref<2x10112x128xf32, #tpu.memory_space<vmem>>, vector<1x10112x128xf32>
    %get3A_23 = vector.shape_cast %get3A_22 : vector<1x10112x128xf32> to vector<10112x128xf32>
    %add3A_24 = arith.addf %get3A_18, %get3A_23 : vector<10112x128xf32>
    %get3A_25 = arith.constant 0 : index
    %get3A_26 = arith.constant 0 : index
    %get3A_27 = vector.load %arg2[%get3A_25, %get3A_26] : memref<10112x128xf32, #tpu.memory_space<vmem>>, vector<10112x128xf32>
    %add3A_28 = arith.addf %add3A_24, %get3A_27 : vector<10112x128xf32>
    %mul3A = arith.mulf %add3A_28, %rsqrt3A : vector<10112x128xf32>
    %get3A_29 = arith.constant 0 : index
    %get3A_30 = arith.constant 0 : index
    %get3A_31 = vector.load %arg4[%get3A_29, %get3A_30] : memref<1x128xf32, #tpu.memory_space<vmem>>, vector<1x128xf32>
    %add3A_32 = vector.broadcast %get3A_31 : vector<1x128xf32> to vector<10112x128xf32>
    %add3A_33 = arith.addf %mul3A, %add3A_32 : vector<10112x128xf32>
    %max3A_34 = arith.constant 0.000000e+00 : f32
    %max3A_35 = vector.broadcast %max3A_34 : f32 to vector<10112x128xf32>
    %max3A_36 = arith.maximumf %add3A_33, %max3A_35 : vector<10112x128xf32>
    %get3A_37 = arith.constant 0 : index
    %get3A_38 = arith.constant 0 : index
    %get3A_39 = vector.load %arg3[%get3A_37, %get3A_38] : memref<128x128xf32, #tpu.memory_space<vmem>>, vector<128x128xf32>
    %dot_general3A = arith.constant dense<0.000000e+00> : vector<10112x128xf32>
    %dot_general3A_40 = tpu.matmul %max3A_36, %get3A_39, %dot_general3A {dimension_numbers = #tpu.dot_dimension_numbers<[1], [0], [0], [1], [0, 0, 1, 1], [], []>, transpose_lhs_hint = false} : vector<10112x128xf32>, vector<128x128xf32>, vector<10112x128xf32> -> vector<10112x128xf32>
    %mul3A_41 = arith.mulf %dot_general3A_40, %rsqrt3A : vector<10112x128xf32>
    %swap3A = arith.constant 0 : index
    %swap3A_42 = arith.constant 0 : index
    %swap3A_43 = vector.load %arg5[%swap3A, %swap3A_42] : memref<10112x128xf32, #tpu.memory_space<vmem>>, vector<10112x128xf32>
    tpu.vector_store %arg5[%swap3A, %swap3A_42], %mul3A_41 {strides = array<i32>} : memref<10112x128xf32, #tpu.memory_space<vmem>>, vector<10112x128xf32>,
    return
  }
}

</mosaic_0001>

<sc_bundles>
// kernel: kernel.11.cloned.1.call-start
scs
__scs_entry_jumppad:
0x0: {  	(pc) =	sbr.rel $0x88, $3  }
0x1: {  	(tag) =	ssettag $0x0;
	lr =	simm.s32 $0x1  }
0x2: {  	[smem:$0x3F97] =	sst lr;
	_ =	strace $0xD0000000  }
0x3: {  	_ = 	snop  }
0x4: {  	_ = 	snop  }
0x5: {  	_ = 	snop  }
0x6: {  	_ = 	snop  }
0x7: {  	_ = 	snop  }
__scs_overlays_trampoline_lowered:
0x8: {  	[smem:$0x3FA6] =	sst s0  }
0x9: {  	[smem:$0x3FA7] =	sst s1  }
0xa: {  	[smem:$0x3FA8] =	sst s2  }
0xb: {  	[smem:$0x3FA9] =	sst s3  }
0xc: {  	[smem:$0x3FAA] =	sst s4  }
0xd: {  	[smem:$0x3FAB] =	sst s5  }
0xe: {  	[smem:$0x3FAC] =	sst s6  }
0xf: {  	[smem:$0x3FAD] =	sst s7  }
0x10: {  	[smem:$0x3FAE] =	sst s8  }
0x11: {  	[smem:$0x3FAF] =	sst s9;
	s0 =	simm.s32 @!p0 $0x0  }
0x12: {  	s1 =	sld [smem:$0x3F95];
	s0 =	simm.s32 @p0 $0x1  }
0x13: {  	[smem:$0x3FB0] =	sst s0;
	s0 =	simm.s32 @!p1 $0x0  }
0x14: {  	s2 =	sld [smem:$0x3F94];
	s0 =	simm.s32 @p1 $0x1  }
0x15: {  	[smem:$0x3FB1] =	sst s0;
	s0 =	simm.s32 @!p2 $0x0  }
0x16: {  	s3 =	sld [smem:$0x3FDB];
	s0 =	simm.s32 @p2 $0x1  }
0x17: {  	s4 =	simm.s32 $0x1BF5;
	[smem:$0x3FB3] =	sst s0  }
0x18: {  	s0 =	sld [smem:$0x3F96];
	_ =	swait.ge [sflag:s4], $0x0  }
0x19: {  	s7 =	sld [smem:$0x3F97]  }
0x1a: {  	s8 =	sadd.s32 $0xFFFFE003, lr  }
0x1b: {  	s9 =	sadd.s32 $0xFFFFFEF7, lr;
	s5 =	simm.s32 $0xFFFFFFFF;
	p2 =	slt.u32 s8, $0xFFFFF086  }
0x1c: {  	p1 =	slt.u32 s9, $0xF7A;
	s5 =	simm.s32 @!p2 $0x0  }
0x1d: {  	s5 =	simm.s32 @p1 $0x1;
	p0 =	seq.s32 s7, s2  }
0x1e: {  	s7 =	smul.u32 @!p0 $0xF7A, s2;
	p2 =	seq.s32 @!p0 s5, $0x0  }
0x1f: {  	s9 =	smul.u32 $0xF7A, s1;
	s8 =	simm.s32 @!p0 $0x1BF5;
	p2 =	por !p2, p0  }
0x20: {  	[sflag:s8] =	ssyncset.s32 @!p0 $0xFFFFF086;
	s6 =	sadd.s32 @!p0 s3, s7;
	s7 =	simm.s32 @!p0 $0x108  }
0x21: {  	s3 =	sadd.s32 s3, s9;
	s6 =	sadd.s32 @!p0 $0x88, s6;
	s7 =	simm.s32 @p2 $0x1082  }
0x22: {  	[simem:s7], [sflag:s8] =	dma.local @!p0 [hbm:s6], $0xF7A  }
0x23: {  	s9 =	sor.u32 $0xD0000000, s2;
	s6 =	simm.s32 $0x108;
	_ =	swait.ge @!p0 [sflag:s8], $0x0  }
0x24: {  	s3 =	sadd.s32 $0x88, s3;
	s6 =	simm.s32 @!p1 $0x1082;
	[sflag:s4] =	ssyncset.s32 $0xFFFFF086  }
0x25: {  	[simem:s6], [sflag:s4] =	dma.local [hbm:s3], $0xF7A  }
0x26: {  	[smem:$0x3F97] =	sst s1;
	(tag) =	ssettag s2;
	_ =	strace s9  }
0x27: {  	s1 =	sld [smem:$0x3FA7]  }
0x28: {  	s2 =	sld [smem:$0x3FA8]  }
0x29: {  	s4 =	sld [smem:$0x3FAA]  }
0x2a: {  	p0 =	seq.s32 s5, $0x0;
	s5 =	sld [smem:$0x3FAB]  }
0x2b: {  	s6 =	sld [smem:$0x3FAC]  }
0x2c: {  	s7 =	sld [smem:$0x3FAD]  }
0x2d: {  	s3 =	simm.s32 $0x108;
	s8 =	sld [smem:$0x3FAE]  }
0x2e: {  	s3 =	simm.s32 @!p0 $0x1082;
	s9 =	sld [smem:$0x3FAF]  }
0x2f: {  	lr =	sadd.s32 s0, s3;
	s0 =	sld [smem:$0x3FA6]  }
0x30: {  	s3 =	sld [smem:$0x3FA9]  }
0x31: {  	[smem:$0x3FB2] =	sst s10  }
0x32: {  	s10 =	sld [smem:$0x3FB0];
	_ =	sdelay $0x3  }
0x33: {  	p0 =	seq.s32 s10, $0x1;
	s10 =	sld [smem:$0x3FB2];
	_ =	sdelay $0x3  }
0x34: {  	[smem:$0x3FB2] =	sst s10  }
0x35: {  	s10 =	sld [smem:$0x3FB1];
	_ =	sdelay $0x3  }
0x36: {  	p1 =	seq.s32 s10, $0x1;
	s10 =	sld [smem:$0x3FB2];
	_ =	sdelay $0x3  }
0x37: {  	[smem:$0x3FB2] =	sst s10  }
0x38: {  	s10 =	sld [smem:$0x3FB3]  }
0x39: {  	_ = 	snop;
	(pc) =	sbr.ind lr, $3  }
0x3a: {  	_ = 	snop  }
0x3b: {  	_ = 	snop  }
0x3c: {  	p2 =	seq.s32 s10, $0x1;
	s10 =	sld [smem:$0x3FB2]  }
0x3d: {  	_ =	shalt  }
0x3e: {  	_ =	shalt  }
0x3f: {  	_ =	shalt  }
0x40: {  	_ =	shalt  }
0x41: {  	_ =	shalt  }
0x42: {  	_ =	shalt  }
0x43: {  	_ =	shalt  }
0x44: {  	_ =	shalt  }
0x45: {  	_ =	shalt  }
0x46: {  	_ =	shalt  }
0x47: {  	_ =	shalt  }
0x48: {  	_ =	shalt  }
0x49: {  	_ =	shalt  }
0x4a: {  	_ =	shalt  }
0x4b: {  	_ =	shalt  }
0x4c: {  	_ =	shalt  }
0x4d: {  	_ =	shalt  }
0x4e: {  	_ =	shalt  }
0x4f: {  	_ =	shalt  }
0x50: {  	_ =	shalt  }
0x51: {  	_ =	shalt  }
0x52: {  	_ =	shalt  }
0x53: {  	_ =	shalt  }
0x54: {  	_ =	shalt  }
0x55: {  	_ =	shalt  }
0x56: {  	_ =	shalt  }
0x57: {  	_ =	shalt  }
0x58: {  	_ =	shalt  }
0x59: {  	_ =	shalt  }
0x5a: {  	_ =	shalt  }
0x5b: {  	_ =	shalt  }
0x5c: {  	_ =	shalt  }
0x5d: {  	_ =	shalt  }
0x5e: {  	_ =	shalt  }
0x5f: {  	_ =	shalt  }
0x60: {  	_ =	shalt  }
0x61: {  	_ =	shalt  }
0x62: {  	_ =	shalt  }
0x63: {  	_ =	shalt  }
0x64: {  	_ =	shalt  }
0x65: {  	_ =	shalt  }
0x66: {  	_ =	shalt  }
0x67: {  	_ =	shalt  }
0x68: {  	_ =	shalt  }
0x69: {  	_ =	shalt  }
0x6a: {  	_ =	shalt  }
0x6b: {  	_ =	shalt  }
0x6c: {  	_ =	shalt  }
0x6d: {  	_ =	shalt  }
0x6e: {  	_ =	shalt  }
0x6f: {  	_ =	shalt  }
0x70: {  	_ =	shalt  }
0x71: {  	_ =	shalt  }
0x72: {  	_ =	shalt  }
0x73: {  	_ =	shalt  }
0x74: {  	_ =	shalt  }
0x75: {  	_ =	shalt  }
0x76: {  	_ =	shalt  }
0x77: {  	_ =	shalt  }
0x78: {  	_ =	shalt  }
0x79: {  	_ =	shalt  }
0x7a: {  	_ =	shalt  }
0x7b: {  	_ =	shalt  }
0x7c: {  	_ =	shalt  }
0x7d: {  	_ =	shalt  }
0x7e: {  	_ =	shalt  }
0x7f: {  	_ =	shalt  }
0x80: {  	_ =	shalt  }
0x81: {  	_ =	shalt  }
0x82: {  	_ =	shalt  }
0x83: {  	_ =	shalt  }
0x84: {  	_ =	shalt  }
0x85: {  	_ =	shalt  }
0x86: {  	_ =	shalt  }
0x87: {  	_ =	shalt  }
.Lfunc_end0:
.L_simem_size_0:
called_computation.1_lowered:
.L_overlay_start_0:
0x88: {  	s2 =	sld [smem:$0x3FD9]  }
0x89: {  	s3 =	sld [smem:$0x3FFE];
	_ =	sdelay $0x1  }
0x8a: {  	s1 =	srdreg.scid  }
0x8b: {  	s0 =	sand.u32 $0x1, s1  }
0x8c: {  	s17 =	sshll.u32 s0, $0xA;
	s2 =	sadd.s32 s3, s2  }
0x8d: {  	s2 =	sadd.s32 s2, s17  }
0x8e: {  	[smem:$0x3FBE] =	sst s2  }
0x8f: {  	_ = 	snop  }
0x90: {  	s2 =	sld [smem:$0x3FD0];
	(tm) =	ssettm $0x1  }
0x91: {  	s18 =	sld [smem:$0x3FFB];
	_ =	sdelay $0x3  }
0x92: {  	_ =	strace s18  }
0x93: {  	s3 =	sld [smem:$0x3FFC];
	_ =	sdelay $0x3  }
0x94: {  	_ =	strace s3  }
0x95: {  	s3 =	sld [smem:$0x3FFD];
	_ =	sdelay $0x3  }
0x96: {  	_ =	strace s3  }
0x97: {  	_ =	strace $0x8FFFFFFF  }
0x98: {  	s19 =	sld [smem:$0x3FDB];
	_ =	sdelay $0x1  }
0x99: {  	s4 =	simm.s32 $_scs_section_size  }
0x9a: {  	s5 =	simm.s32 $_size__tile_overlayer_lowered;
	s6 =	simm.s32 $_tile_overlayer_lowered  }
0x9b: {  	s22 =	simm.s32 $0x1BFF;
	s21 =	sshll.u32 s6, $0x1;
	s3 =	sadd.s32 s4, s19  }
0x9c: {  	s7 =	simm.s32 $0x0;
	s20 =	sshll.u32 s5, $0x1;
	s5 =	sadd.s32 s21, s3  }
0x9d: {  	[timem:s7], [sflag:s22] =	dma.local [hbm:s5], s20  }
0x9e: {  	_ =	swait.ge [sflag:s22], s20  }
0x9f: {  	s4 =	ssub.s32 $0x0, s20;
	[sflag:s22] =	ssyncset.done $0x0  }
0xa0: {  	[sflag:s22] =	ssyncadd.s32 s4;
	_ =	sdelay $0x1  }
0xa1: {  	s23 =	simm.s32 $0x1B8B  }
0xa2: {  	_ =	swait.ge [sflag:s23], $0x1  }
0xa3: {  	[sflag:s23] =	ssyncset.done $0x0  }
0xa4: {  	s25 =	simm.s32 $0x1B8E;
	s24 =	sld [smem:$0x3FFE];
	[sflag:s23] =	ssyncadd.s32 $0xFFFFFFFF  }
0xa5: {  	s26 =	simm.s32 $execute0_lowered;
	[smem:$0x3FD2] =	sst s25  }
0xa6: {  	s5 =	sshll.u32 s26, $0x1;
	_ =	strace $0x80000049;
	[dreg:$0x1] =	wrdreg $0xFFFFFFFF  }
0xa7: {  	s28 =	simm.s32 $_size_execute0_lowered;
	s3 =	sadd.s32 s3, s5;
	[dreg:$0x0] =	wrdreg $0x0  }
0xa8: {  	s5 =	sshll.u32 s28, $0x1;
	[dreg:$0x2] =	wrdreg s3  }
0xa9: {  	[dreg:$0x3] =	wrdreg s5  }
0xaa: {  	[dreg:$0x4] =	wrdreg $0xC0  }
0xab: {  	_ =	task [dreg:s7], $0x5FFFF  }
0xac: {  	[dreg:$0x1] =	wrdreg $0xFFFFFFFF  }
0xad: {  	[dreg:$0x0] =	wrdreg $0x60  }
0xae: {  	[dreg:$0x2] =	wrdreg s24  }
0xaf: {  	[dreg:$0x3] =	wrdreg s2  }
0xb0: {  	[dreg:$0x4] =	wrdreg $0x88000  }
0xb1: {  	[dreg:$0x5] =	wrdreg $0x9  }
0xb2: {  	_ =	task.clear_ibuf [dreg:s7], $0x6FFFF;
	_ =	strace $0x90000049  }
0xb3: {  	s29 =	simm.s32 $0x9;
	_ =	strace $0x8000004B  }
0xb4: {  	_ =	swait.ge [sflag:s29], $0x1  }
0xb5: {  	[sflag:s29] =	ssyncadd.s32 $0xFFFFFFFF  }
0xb6: {  	_ =	strace $0x9000004B  }
0xb7: {  	_ =	sfence  }
0xb8: {  	s30 =	sld [smem:$0x0];
	_ =	sdelay $0x2  }
0xb9: {  	s31 =	sshll.u32 s1, $0xD;
	s1 =	sshrl.u32 s1, $0x2  }
0xba: {  	s3 =	sand.u32 $0x4000, s31;
	s1 =	sadd.s32 s1, s30  }
0xbb: {  	s0 =	sor.u32 s3, s0;
	s1 =	sshll.u32 s1, $0x11  }
0xbc: {  	s0 =	sor.u32 s1, s0  }
0xbd: {  	s0 =	sadd.s32 $0x8F2B, s0  }
0xbe: {  	[sflag:s0] =	ssyncadd.remote.s32 $0x1  }
0xbf: {  	_ =	sfence.sel $0xFFFF  }
0xc0: {  	[dreg:$0x0] =	wrdreg $0xFFFFFFFF;
	(pc) =	sbr.abs _section_cstart, $3  }
0xc1: {  	[dreg:$0x1] =	wrdreg $0xFFFFFFFF  }
0xc2: {  	_ =	task.clear_ibuf [dreg:s7], $0x2FFFF;
	_ =	strace $0x9FFFFFFF  }
0xc3: {  	(tm) =	ssettm $0x7FFFFFFF  }
tec
execute0_lowered:
.L_overlay_start_1:
0x0: {  	(tag) =	ssettag $0x1  }
0x1: {  	s0 =	rddreg [dreg:$0x0]  }
0x2: {  	s2 =	rddreg [dreg:$0x1]  }
0x3: {  	s1 =	rddreg [dreg:$0x2];
	s3 =	simm.s32 $0x0;
	s4 =	srdreg.scid  }
0x4: {  	s12 =	stileid.u32;
	s13 =	simm.s32 $0x3;
	s14 =	simm.s32 $0x400  }
0x5: {  	s15 =	simm.s32 $0x80;
	s16 =	simm.s32 $0x800;
	s17 =	simm.s32 $0x4800  }
0x6: {  	s18 =	simm.s32 $0x1;
	s19 =	simm.s32 $0x100;
	s20 =	simm.s32 $0x2  }
0x7: {  	s21 =	simm.s32 $0x480;
	s28 =	simm.s32 $0x600;
	s29 =	simm.s32 $0x300  }
0x8: {  	s30 =	simm.s32 $0x680;
	s5 =	sand.u32 $0x1, s4;
	s4 =	smul.u32 $0x12, s12  }
0x9: {  	s31 =	simm.s32 $0x380;
	[smem:$0x7FF] =	sst s3;
	s7 =	smul.u32 $0x13C00, s12  }
0xa: {  	s6 =	sshll.u32 s12, $0x1;
	s11 =	smul.u32 $0x4F000, s12;
	s25 =	sshll.u32 s12, $0x6  }
0xb: {  	p0 =	seq.s32 s5, $0x0;
	s6 =	sor.u32 $0x120, s6;
	_ =	strace $0x8000004A  }
0xc: {  	s8 =	smul.u32 $0x13C000, s5;
	s22 =	ssub.s32 $0x2, s5;
	s5 =	simm.s32 $0x12  }
0xd: {  	s6 =	smov.u32 @p0 s4;
	s4 =	sadd.s32 $0x34E00, s0;
	s9 =	sshrl.u32 s7, $0x3  }
0xe: {  	s23 =	sshrl.u32 s22, $0x1;
	s5 =	simm.s32 @!p0 $0x2;
	s24 =	sshrl.u32 s11, $0x2  }
0xf: {  	s11 =	sor.u32 $0x1C03, s25;
	s25 =	simm.s32 $0x580;
	s6 =	sshll.u32 s6, $0x7  }
0x10: {  	s9 =	sadd.s32 s9, s0;
	s7 =	sadd.s32 s7, s8;
	[dreg:$0x5] =	wrdreg s5  }
0x11: {  	s8 =	sadd.s32 s24, s1;
	s24 =	simm.s32 $0x200;
	s10 =	sadd.s32 s6, s0  }
0x12: {  	s7 =	sshrl.u32 s7, $0x3;
	s9 =	sadd.s32 $0xD600, s9;
	s12 =	sshrl.u32 s8, $0x3  }
0x13: {  	s0 =	sadd.s32 s7, s0;
	s7 =	ssub.s32 s22, s23;
	[dreg:$0x4] =	wrdreg s9  }
0x14: {  	s9 =	sadd.s32 $0x2E00, s10;
	s22 =	simm.s32 $0x180;
	s23 =	simm.s32 $0x500  }
0x15: {  	s0 =	sadd.s32 $0x5C600, s0;
	s26 =	smax.u32 s7, $0x1;
	s7 =	sadd.s32 s6, s2  }
0x16: {  	s2 =	simm.s32 $0x780;
	s6 =	simm.s32 $0x0;
	[dreg:$0x6] =	wrdreg s0  }
0x17: {  	[dreg:$0x7] =	wrdreg s26;
	s26 =	simm.s32 $0x280;
	s0 =	simm.s32 $0x700  }
.LBB2_1:
0x18: {  	s8 =	rddreg [dreg:$0x4]  }
0x19: {  	[spmem:s12], [sflag:s11] =	dma.local [hbm:s8], $0x2780  }
0x1a: {  	_ =	swait.ge [sflag:s13], $0x2780  }
0x1b: {  	[sflag:s13] =	ssyncset.done $0x0  }
0x1c: {  	[sflag:s13] =	ssyncadd.s32 $0xFFFFD880  }
0x1d: {  	[bflag:$0x0] =	sbarrier.arrive $0xFFFF  }
0x1e: {  	[tilespmem:s3], [sflag:$0x3] =	stream.linear.gather [hbm4b:s7+s3], $0x400, $0x38;
	[tilespmem:$0x1C400] =	vst v63  }
0x1f: {  	_ =	swait.ge [sflag:s13], $0x400  }
0x20: {  	[sflag:s13] =	ssyncset.done $0x0  }
0x21: {  	[sflag:s13] =	ssyncadd.s32 $0xFFFFFC00  }
0x22: {  	[tilespmem:s14], [sflag:$0x3] =	stream.linear.gather [hbm4b:s9+s3], $0x400, $0x38;
	[tilespmem:$0x1C400] =	vst v63  }
0x23: {  	_ =	swait.ge [sflag:s13], $0x400  }
0x24: {  	[sflag:s13] =	ssyncset.done $0x0  }
0x25: {  	[sflag:s13] =	ssyncadd.s32 $0xFFFFFC00  }
0x26: {  	[tilespmem:s16], [sflag:$0x1] =	stream.indirect.gather [hbm4b:s4+s15], $0x80, s3, s15, $0xb8;
	[tilespmem:$0x1C400] =	vst v63  }
0x27: {  	_ = 	snop  }
0x28: {  	[tilespmem:s17], [sflag:$0x2] =	stream.indirect.gather [hbm4b:s4+s15], $0x80, s15, s15, $0xb8;
	[tilespmem:$0x1C400] =	vst v63  }
0x29: {  	_ =	swait.ge [sflag:s18], $0x4000  }
0x2a: {  	[sflag:s18] =	ssyncset.done $0x0  }
0x2b: {  	[sflag:s18] =	ssyncadd.s32 $0xFFFFC000  }
0x2c: {  	[spmem:s1] =	stream.indirect.scatter.add.f32 [tilespmem:s16], [sflag:$0x3], $0x80, s14, s15, $0xb8;
	[tilespmem:$0x1C400] =	vst v63  }
0x2d: {  	_ =	swait.ge [sflag:s13], $0x4000  }
0x2e: {  	[sflag:s13] =	ssyncset.done $0x0  }
0x2f: {  	[sflag:s13] =	ssyncadd.s32 $0xFFFFC000  }
0x30: {  	[tilespmem:s16], [sflag:$0x1] =	stream.indirect.gather [hbm4b:s4+s15], $0x80, s19, s15, $0xb8;
	[tilespmem:$0x1C400] =	vst v63  }
0x31: {  	_ =	swait.ge [sflag:s20], $0x4000  }
0x32: {  	[sflag:s20] =	ssyncset.done $0x0  }
0x33: {  	[sflag:s20] =	ssyncadd.s32 $0xFFFFC000  }
0x34: {  	[spmem:s1] =	stream.indirect.scatter.add.f32 [tilespmem:s17], [sflag:$0x3], $0x80, s21, s15, $0xb8;
	[tilespmem:$0x1C400] =	vst v63  }
0x35: {  	_ =	swait.ge [sflag:s13], $0x4000  }
0x36: {  	[sflag:s13] =	ssyncset.done $0x0  }
0x37: {  	[sflag:s13] =	ssyncadd.s32 $0xFFFFC000  }
0x38: {  	[tilespmem:s17], [sflag:$0x2] =	stream.indirect.gather [hbm4b:s4+s15], $0x80, s22, s15, $0xb8;
	[tilespmem:$0x1C400] =	vst v63  }
0x39: {  	_ =	swait.ge [sflag:s18], $0x4000  }
0x3a: {  	[sflag:s18] =	ssyncset.done $0x0  }
0x3b: {  	[sflag:s18] =	ssyncadd.s32 $0xFFFFC000  }
0x3c: {  	[spmem:s1] =	stream.indirect.scatter.add.f32 [tilespmem:s16], [sflag:$0x3], $0x80, s23, s15, $0xb8;
	[tilespmem:$0x1C400] =	vst v63  }
0x3d: {  	_ =	swait.ge [sflag:s13], $0x4000  }
0x3e: {  	[sflag:s13] =	ssyncset.done $0x0  }
0x3f: {  	[sflag:s13] =	ssyncadd.s32 $0xFFFFC000  }
0x40: {  	[tilespmem:s16], [sflag:$0x1] =	stream.indirect.gather [hbm4b:s4+s15], $0x80, s24, s15, $0xb8;
	[tilespmem:$0x1C400] =	vst v63  }
0x41: {  	_ =	swait.ge [sflag:s20], $0x4000  }
0x42: {  	[sflag:s20] =	ssyncset.done $0x0  }
0x43: {  	[sflag:s20] =	ssyncadd.s32 $0xFFFFC000  }
0x44: {  	[spmem:s1] =	stream.indirect.scatter.add.f32 [tilespmem:s17], [sflag:$0x3], $0x80, s25, s15, $0xb8;
	[tilespmem:$0x1C400] =	vst v63  }
0x45: {  	_ =	swait.ge [sflag:s13], $0x4000  }
0x46: {  	[sflag:s13] =	ssyncset.done $0x0  }
0x47: {  	[sflag:s13] =	ssyncadd.s32 $0xFFFFC000  }
0x48: {  	[tilespmem:s17], [sflag:$0x2] =	stream.indirect.gather [hbm4b:s4+s15], $0x80, s26, s15, $0xb8;
	[tilespmem:$0x1C400] =	vst v63  }
0x49: {  	_ =	swait.ge [sflag:s18], $0x4000  }
0x4a: {  	[sflag:s18] =	ssyncset.done $0x0  }
0x4b: {  	[sflag:s18] =	ssyncadd.s32 $0xFFFFC000  }
0x4c: {  	[spmem:s1] =	stream.indirect.scatter.add.f32 [tilespmem:s16], [sflag:$0x3], $0x80, s28, s15, $0xb8;
	[tilespmem:$0x1C400] =	vst v63  }
0x4d: {  	_ =	swait.ge [sflag:s13], $0x4000  }
0x4e: {  	[sflag:s13] =	ssyncset.done $0x0  }
0x4f: {  	[sflag:s13] =	ssyncadd.s32 $0xFFFFC000  }
0x50: {  	[tilespmem:s16], [sflag:$0x1] =	stream.indirect.gather [hbm4b:s4+s15], $0x80, s29, s15, $0xb8;
	[tilespmem:$0x1C400] =	vst v63  }
0x51: {  	_ =	swait.ge [sflag:s20], $0x4000  }
0x52: {  	[sflag:s20] =	ssyncset.done $0x0  }
0x53: {  	[sflag:s20] =	ssyncadd.s32 $0xFFFFC000  }
0x54: {  	[spmem:s1] =	stream.indirect.scatter.add.f32 [tilespmem:s17], [sflag:$0x3], $0x80, s30, s15, $0xb8;
	[tilespmem:$0x1C400] =	vst v63  }
0x55: {  	_ =	swait.ge [sflag:s13], $0x4000  }
0x56: {  	[sflag:s13] =	ssyncset.done $0x0  }
0x57: {  	[sflag:s13] =	ssyncadd.s32 $0xFFFFC000  }
0x58: {  	[tilespmem:s17], [sflag:$0x2] =	stream.indirect.gather [hbm4b:s4+s15], $0x80, s31, s15, $0xb8;
	[tilespmem:$0x1C400] =	vst v63  }
0x59: {  	_ =	swait.ge [sflag:s18], $0x4000  }
0x5a: {  	[sflag:s18] =	ssyncset.done $0x0  }
0x5b: {  	[sflag:s18] =	ssyncadd.s32 $0xFFFFC000  }
0x5c: {  	[spmem:s1] =	stream.indirect.scatter.add.f32 [tilespmem:s16], [sflag:$0x3], $0x80, s0, s15, $0xb8;
	[tilespmem:$0x1C400] =	vst v63  }
0x5d: {  	_ =	swait.ge [sflag:s13], $0x4000  }
0x5e: {  	[sflag:s13] =	ssyncset.done $0x0  }
0x5f: {  	[sflag:s13] =	ssyncadd.s32 $0xFFFFC000  }
0x60: {  	_ =	swait.ge [sflag:s20], $0x4000  }
0x61: {  	s5 =	smov.u32 s11;
	s11 =	rddreg [dreg:$0x5]  }
0x62: {  	p0 =	sne.s32 s11, $0x1  }
.Ltmp0:
0x63: {  	[sflag:s20] =	ssyncset.done $0x0;
	(pc) =	sbr.rel @!p0 .LBB2_3-.Ltmp0, $4  }
0x64: {  	[sflag:s20] =	ssyncadd.s32 $0xFFFFC000  }
0x65: {  	[spmem:s1] =	stream.indirect.scatter.add.f32 [tilespmem:s17], [sflag:$0x3], $0x80, s2, s15, $0xb8;
	[tilespmem:$0x1C400] =	vst v63  }
0x66: {  	s10 =	smov.u32 s9;
	_ =	swait.ge [sflag:s13], $0x4000  }
0x67: {  	s8 =	sadd.s32 $0xFFFFFFFF, s11;
	s11 =	smov.u32 s7;
	[sflag:s13] =	ssyncset.done $0x0  }
.LBB2_2:
0x68: {  	[sflag:s13] =	ssyncadd.s32 $0xFFFFC000;
	s10 =	sadd.s32 $0x80, s10;
	s11 =	sadd.s32 $0x80, s11  }
0x69: {  	[tilespmem:s3], [sflag:$0x3] =	stream.linear.gather [hbm4b:s11+s3], $0x400, $0x38;
	[tilespmem:$0x1C400] =	vst v63  }
0x6a: {  	p0 =	sne.s32 s8, $0x1;
	s8 =	sadd.s32 $0xFFFFFFFF, s8;
	_ =	swait.ge [sflag:s13], $0x400  }
0x6b: {  	[sflag:s13] =	ssyncset.done $0x0  }
0x6c: {  	[sflag:s13] =	ssyncadd.s32 $0xFFFFFC00  }
0x6d: {  	[tilespmem:s14], [sflag:$0x3] =	stream.linear.gather [hbm4b:s10+s3], $0x400, $0x38;
	[tilespmem:$0x1C400] =	vst v63  }
0x6e: {  	_ =	swait.ge [sflag:s13], $0x400  }
0x6f: {  	[sflag:s13] =	ssyncset.done $0x0  }
0x70: {  	[sflag:s13] =	ssyncadd.s32 $0xFFFFFC00  }
0x71: {  	[tilespmem:s16], [sflag:$0x1] =	stream.indirect.gather [hbm4b:s4+s15], $0x80, s3, s15, $0xb8;
	[tilespmem:$0x1C400] =	vst v63  }
0x72: {  	_ = 	snop  }
0x73: {  	[tilespmem:s17], [sflag:$0x2] =	stream.indirect.gather [hbm4b:s4+s15], $0x80, s15, s15, $0xb8;
	[tilespmem:$0x1C400] =	vst v63  }
0x74: {  	_ =	swait.ge [sflag:s18], $0x4000  }
0x75: {  	[sflag:s18] =	ssyncset.done $0x0  }
0x76: {  	[sflag:s18] =	ssyncadd.s32 $0xFFFFC000  }
0x77: {  	[spmem:s1] =	stream.indirect.scatter.add.f32 [tilespmem:s16], [sflag:$0x3], $0x80, s14, s15, $0xb8;
	[tilespmem:$0x1C400] =	vst v63  }
0x78: {  	_ =	swait.ge [sflag:s13], $0x4000  }
0x79: {  	[sflag:s13] =	ssyncset.done $0x0  }
0x7a: {  	[sflag:s13] =	ssyncadd.s32 $0xFFFFC000  }
0x7b: {  	[tilespmem:s16], [sflag:$0x1] =	stream.indirect.gather [hbm4b:s4+s15], $0x80, s19, s15, $0xb8;
	[tilespmem:$0x1C400] =	vst v63  }
0x7c: {  	_ =	swait.ge [sflag:s20], $0x4000  }
0x7d: {  	[sflag:s20] =	ssyncset.done $0x0  }
0x7e: {  	[sflag:s20] =	ssyncadd.s32 $0xFFFFC000  }
0x7f: {  	[spmem:s1] =	stream.indirect.scatter.add.f32 [tilespmem:s17], [sflag:$0x3], $0x80, s21, s15, $0xb8;
	[tilespmem:$0x1C400] =	vst v63  }
0x80: {  	_ =	swait.ge [sflag:s13], $0x4000  }
0x81: {  	[sflag:s13] =	ssyncset.done $0x0  }
0x82: {  	[sflag:s13] =	ssyncadd.s32 $0xFFFFC000  }
0x83: {  	[tilespmem:s17], [sflag:$0x2] =	stream.indirect.gather [hbm4b:s4+s15], $0x80, s22, s15, $0xb8;
	[tilespmem:$0x1C400] =	vst v63  }
0x84: {  	_ =	swait.ge [sflag:s18], $0x4000  }
0x85: {  	[sflag:s18] =	ssyncset.done $0x0  }
0x86: {  	[sflag:s18] =	ssyncadd.s32 $0xFFFFC000  }
0x87: {  	[spmem:s1] =	stream.indirect.scatter.add.f32 [tilespmem:s16], [sflag:$0x3], $0x80, s23, s15, $0xb8;
	[tilespmem:$0x1C400] =	vst v63  }
0x88: {  	_ =	swait.ge [sflag:s13], $0x4000  }
0x89: {  	[sflag:s13] =	ssyncset.done $0x0  }
0x8a: {  	[sflag:s13] =	ssyncadd.s32 $0xFFFFC000  }
0x8b: {  	[tilespmem:s16], [sflag:$0x1] =	stream.indirect.gather [hbm4b:s4+s15], $0x80, s24, s15, $0xb8;
	[tilespmem:$0x1C400] =	vst v63  }
0x8c: {  	_ =	swait.ge [sflag:s20], $0x4000  }
0x8d: {  	[sflag:s20] =	ssyncset.done $0x0  }
0x8e: {  	[sflag:s20] =	ssyncadd.s32 $0xFFFFC000  }
0x8f: {  	[spmem:s1] =	stream.indirect.scatter.add.f32 [tilespmem:s17], [sflag:$0x3], $0x80, s25, s15, $0xb8;
	[tilespmem:$0x1C400] =	vst v63  }
0x90: {  	_ =	swait.ge [sflag:s13], $0x4000  }
0x91: {  	[sflag:s13] =	ssyncset.done $0x0  }
0x92: {  	[sflag:s13] =	ssyncadd.s32 $0xFFFFC000  }
0x93: {  	[tilespmem:s17], [sflag:$0x2] =	stream.indirect.gather [hbm4b:s4+s15], $0x80, s26, s15, $0xb8;
	[tilespmem:$0x1C400] =	vst v63  }
0x94: {  	_ =	swait.ge [sflag:s18], $0x4000  }
0x95: {  	[sflag:s18] =	ssyncset.done $0x0  }
0x96: {  	[sflag:s18] =	ssyncadd.s32 $0xFFFFC000  }
0x97: {  	[spmem:s1] =	stream.indirect.scatter.add.f32 [tilespmem:s16], [sflag:$0x3], $0x80, s28, s15, $0xb8;
	[tilespmem:$0x1C400] =	vst v63  }
0x98: {  	_ =	swait.ge [sflag:s13], $0x4000  }
0x99: {  	[sflag:s13] =	ssyncset.done $0x0  }
0x9a: {  	[sflag:s13] =	ssyncadd.s32 $0xFFFFC000  }
0x9b: {  	[tilespmem:s16], [sflag:$0x1] =	stream.indirect.gather [hbm4b:s4+s15], $0x80, s29, s15, $0xb8;
	[tilespmem:$0x1C400] =	vst v63  }
0x9c: {  	_ =	swait.ge [sflag:s20], $0x4000  }
0x9d: {  	[sflag:s20] =	ssyncset.done $0x0  }
0x9e: {  	[sflag:s20] =	ssyncadd.s32 $0xFFFFC000  }
0x9f: {  	[spmem:s1] =	stream.indirect.scatter.add.f32 [tilespmem:s17], [sflag:$0x3], $0x80, s30, s15, $0xb8;
	[tilespmem:$0x1C400] =	vst v63  }
0xa0: {  	_ =	swait.ge [sflag:s13], $0x4000  }
0xa1: {  	[sflag:s13] =	ssyncset.done $0x0  }
0xa2: {  	[sflag:s13] =	ssyncadd.s32 $0xFFFFC000  }
0xa3: {  	[tilespmem:s17], [sflag:$0x2] =	stream.indirect.gather [hbm4b:s4+s15], $0x80, s31, s15, $0xb8;
	[tilespmem:$0x1C400] =	vst v63  }
0xa4: {  	_ =	swait.ge [sflag:s18], $0x4000  }
0xa5: {  	[sflag:s18] =	ssyncset.done $0x0  }
0xa6: {  	[sflag:s18] =	ssyncadd.s32 $0xFFFFC000  }
0xa7: {  	[spmem:s1] =	stream.indirect.scatter.add.f32 [tilespmem:s16], [sflag:$0x3], $0x80, s0, s15, $0xb8;
	[tilespmem:$0x1C400] =	vst v63  }
0xa8: {  	_ =	swait.ge [sflag:s13], $0x4000  }
0xa9: {  	[sflag:s13] =	ssyncset.done $0x0  }
0xaa: {  	[sflag:s13] =	ssyncadd.s32 $0xFFFFC000  }
0xab: {  	_ =	swait.ge [sflag:s20], $0x4000  }
.Ltmp1:
0xac: {  	[sflag:s20] =	ssyncset.done $0x0;
	(pc) =	sbr.rel @p0 .LBB2_2-.Ltmp1, $4  }
0xad: {  	[sflag:s20] =	ssyncadd.s32 $0xFFFFC000  }
0xae: {  	[spmem:s1] =	stream.indirect.scatter.add.f32 [tilespmem:s17], [sflag:$0x3], $0x80, s2, s15, $0xb8;
	[tilespmem:$0x1C400] =	vst v63  }
0xaf: {  	_ =	swait.ge [sflag:s13], $0x4000  }
0xb0: {  	[sflag:s13] =	ssyncset.done $0x0  }
.LBB2_3:
0xb1: {  	[sflag:s13] =	ssyncadd.s32 $0xFFFFC000  }
0xb2: {  	[bflag:$0x0] =	sbarrier.arrive $0xFFFF  }
0xb3: {  	s11 =	smov.u32 s5;
	s8 =	rddreg [dreg:$0x6]  }
0xb4: {  	[hbm:s8], [sflag:s11] =	dma.local [spmem:s12], $0x2780  }
0xb5: {  	_ =	swait.ge [sflag:s13], $0x2780  }
0xb6: {  	s6 =	sadd.s32 $0x1, s6;
	s10 =	rddreg [dreg:$0x7]  }
0xb7: {  	p0 =	sne.s32 s6, s10  }
.Ltmp2:
0xb8: {  	_ = 	snop;
	(pc) =	sbr.rel @p0 .LBB2_1-.Ltmp2, $3  }
0xb9: {  	_ =	sdelay $0x1  }
0xba: {  	[sflag:s13] =	ssyncset.done $0x0  }
0xbb: {  	[sflag:s13] =	ssyncadd.s32 $0xFFFFD880  }
0xbc: {  	_ =	sfence.sel $0x180000  }
0xbd: {  	[bflag:$0x0] =	sbarrier.arrive $0xFFFF  }
0xbe: {  	_ =	strace $0x9000004A  }
0xbf: {  	s0 =	stileid.u32;
	[bflag:$0x2] =	sbarrier.arrive $0xFFFF  }
0xc0: {  	p0 =	sne.s32 s0, $0x0;
	s0 =	rddreg [dreg:$0x3]  }
0xc1: {  	s0 =	sadd.s32 @!p0 $0x100000, s0  }
0xc2: {  	[sflag:s0] =	ssyncadd.tile.s32 @!p0 $0x1;
	_ =	shalt  }
.Lfunc_end2:
_tile_overlayer_lowered:
.L_overlay_start_2:
0xc3: {  	(tag) =	ssettag $0x2  }
0xc4: {  	s0 =	rddreg [dreg:$0x0];
	s2 =	stileid.u32  }
0xc5: {  	s1 =	rddreg [dreg:$0x1];
	p0 =	sne.s32 s2, $0x0  }
0xc6: {  	s3 =	rddreg [dreg:$0x2];
	[bflag:$0x3] =	sbarrier.arrive $0xFFFF;
	s2 =	simm.s32 @!p0 $0x1C03  }
0xc7: {  	[timem:s3], [sflag:s2] =	dma.local @!p0 [hbm:s0], s1  }
0xc8: {  	s0 =	simm.s32 @!p0 $0x3  }
0xc9: {  	_ =	swait.ge @!p0 [sflag:s0], s1  }
0xca: {  	s1 =	ssub.s32 @!p0 $0x0, s1;
	[sflag:s0] =	ssyncset.done @!p0 $0x0  }
0xcb: {  	[sflag:s0] =	ssyncadd.s32 @!p0 s1  }
0xcc: {  	[bflag:$0x3] =	sbarrier.arrive $0xFFFF  }
0xcd: {  	_ =	shalt  }

// kernel: kernel.14.cloned.1.call-start
scs
__scs_entry_jumppad:
0x0: {  	(pc) =	sbr.rel $0x88, $3  }
0x1: {  	(tag) =	ssettag $0x0;
	lr =	simm.s32 $0x1  }
0x2: {  	[smem:$0x3F97] =	sst lr;
	_ =	strace $0xD0000000  }
0x3: {  	_ = 	snop  }
0x4: {  	_ = 	snop  }
0x5: {  	_ = 	snop  }
0x6: {  	_ = 	snop  }
0x7: {  	_ = 	snop  }
__scs_overlays_trampoline_lowered:
0x8: {  	[smem:$0x3FA6] =	sst s0  }
0x9: {  	[smem:$0x3FA7] =	sst s1  }
0xa: {  	[smem:$0x3FA8] =	sst s2  }
0xb: {  	[smem:$0x3FA9] =	sst s3  }
0xc: {  	[smem:$0x3FAA] =	sst s4  }
0xd: {  	[smem:$0x3FAB] =	sst s5  }
0xe: {  	[smem:$0x3FAC] =	sst s6  }
0xf: {  	[smem:$0x3FAD] =	sst s7  }
0x10: {  	[smem:$0x3FAE] =	sst s8  }
0x11: {  	[smem:$0x3FAF] =	sst s9;
	s0 =	simm.s32 @!p0 $0x0  }
0x12: {  	s1 =	sld [smem:$0x3F95];
	s0 =	simm.s32 @p0 $0x1  }
0x13: {  	[smem:$0x3FB0] =	sst s0;
	s0 =	simm.s32 @!p1 $0x0  }
0x14: {  	s2 =	sld [smem:$0x3F94];
	s0 =	simm.s32 @p1 $0x1  }
0x15: {  	[smem:$0x3FB1] =	sst s0;
	s0 =	simm.s32 @!p2 $0x0  }
0x16: {  	s3 =	sld [smem:$0x3FDB];
	s0 =	simm.s32 @p2 $0x1  }
0x17: {  	s4 =	simm.s32 $0x1BF5;
	[smem:$0x3FB3] =	sst s0  }
0x18: {  	s0 =	sld [smem:$0x3F96];
	_ =	swait.ge [sflag:s4], $0x0  }
0x19: {  	s7 =	sld [smem:$0x3F97]  }
0x1a: {  	s8 =	sadd.s32 $0xFFFFE003, lr  }
0x1b: {  	s9 =	sadd.s32 $0xFFFFFEF7, lr;
	s5 =	simm.s32 $0xFFFFFFFF;
	p2 =	slt.u32 s8, $0xFFFFF086  }
0x1c: {  	p1 =	slt.u32 s9, $0xF7A;
	s5 =	simm.s32 @!p2 $0x0  }
0x1d: {  	s5 =	simm.s32 @p1 $0x1;
	p0 =	seq.s32 s7, s2  }
0x1e: {  	s7 =	smul.u32 @!p0 $0xF7A, s2;
	p2 =	seq.s32 @!p0 s5, $0x0  }
0x1f: {  	s9 =	smul.u32 $0xF7A, s1;
	s8 =	simm.s32 @!p0 $0x1BF5;
	p2 =	por !p2, p0  }
0x20: {  	[sflag:s8] =	ssyncset.s32 @!p0 $0xFFFFF086;
	s6 =	sadd.s32 @!p0 s3, s7;
	s7 =	simm.s32 @!p0 $0x108  }
0x21: {  	s3 =	sadd.s32 s3, s9;
	s6 =	sadd.s32 @!p0 $0x88, s6;
	s7 =	simm.s32 @p2 $0x1082  }
0x22: {  	[simem:s7], [sflag:s8] =	dma.local @!p0 [hbm:s6], $0xF7A  }
0x23: {  	s9 =	sor.u32 $0xD0000000, s2;
	s6 =	simm.s32 $0x108;
	_ =	swait.ge @!p0 [sflag:s8], $0x0  }
0x24: {  	s3 =	sadd.s32 $0x88, s3;
	s6 =	simm.s32 @!p1 $0x1082;
	[sflag:s4] =	ssyncset.s32 $0xFFFFF086  }
0x25: {  	[simem:s6], [sflag:s4] =	dma.local [hbm:s3], $0xF7A  }
0x26: {  	[smem:$0x3F97] =	sst s1;
	(tag) =	ssettag s2;
	_ =	strace s9  }
0x27: {  	s1 =	sld [smem:$0x3FA7]  }
0x28: {  	s2 =	sld [smem:$0x3FA8]  }
0x29: {  	s4 =	sld [smem:$0x3FAA]  }
0x2a: {  	p0 =	seq.s32 s5, $0x0;
	s5 =	sld [smem:$0x3FAB]  }
0x2b: {  	s6 =	sld [smem:$0x3FAC]  }
0x2c: {  	s7 =	sld [smem:$0x3FAD]  }
0x2d: {  	s3 =	simm.s32 $0x108;
	s8 =	sld [smem:$0x3FAE]  }
0x2e: {  	s3 =	simm.s32 @!p0 $0x1082;
	s9 =	sld [smem:$0x3FAF]  }
0x2f: {  	lr =	sadd.s32 s0, s3;
	s0 =	sld [smem:$0x3FA6]  }
0x30: {  	s3 =	sld [smem:$0x3FA9]  }
0x31: {  	[smem:$0x3FB2] =	sst s10  }
0x32: {  	s10 =	sld [smem:$0x3FB0];
	_ =	sdelay $0x3  }
0x33: {  	p0 =	seq.s32 s10, $0x1;
	s10 =	sld [smem:$0x3FB2];
	_ =	sdelay $0x3  }
0x34: {  	[smem:$0x3FB2] =	sst s10  }
0x35: {  	s10 =	sld [smem:$0x3FB1];
	_ =	sdelay $0x3  }
0x36: {  	p1 =	seq.s32 s10, $0x1;
	s10 =	sld [smem:$0x3FB2];
	_ =	sdelay $0x3  }
0x37: {  	[smem:$0x3FB2] =	sst s10  }
0x38: {  	s10 =	sld [smem:$0x3FB3]  }
0x39: {  	_ = 	snop;
	(pc) =	sbr.ind lr, $3  }
0x3a: {  	_ = 	snop  }
0x3b: {  	_ = 	snop  }
0x3c: {  	p2 =	seq.s32 s10, $0x1;
	s10 =	sld [smem:$0x3FB2]  }
0x3d: {  	_ =	shalt  }
0x3e: {  	_ =	shalt  }
0x3f: {  	_ =	shalt  }
0x40: {  	_ =	shalt  }
0x41: {  	_ =	shalt  }
0x42: {  	_ =	shalt  }
0x43: {  	_ =	shalt  }
0x44: {  	_ =	shalt  }
0x45: {  	_ =	shalt  }
0x46: {  	_ =	shalt  }
0x47: {  	_ =	shalt  }
0x48: {  	_ =	shalt  }
0x49: {  	_ =	shalt  }
0x4a: {  	_ =	shalt  }
0x4b: {  	_ =	shalt  }
0x4c: {  	_ =	shalt  }
0x4d: {  	_ =	shalt  }
0x4e: {  	_ =	shalt  }
0x4f: {  	_ =	shalt  }
0x50: {  	_ =	shalt  }
0x51: {  	_ =	shalt  }
0x52: {  	_ =	shalt  }
0x53: {  	_ =	shalt  }
0x54: {  	_ =	shalt  }
0x55: {  	_ =	shalt  }
0x56: {  	_ =	shalt  }
0x57: {  	_ =	shalt  }
0x58: {  	_ =	shalt  }
0x59: {  	_ =	shalt  }
0x5a: {  	_ =	shalt  }
0x5b: {  	_ =	shalt  }
0x5c: {  	_ =	shalt  }
0x5d: {  	_ =	shalt  }
0x5e: {  	_ =	shalt  }
0x5f: {  	_ =	shalt  }
0x60: {  	_ =	shalt  }
0x61: {  	_ =	shalt  }
0x62: {  	_ =	shalt  }
0x63: {  	_ =	shalt  }
0x64: {  	_ =	shalt  }
0x65: {  	_ =	shalt  }
0x66: {  	_ =	shalt  }
0x67: {  	_ =	shalt  }
0x68: {  	_ =	shalt  }
0x69: {  	_ =	shalt  }
0x6a: {  	_ =	shalt  }
0x6b: {  	_ =	shalt  }
0x6c: {  	_ =	shalt  }
0x6d: {  	_ =	shalt  }
0x6e: {  	_ =	shalt  }
0x6f: {  	_ =	shalt  }
0x70: {  	_ =	shalt  }
0x71: {  	_ =	shalt  }
0x72: {  	_ =	shalt  }
0x73: {  	_ =	shalt  }
0x74: {  	_ =	shalt  }
0x75: {  	_ =	shalt  }
0x76: {  	_ =	shalt  }
0x77: {  	_ =	shalt  }
0x78: {  	_ =	shalt  }
0x79: {  	_ =	shalt  }
0x7a: {  	_ =	shalt  }
0x7b: {  	_ =	shalt  }
0x7c: {  	_ =	shalt  }
0x7d: {  	_ =	shalt  }
0x7e: {  	_ =	shalt  }
0x7f: {  	_ =	shalt  }
0x80: {  	_ =	shalt  }
0x81: {  	_ =	shalt  }
0x82: {  	_ =	shalt  }
0x83: {  	_ =	shalt  }
0x84: {  	_ =	shalt  }
0x85: {  	_ =	shalt  }
0x86: {  	_ =	shalt  }
0x87: {  	_ =	shalt  }
.Lfunc_end0:
.L_simem_size_0:
called_computation.2_lowered:
.L_overlay_start_0:
0x88: {  	s2 =	sld [smem:$0x3FD9]  }
0x89: {  	s3 =	sld [smem:$0x3FFE];
	_ =	sdelay $0x1  }
0x8a: {  	s1 =	srdreg.scid  }
0x8b: {  	s0 =	sand.u32 $0x1, s1  }
0x8c: {  	s17 =	sshll.u32 s0, $0xA;
	s2 =	sadd.s32 s3, s2  }
0x8d: {  	s2 =	sadd.s32 s2, s17  }
0x8e: {  	[smem:$0x3FBE] =	sst s2  }
0x8f: {  	_ = 	snop  }
0x90: {  	s2 =	sld [smem:$0x3FD0];
	(tm) =	ssettm $0x1  }
0x91: {  	s18 =	sld [smem:$0x3FFB];
	_ =	sdelay $0x3  }
0x92: {  	_ =	strace s18  }
0x93: {  	s3 =	sld [smem:$0x3FFC];
	_ =	sdelay $0x3  }
0x94: {  	_ =	strace s3  }
0x95: {  	s3 =	sld [smem:$0x3FFD];
	_ =	sdelay $0x3  }
0x96: {  	_ =	strace s3  }
0x97: {  	_ =	strace $0x8FFFFFFF  }
0x98: {  	s19 =	sld [smem:$0x3FDB];
	_ =	sdelay $0x1  }
0x99: {  	s4 =	simm.s32 $_scs_section_size  }
0x9a: {  	s5 =	simm.s32 $_size__tile_overlayer_lowered;
	s6 =	simm.s32 $_tile_overlayer_lowered  }
0x9b: {  	s22 =	simm.s32 $0x1BFF;
	s21 =	sshll.u32 s6, $0x1;
	s3 =	sadd.s32 s4, s19  }
0x9c: {  	s7 =	simm.s32 $0x0;
	s20 =	sshll.u32 s5, $0x1;
	s5 =	sadd.s32 s21, s3  }
0x9d: {  	[timem:s7], [sflag:s22] =	dma.local [hbm:s5], s20  }
0x9e: {  	_ =	swait.ge [sflag:s22], s20  }
0x9f: {  	s4 =	ssub.s32 $0x0, s20;
	[sflag:s22] =	ssyncset.done $0x0  }
0xa0: {  	[sflag:s22] =	ssyncadd.s32 s4;
	_ =	sdelay $0x1  }
0xa1: {  	s23 =	simm.s32 $0x1B8B  }
0xa2: {  	_ =	swait.ge [sflag:s23], $0x1  }
0xa3: {  	[sflag:s23] =	ssyncset.done $0x0  }
0xa4: {  	s25 =	simm.s32 $0x1B8E;
	s24 =	sld [smem:$0x3FFE];
	[sflag:s23] =	ssyncadd.s32 $0xFFFFFFFF  }
0xa5: {  	s26 =	simm.s32 $execute0_lowered;
	[smem:$0x3FD2] =	sst s25  }
0xa6: {  	s5 =	sshll.u32 s26, $0x1;
	_ =	strace $0x8000004C;
	[dreg:$0x1] =	wrdreg $0xFFFFFFFF  }
0xa7: {  	s28 =	simm.s32 $_size_execute0_lowered;
	s3 =	sadd.s32 s3, s5;
	[dreg:$0x0] =	wrdreg $0x0  }
0xa8: {  	s5 =	sshll.u32 s28, $0x1;
	[dreg:$0x2] =	wrdreg s3  }
0xa9: {  	[dreg:$0x3] =	wrdreg s5  }
0xaa: {  	[dreg:$0x4] =	wrdreg $0xC0  }
0xab: {  	_ =	task [dreg:s7], $0x5FFFF  }
0xac: {  	[dreg:$0x1] =	wrdreg $0xFFFFFFFF  }
0xad: {  	[dreg:$0x0] =	wrdreg $0x60  }
0xae: {  	[dreg:$0x2] =	wrdreg s24  }
0xaf: {  	[dreg:$0x3] =	wrdreg s2  }
0xb0: {  	[dreg:$0x4] =	wrdreg $0x88000  }
0xb1: {  	[dreg:$0x5] =	wrdreg $0x9  }
0xb2: {  	_ =	task.clear_ibuf [dreg:s7], $0x6FFFF;
	_ =	strace $0x9000004C  }
0xb3: {  	s29 =	simm.s32 $0x9;
	_ =	strace $0x8000004E  }
0xb4: {  	_ =	swait.ge [sflag:s29], $0x1  }
0xb5: {  	[sflag:s29] =	ssyncadd.s32 $0xFFFFFFFF  }
0xb6: {  	_ =	strace $0x9000004E  }
0xb7: {  	_ =	sfence  }
0xb8: {  	s30 =	sld [smem:$0x0];
	_ =	sdelay $0x2  }
0xb9: {  	s31 =	sshll.u32 s1, $0xD;
	s1 =	sshrl.u32 s1, $0x2  }
0xba: {  	s3 =	sand.u32 $0x4000, s31;
	s1 =	sadd.s32 s1, s30  }
0xbb: {  	s0 =	sor.u32 s3, s0;
	s1 =	sshll.u32 s1, $0x11  }
0xbc: {  	s0 =	sor.u32 s1, s0  }
0xbd: {  	s0 =	sadd.s32 $0x8F2B, s0  }
0xbe: {  	[sflag:s0] =	ssyncadd.remote.s32 $0x1  }
0xbf: {  	_ =	sfence.sel $0xFFFF  }
0xc0: {  	[dreg:$0x0] =	wrdreg $0xFFFFFFFF;
	(pc) =	sbr.abs _section_cstart, $3  }
0xc1: {  	[dreg:$0x1] =	wrdreg $0xFFFFFFFF  }
0xc2: {  	_ =	task.clear_ibuf [dreg:s7], $0x2FFFF;
	_ =	strace $0x9FFFFFFF  }
0xc3: {  	(tm) =	ssettm $0x7FFFFFFF  }
tec
execute0_lowered:
.L_overlay_start_1:
0x0: {  	(tag) =	ssettag $0x1  }
0x1: {  	s0 =	rddreg [dreg:$0x0]  }
0x2: {  	s2 =	rddreg [dreg:$0x1]  }
0x3: {  	s1 =	rddreg [dreg:$0x2];
	s3 =	simm.s32 $0x0;
	s4 =	srdreg.scid  }
0x4: {  	s12 =	stileid.u32;
	s13 =	simm.s32 $0x3;
	s14 =	simm.s32 $0x400  }
0x5: {  	s15 =	simm.s32 $0x80;
	s16 =	simm.s32 $0x800;
	s17 =	simm.s32 $0x4800  }
0x6: {  	s18 =	simm.s32 $0x1;
	s19 =	simm.s32 $0x100;
	s20 =	simm.s32 $0x2  }
0x7: {  	s21 =	simm.s32 $0x480;
	s28 =	simm.s32 $0x600;
	s29 =	simm.s32 $0x300  }
0x8: {  	s30 =	simm.s32 $0x680;
	s5 =	sand.u32 $0x1, s4;
	s4 =	smul.u32 $0x12, s12  }
0x9: {  	s31 =	simm.s32 $0x380;
	[smem:$0x7FF] =	sst s3;
	s7 =	smul.u32 $0x13C00, s12  }
0xa: {  	s6 =	sshll.u32 s12, $0x1;
	s11 =	smul.u32 $0x4F000, s12;
	s25 =	sshll.u32 s12, $0x6  }
0xb: {  	p0 =	seq.s32 s5, $0x0;
	s6 =	sor.u32 $0x120, s6;
	_ =	strace $0x8000004D  }
0xc: {  	s8 =	smul.u32 $0x13C000, s5;
	s22 =	ssub.s32 $0x2, s5;
	s5 =	simm.s32 $0x12  }
0xd: {  	s6 =	smov.u32 @p0 s4;
	s4 =	sadd.s32 $0x34E00, s0;
	s9 =	sshrl.u32 s7, $0x3  }
0xe: {  	s23 =	sshrl.u32 s22, $0x1;
	s5 =	simm.s32 @!p0 $0x2;
	s24 =	sshrl.u32 s11, $0x2  }
0xf: {  	s11 =	sor.u32 $0x1C03, s25;
	s25 =	simm.s32 $0x580;
	s6 =	sshll.u32 s6, $0x7  }
0x10: {  	s9 =	sadd.s32 s9, s0;
	s7 =	sadd.s32 s7, s8;
	[dreg:$0x5] =	wrdreg s5  }
0x11: {  	s8 =	sadd.s32 s24, s1;
	s24 =	simm.s32 $0x200;
	s10 =	sadd.s32 s6, s0  }
0x12: {  	s7 =	sshrl.u32 s7, $0x3;
	s9 =	sadd.s32 $0xD600, s9;
	s12 =	sshrl.u32 s8, $0x3  }
0x13: {  	s0 =	sadd.s32 s7, s0;
	s7 =	ssub.s32 s22, s23;
	[dreg:$0x4] =	wrdreg s9  }
0x14: {  	s9 =	sadd.s32 $0x2E00, s10;
	s22 =	simm.s32 $0x180;
	s23 =	simm.s32 $0x500  }
0x15: {  	s0 =	sadd.s32 $0x5C600, s0;
	s26 =	smax.u32 s7, $0x1;
	s7 =	sadd.s32 s6, s2  }
0x16: {  	s2 =	simm.s32 $0x780;
	s6 =	simm.s32 $0x0;
	[dreg:$0x6] =	wrdreg s0  }
0x17: {  	[dreg:$0x7] =	wrdreg s26;
	s26 =	simm.s32 $0x280;
	s0 =	simm.s32 $0x700  }
.LBB2_1:
0x18: {  	s8 =	rddreg [dreg:$0x4]  }
0x19: {  	[spmem:s12], [sflag:s11] =	dma.local [hbm:s8], $0x2780  }
0x1a: {  	_ =	swait.ge [sflag:s13], $0x2780  }
0x1b: {  	[sflag:s13] =	ssyncset.done $0x0  }
0x1c: {  	[sflag:s13] =	ssyncadd.s32 $0xFFFFD880  }
0x1d: {  	[bflag:$0x0] =	sbarrier.arrive $0xFFFF  }
0x1e: {  	[tilespmem:s3], [sflag:$0x3] =	stream.linear.gather [hbm4b:s7+s3], $0x400, $0x38;
	[tilespmem:$0x1C400] =	vst v63  }
0x1f: {  	_ =	swait.ge [sflag:s13], $0x400  }
0x20: {  	[sflag:s13] =	ssyncset.done $0x0  }
0x21: {  	[sflag:s13] =	ssyncadd.s32 $0xFFFFFC00  }
0x22: {  	[tilespmem:s14], [sflag:$0x3] =	stream.linear.gather [hbm4b:s9+s3], $0x400, $0x38;
	[tilespmem:$0x1C400] =	vst v63  }
0x23: {  	_ =	swait.ge [sflag:s13], $0x400  }
0x24: {  	[sflag:s13] =	ssyncset.done $0x0  }
0x25: {  	[sflag:s13] =	ssyncadd.s32 $0xFFFFFC00  }
0x26: {  	[tilespmem:s16], [sflag:$0x1] =	stream.indirect.gather [hbm4b:s4+s15], $0x80, s3, s15, $0xb8;
	[tilespmem:$0x1C400] =	vst v63  }
0x27: {  	_ = 	snop  }
0x28: {  	[tilespmem:s17], [sflag:$0x2] =	stream.indirect.gather [hbm4b:s4+s15], $0x80, s15, s15, $0xb8;
	[tilespmem:$0x1C400] =	vst v63  }
0x29: {  	_ =	swait.ge [sflag:s18], $0x4000  }
0x2a: {  	[sflag:s18] =	ssyncset.done $0x0  }
0x2b: {  	[sflag:s18] =	ssyncadd.s32 $0xFFFFC000  }
0x2c: {  	[spmem:s1] =	stream.indirect.scatter.add.f32 [tilespmem:s16], [sflag:$0x3], $0x80, s14, s15, $0xb8;
	[tilespmem:$0x1C400] =	vst v63  }
0x2d: {  	_ =	swait.ge [sflag:s13], $0x4000  }
0x2e: {  	[sflag:s13] =	ssyncset.done $0x0  }
0x2f: {  	[sflag:s13] =	ssyncadd.s32 $0xFFFFC000  }
0x30: {  	[tilespmem:s16], [sflag:$0x1] =	stream.indirect.gather [hbm4b:s4+s15], $0x80, s19, s15, $0xb8;
	[tilespmem:$0x1C400] =	vst v63  }
0x31: {  	_ =	swait.ge [sflag:s20], $0x4000  }
0x32: {  	[sflag:s20] =	ssyncset.done $0x0  }
0x33: {  	[sflag:s20] =	ssyncadd.s32 $0xFFFFC000  }
0x34: {  	[spmem:s1] =	stream.indirect.scatter.add.f32 [tilespmem:s17], [sflag:$0x3], $0x80, s21, s15, $0xb8;
	[tilespmem:$0x1C400] =	vst v63  }
0x35: {  	_ =	swait.ge [sflag:s13], $0x4000  }
0x36: {  	[sflag:s13] =	ssyncset.done $0x0  }
0x37: {  	[sflag:s13] =	ssyncadd.s32 $0xFFFFC000  }
0x38: {  	[tilespmem:s17], [sflag:$0x2] =	stream.indirect.gather [hbm4b:s4+s15], $0x80, s22, s15, $0xb8;
	[tilespmem:$0x1C400] =	vst v63  }
0x39: {  	_ =	swait.ge [sflag:s18], $0x4000  }
0x3a: {  	[sflag:s18] =	ssyncset.done $0x0  }
0x3b: {  	[sflag:s18] =	ssyncadd.s32 $0xFFFFC000  }
0x3c: {  	[spmem:s1] =	stream.indirect.scatter.add.f32 [tilespmem:s16], [sflag:$0x3], $0x80, s23, s15, $0xb8;
	[tilespmem:$0x1C400] =	vst v63  }
0x3d: {  	_ =	swait.ge [sflag:s13], $0x4000  }
0x3e: {  	[sflag:s13] =	ssyncset.done $0x0  }
0x3f: {  	[sflag:s13] =	ssyncadd.s32 $0xFFFFC000  }
0x40: {  	[tilespmem:s16], [sflag:$0x1] =	stream.indirect.gather [hbm4b:s4+s15], $0x80, s24, s15, $0xb8;
	[tilespmem:$0x1C400] =	vst v63  }
0x41: {  	_ =	swait.ge [sflag:s20], $0x4000  }
0x42: {  	[sflag:s20] =	ssyncset.done $0x0  }
0x43: {  	[sflag:s20] =	ssyncadd.s32 $0xFFFFC000  }
0x44: {  	[spmem:s1] =	stream.indirect.scatter.add.f32 [tilespmem:s17], [sflag:$0x3], $0x80, s25, s15, $0xb8;
	[tilespmem:$0x1C400] =	vst v63  }
0x45: {  	_ =	swait.ge [sflag:s13], $0x4000  }
0x46: {  	[sflag:s13] =	ssyncset.done $0x0  }
0x47: {  	[sflag:s13] =	ssyncadd.s32 $0xFFFFC000  }
0x48: {  	[tilespmem:s17], [sflag:$0x2] =	stream.indirect.gather [hbm4b:s4+s15], $0x80, s26, s15, $0xb8;
	[tilespmem:$0x1C400] =	vst v63  }
0x49: {  	_ =	swait.ge [sflag:s18], $0x4000  }
0x4a: {  	[sflag:s18] =	ssyncset.done $0x0  }
0x4b: {  	[sflag:s18] =	ssyncadd.s32 $0xFFFFC000  }
0x4c: {  	[spmem:s1] =	stream.indirect.scatter.add.f32 [tilespmem:s16], [sflag:$0x3], $0x80, s28, s15, $0xb8;
	[tilespmem:$0x1C400] =	vst v63  }
0x4d: {  	_ =	swait.ge [sflag:s13], $0x4000  }
0x4e: {  	[sflag:s13] =	ssyncset.done $0x0  }
0x4f: {  	[sflag:s13] =	ssyncadd.s32 $0xFFFFC000  }
0x50: {  	[tilespmem:s16], [sflag:$0x1] =	stream.indirect.gather [hbm4b:s4+s15], $0x80, s29, s15, $0xb8;
	[tilespmem:$0x1C400] =	vst v63  }
0x51: {  	_ =	swait.ge [sflag:s20], $0x4000  }
0x52: {  	[sflag:s20] =	ssyncset.done $0x0  }
0x53: {  	[sflag:s20] =	ssyncadd.s32 $0xFFFFC000  }
0x54: {  	[spmem:s1] =	stream.indirect.scatter.add.f32 [tilespmem:s17], [sflag:$0x3], $0x80, s30, s15, $0xb8;
	[tilespmem:$0x1C400] =	vst v63  }
0x55: {  	_ =	swait.ge [sflag:s13], $0x4000  }
0x56: {  	[sflag:s13] =	ssyncset.done $0x0  }
0x57: {  	[sflag:s13] =	ssyncadd.s32 $0xFFFFC000  }
0x58: {  	[tilespmem:s17], [sflag:$0x2] =	stream.indirect.gather [hbm4b:s4+s15], $0x80, s31, s15, $0xb8;
	[tilespmem:$0x1C400] =	vst v63  }
0x59: {  	_ =	swait.ge [sflag:s18], $0x4000  }
0x5a: {  	[sflag:s18] =	ssyncset.done $0x0  }
0x5b: {  	[sflag:s18] =	ssyncadd.s32 $0xFFFFC000  }
0x5c: {  	[spmem:s1] =	stream.indirect.scatter.add.f32 [tilespmem:s16], [sflag:$0x3], $0x80, s0, s15, $0xb8;
	[tilespmem:$0x1C400] =	vst v63  }
0x5d: {  	_ =	swait.ge [sflag:s13], $0x4000  }
0x5e: {  	[sflag:s13] =	ssyncset.done $0x0  }
0x5f: {  	[sflag:s13] =	ssyncadd.s32 $0xFFFFC000  }
0x60: {  	_ =	swait.ge [sflag:s20], $0x4000  }
0x61: {  	s5 =	smov.u32 s11;
	s11 =	rddreg [dreg:$0x5]  }
0x62: {  	p0 =	sne.s32 s11, $0x1  }
.Ltmp0:
0x63: {  	[sflag:s20] =	ssyncset.done $0x0;
	(pc) =	sbr.rel @!p0 .LBB2_3-.Ltmp0, $4  }
0x64: {  	[sflag:s20] =	ssyncadd.s32 $0xFFFFC000  }
0x65: {  	[spmem:s1] =	stream.indirect.scatter.add.f32 [tilespmem:s17], [sflag:$0x3], $0x80, s2, s15, $0xb8;
	[tilespmem:$0x1C400] =	vst v63  }
0x66: {  	s10 =	smov.u32 s9;
	_ =	swait.ge [sflag:s13], $0x4000  }
0x67: {  	s8 =	sadd.s32 $0xFFFFFFFF, s11;
	s11 =	smov.u32 s7;
	[sflag:s13] =	ssyncset.done $0x0  }
.LBB2_2:
0x68: {  	[sflag:s13] =	ssyncadd.s32 $0xFFFFC000;
	s10 =	sadd.s32 $0x80, s10;
	s11 =	sadd.s32 $0x80, s11  }
0x69: {  	[tilespmem:s3], [sflag:$0x3] =	stream.linear.gather [hbm4b:s11+s3], $0x400, $0x38;
	[tilespmem:$0x1C400] =	vst v63  }
0x6a: {  	p0 =	sne.s32 s8, $0x1;
	s8 =	sadd.s32 $0xFFFFFFFF, s8;
	_ =	swait.ge [sflag:s13], $0x400  }
0x6b: {  	[sflag:s13] =	ssyncset.done $0x0  }
0x6c: {  	[sflag:s13] =	ssyncadd.s32 $0xFFFFFC00  }
0x6d: {  	[tilespmem:s14], [sflag:$0x3] =	stream.linear.gather [hbm4b:s10+s3], $0x400, $0x38;
	[tilespmem:$0x1C400] =	vst v63  }
0x6e: {  	_ =	swait.ge [sflag:s13], $0x400  }
0x6f: {  	[sflag:s13] =	ssyncset.done $0x0  }
0x70: {  	[sflag:s13] =	ssyncadd.s32 $0xFFFFFC00  }
0x71: {  	[tilespmem:s16], [sflag:$0x1] =	stream.indirect.gather [hbm4b:s4+s15], $0x80, s3, s15, $0xb8;
	[tilespmem:$0x1C400] =	vst v63  }
0x72: {  	_ = 	snop  }
0x73: {  	[tilespmem:s17], [sflag:$0x2] =	stream.indirect.gather [hbm4b:s4+s15], $0x80, s15, s15, $0xb8;
	[tilespmem:$0x1C400] =	vst v63  }
0x74: {  	_ =	swait.ge [sflag:s18], $0x4000  }
0x75: {  	[sflag:s18] =	ssyncset.done $0x0  }
0x76: {  	[sflag:s18] =	ssyncadd.s32 $0xFFFFC000  }
0x77: {  	[spmem:s1] =	stream.indirect.scatter.add.f32 [tilespmem:s16], [sflag:$0x3], $0x80, s14, s15, $0xb8;
	[tilespmem:$0x1C400] =	vst v63  }
0x78: {  	_ =	swait.ge [sflag:s13], $0x4000  }
0x79: {  	[sflag:s13] =	ssyncset.done $0x0  }
0x7a: {  	[sflag:s13] =	ssyncadd.s32 $0xFFFFC000  }
0x7b: {  	[tilespmem:s16], [sflag:$0x1] =	stream.indirect.gather [hbm4b:s4+s15], $0x80, s19, s15, $0xb8;
	[tilespmem:$0x1C400] =	vst v63  }
0x7c: {  	_ =	swait.ge [sflag:s20], $0x4000  }
0x7d: {  	[sflag:s20] =	ssyncset.done $0x0  }
0x7e: {  	[sflag:s20] =	ssyncadd.s32 $0xFFFFC000  }
0x7f: {  	[spmem:s1] =	stream.indirect.scatter.add.f32 [tilespmem:s17], [sflag:$0x3], $0x80, s21, s15, $0xb8;
	[tilespmem:$0x1C400] =	vst v63  }
0x80: {  	_ =	swait.ge [sflag:s13], $0x4000  }
0x81: {  	[sflag:s13] =	ssyncset.done $0x0  }
0x82: {  	[sflag:s13] =	ssyncadd.s32 $0xFFFFC000  }
0x83: {  	[tilespmem:s17], [sflag:$0x2] =	stream.indirect.gather [hbm4b:s4+s15], $0x80, s22, s15, $0xb8;
	[tilespmem:$0x1C400] =	vst v63  }
0x84: {  	_ =	swait.ge [sflag:s18], $0x4000  }
0x85: {  	[sflag:s18] =	ssyncset.done $0x0  }
0x86: {  	[sflag:s18] =	ssyncadd.s32 $0xFFFFC000  }
0x87: {  	[spmem:s1] =	stream.indirect.scatter.add.f32 [tilespmem:s16], [sflag:$0x3], $0x80, s23, s15, $0xb8;
	[tilespmem:$0x1C400] =	vst v63  }
0x88: {  	_ =	swait.ge [sflag:s13], $0x4000  }
0x89: {  	[sflag:s13] =	ssyncset.done $0x0  }
0x8a: {  	[sflag:s13] =	ssyncadd.s32 $0xFFFFC000  }
0x8b: {  	[tilespmem:s16], [sflag:$0x1] =	stream.indirect.gather [hbm4b:s4+s15], $0x80, s24, s15, $0xb8;
	[tilespmem:$0x1C400] =	vst v63  }
0x8c: {  	_ =	swait.ge [sflag:s20], $0x4000  }
0x8d: {  	[sflag:s20] =	ssyncset.done $0x0  }
0x8e: {  	[sflag:s20] =	ssyncadd.s32 $0xFFFFC000  }
0x8f: {  	[spmem:s1] =	stream.indirect.scatter.add.f32 [tilespmem:s17], [sflag:$0x3], $0x80, s25, s15, $0xb8;
	[tilespmem:$0x1C400] =	vst v63  }
0x90: {  	_ =	swait.ge [sflag:s13], $0x4000  }
0x91: {  	[sflag:s13] =	ssyncset.done $0x0  }
0x92: {  	[sflag:s13] =	ssyncadd.s32 $0xFFFFC000  }
0x93: {  	[tilespmem:s17], [sflag:$0x2] =	stream.indirect.gather [hbm4b:s4+s15], $0x80, s26, s15, $0xb8;
	[tilespmem:$0x1C400] =	vst v63  }
0x94: {  	_ =	swait.ge [sflag:s18], $0x4000  }
0x95: {  	[sflag:s18] =	ssyncset.done $0x0  }
0x96: {  	[sflag:s18] =	ssyncadd.s32 $0xFFFFC000  }
0x97: {  	[spmem:s1] =	stream.indirect.scatter.add.f32 [tilespmem:s16], [sflag:$0x3], $0x80, s28, s15, $0xb8;
	[tilespmem:$0x1C400] =	vst v63  }
0x98: {  	_ =	swait.ge [sflag:s13], $0x4000  }
0x99: {  	[sflag:s13] =	ssyncset.done $0x0  }
0x9a: {  	[sflag:s13] =	ssyncadd.s32 $0xFFFFC000  }
0x9b: {  	[tilespmem:s16], [sflag:$0x1] =	stream.indirect.gather [hbm4b:s4+s15], $0x80, s29, s15, $0xb8;
	[tilespmem:$0x1C400] =	vst v63  }
0x9c: {  	_ =	swait.ge [sflag:s20], $0x4000  }
0x9d: {  	[sflag:s20] =	ssyncset.done $0x0  }
0x9e: {  	[sflag:s20] =	ssyncadd.s32 $0xFFFFC000  }
0x9f: {  	[spmem:s1] =	stream.indirect.scatter.add.f32 [tilespmem:s17], [sflag:$0x3], $0x80, s30, s15, $0xb8;
	[tilespmem:$0x1C400] =	vst v63  }
0xa0: {  	_ =	swait.ge [sflag:s13], $0x4000  }
0xa1: {  	[sflag:s13] =	ssyncset.done $0x0  }
0xa2: {  	[sflag:s13] =	ssyncadd.s32 $0xFFFFC000  }
0xa3: {  	[tilespmem:s17], [sflag:$0x2] =	stream.indirect.gather [hbm4b:s4+s15], $0x80, s31, s15, $0xb8;
	[tilespmem:$0x1C400] =	vst v63  }
0xa4: {  	_ =	swait.ge [sflag:s18], $0x4000  }
0xa5: {  	[sflag:s18] =	ssyncset.done $0x0  }
0xa6: {  	[sflag:s18] =	ssyncadd.s32 $0xFFFFC000  }
0xa7: {  	[spmem:s1] =	stream.indirect.scatter.add.f32 [tilespmem:s16], [sflag:$0x3], $0x80, s0, s15, $0xb8;
	[tilespmem:$0x1C400] =	vst v63  }
0xa8: {  	_ =	swait.ge [sflag:s13], $0x4000  }
0xa9: {  	[sflag:s13] =	ssyncset.done $0x0  }
0xaa: {  	[sflag:s13] =	ssyncadd.s32 $0xFFFFC000  }
0xab: {  	_ =	swait.ge [sflag:s20], $0x4000  }
.Ltmp1:
0xac: {  	[sflag:s20] =	ssyncset.done $0x0;
	(pc) =	sbr.rel @p0 .LBB2_2-.Ltmp1, $4  }
0xad: {  	[sflag:s20] =	ssyncadd.s32 $0xFFFFC000  }
0xae: {  	[spmem:s1] =	stream.indirect.scatter.add.f32 [tilespmem:s17], [sflag:$0x3], $0x80, s2, s15, $0xb8;
	[tilespmem:$0x1C400] =	vst v63  }
0xaf: {  	_ =	swait.ge [sflag:s13], $0x4000  }
0xb0: {  	[sflag:s13] =	ssyncset.done $0x0  }
.LBB2_3:
0xb1: {  	[sflag:s13] =	ssyncadd.s32 $0xFFFFC000  }
0xb2: {  	[bflag:$0x0] =	sbarrier.arrive $0xFFFF  }
0xb3: {  	s11 =	smov.u32 s5;
	s8 =	rddreg [dreg:$0x6]  }
0xb4: {  	[hbm:s8], [sflag:s11] =	dma.local [spmem:s12], $0x2780  }
0xb5: {  	_ =	swait.ge [sflag:s13], $0x2780  }
0xb6: {  	s6 =	sadd.s32 $0x1, s6;
	s10 =	rddreg [dreg:$0x7]  }
0xb7: {  	p0 =	sne.s32 s6, s10  }
.Ltmp2:
0xb8: {  	_ = 	snop;
	(pc) =	sbr.rel @p0 .LBB2_1-.Ltmp2, $3  }
0xb9: {  	_ =	sdelay $0x1  }
0xba: {  	[sflag:s13] =	ssyncset.done $0x0  }
0xbb: {  	[sflag:s13] =	ssyncadd.s32 $0xFFFFD880  }
0xbc: {  	_ =	sfence.sel $0x180000  }
0xbd: {  	[bflag:$0x0] =	sbarrier.arrive $0xFFFF  }
0xbe: {  	_ =	strace $0x9000004D  }
0xbf: {  	s0 =	stileid.u32;
	[bflag:$0x2] =	sbarrier.arrive $0xFFFF  }
0xc0: {  	p0 =	sne.s32 s0, $0x0;
	s0 =	rddreg [dreg:$0x3]  }
0xc1: {  	s0 =	sadd.s32 @!p0 $0x100000, s0  }
0xc2: {  	[sflag:s0] =	ssyncadd.tile.s32 @!p0 $0x1;
	_ =	shalt  }
.Lfunc_end2:
_tile_overlayer_lowered:
.L_overlay_start_2:
0xc3: {  	(tag) =	ssettag $0x2  }
0xc4: {  	s0 =	rddreg [dreg:$0x0];
	s2 =	stileid.u32  }
0xc5: {  	s1 =	rddreg [dreg:$0x1];
	p0 =	sne.s32 s2, $0x0  }
0xc6: {  	s3 =	rddreg [dreg:$0x2];
	[bflag:$0x3] =	sbarrier.arrive $0xFFFF;
	s2 =	simm.s32 @!p0 $0x1C03  }
0xc7: {  	[timem:s3], [sflag:s2] =	dma.local @!p0 [hbm:s0], s1  }
0xc8: {  	s0 =	simm.s32 @!p0 $0x3  }
0xc9: {  	_ =	swait.ge @!p0 [sflag:s0], s1  }
0xca: {  	s1 =	ssub.s32 @!p0 $0x0, s1;
	[sflag:s0] =	ssyncset.done @!p0 $0x0  }
0xcb: {  	[sflag:s0] =	ssyncadd.s32 @!p0 s1  }
0xcc: {  	[bflag:$0x3] =	sbarrier.arrive $0xFFFF  }
0xcd: {  	_ =	shalt  }

// kernel: kernel.8.cloned.1.call-start
scs
__scs_entry_jumppad:
0x0: {  	(pc) =	sbr.rel $0x88, $3  }
0x1: {  	(tag) =	ssettag $0x0;
	lr =	simm.s32 $0x1  }
0x2: {  	[smem:$0x3F97] =	sst lr;
	_ =	strace $0xD0000000  }
0x3: {  	_ = 	snop  }
0x4: {  	_ = 	snop  }
0x5: {  	_ = 	snop  }
0x6: {  	_ = 	snop  }
0x7: {  	_ = 	snop  }
__scs_overlays_trampoline_lowered:
0x8: {  	[smem:$0x3FA6] =	sst s0  }
0x9: {  	[smem:$0x3FA7] =	sst s1  }
0xa: {  	[smem:$0x3FA8] =	sst s2  }
0xb: {  	[smem:$0x3FA9] =	sst s3  }
0xc: {  	[smem:$0x3FAA] =	sst s4  }
0xd: {  	[smem:$0x3FAB] =	sst s5  }
0xe: {  	[smem:$0x3FAC] =	sst s6  }
0xf: {  	[smem:$0x3FAD] =	sst s7  }
0x10: {  	[smem:$0x3FAE] =	sst s8  }
0x11: {  	[smem:$0x3FAF] =	sst s9;
	s0 =	simm.s32 @!p0 $0x0  }
0x12: {  	s1 =	sld [smem:$0x3F95];
	s0 =	simm.s32 @p0 $0x1  }
0x13: {  	[smem:$0x3FB0] =	sst s0;
	s0 =	simm.s32 @!p1 $0x0  }
0x14: {  	s2 =	sld [smem:$0x3F94];
	s0 =	simm.s32 @p1 $0x1  }
0x15: {  	[smem:$0x3FB1] =	sst s0;
	s0 =	simm.s32 @!p2 $0x0  }
0x16: {  	s3 =	sld [smem:$0x3FDB];
	s0 =	simm.s32 @p2 $0x1  }
0x17: {  	s4 =	simm.s32 $0x1BF5;
	[smem:$0x3FB3] =	sst s0  }
0x18: {  	s0 =	sld [smem:$0x3F96];
	_ =	swait.ge [sflag:s4], $0x0  }
0x19: {  	s7 =	sld [smem:$0x3F97]  }
0x1a: {  	s8 =	sadd.s32 $0xFFFFE003, lr  }
0x1b: {  	s9 =	sadd.s32 $0xFFFFFEF7, lr;
	s5 =	simm.s32 $0xFFFFFFFF;
	p2 =	slt.u32 s8, $0xFFFFF086  }
0x1c: {  	p1 =	slt.u32 s9, $0xF7A;
	s5 =	simm.s32 @!p2 $0x0  }
0x1d: {  	s5 =	simm.s32 @p1 $0x1;
	p0 =	seq.s32 s7, s2  }
0x1e: {  	s7 =	smul.u32 @!p0 $0xF7A, s2;
	p2 =	seq.s32 @!p0 s5, $0x0  }
0x1f: {  	s9 =	smul.u32 $0xF7A, s1;
	s8 =	simm.s32 @!p0 $0x1BF5;
	p2 =	por !p2, p0  }
0x20: {  	[sflag:s8] =	ssyncset.s32 @!p0 $0xFFFFF086;
	s6 =	sadd.s32 @!p0 s3, s7;
	s7 =	simm.s32 @!p0 $0x108  }
0x21: {  	s3 =	sadd.s32 s3, s9;
	s6 =	sadd.s32 @!p0 $0x88, s6;
	s7 =	simm.s32 @p2 $0x1082  }
0x22: {  	[simem:s7], [sflag:s8] =	dma.local @!p0 [hbm:s6], $0xF7A  }
0x23: {  	s9 =	sor.u32 $0xD0000000, s2;
	s6 =	simm.s32 $0x108;
	_ =	swait.ge @!p0 [sflag:s8], $0x0  }
0x24: {  	s3 =	sadd.s32 $0x88, s3;
	s6 =	simm.s32 @!p1 $0x1082;
	[sflag:s4] =	ssyncset.s32 $0xFFFFF086  }
0x25: {  	[simem:s6], [sflag:s4] =	dma.local [hbm:s3], $0xF7A  }
0x26: {  	[smem:$0x3F97] =	sst s1;
	(tag) =	ssettag s2;
	_ =	strace s9  }
0x27: {  	s1 =	sld [smem:$0x3FA7]  }
0x28: {  	s2 =	sld [smem:$0x3FA8]  }
0x29: {  	s4 =	sld [smem:$0x3FAA]  }
0x2a: {  	p0 =	seq.s32 s5, $0x0;
	s5 =	sld [smem:$0x3FAB]  }
0x2b: {  	s6 =	sld [smem:$0x3FAC]  }
0x2c: {  	s7 =	sld [smem:$0x3FAD]  }
0x2d: {  	s3 =	simm.s32 $0x108;
	s8 =	sld [smem:$0x3FAE]  }
0x2e: {  	s3 =	simm.s32 @!p0 $0x1082;
	s9 =	sld [smem:$0x3FAF]  }
0x2f: {  	lr =	sadd.s32 s0, s3;
	s0 =	sld [smem:$0x3FA6]  }
0x30: {  	s3 =	sld [smem:$0x3FA9]  }
0x31: {  	[smem:$0x3FB2] =	sst s10  }
0x32: {  	s10 =	sld [smem:$0x3FB0];
	_ =	sdelay $0x3  }
0x33: {  	p0 =	seq.s32 s10, $0x1;
	s10 =	sld [smem:$0x3FB2];
	_ =	sdelay $0x3  }
0x34: {  	[smem:$0x3FB2] =	sst s10  }
0x35: {  	s10 =	sld [smem:$0x3FB1];
	_ =	sdelay $0x3  }
0x36: {  	p1 =	seq.s32 s10, $0x1;
	s10 =	sld [smem:$0x3FB2];
	_ =	sdelay $0x3  }
0x37: {  	[smem:$0x3FB2] =	sst s10  }
0x38: {  	s10 =	sld [smem:$0x3FB3]  }
0x39: {  	_ = 	snop;
	(pc) =	sbr.ind lr, $3  }
0x3a: {  	_ = 	snop  }
0x3b: {  	_ = 	snop  }
0x3c: {  	p2 =	seq.s32 s10, $0x1;
	s10 =	sld [smem:$0x3FB2]  }
0x3d: {  	_ =	shalt  }
0x3e: {  	_ =	shalt  }
0x3f: {  	_ =	shalt  }
0x40: {  	_ =	shalt  }
0x41: {  	_ =	shalt  }
0x42: {  	_ =	shalt  }
0x43: {  	_ =	shalt  }
0x44: {  	_ =	shalt  }
0x45: {  	_ =	shalt  }
0x46: {  	_ =	shalt  }
0x47: {  	_ =	shalt  }
0x48: {  	_ =	shalt  }
0x49: {  	_ =	shalt  }
0x4a: {  	_ =	shalt  }
0x4b: {  	_ =	shalt  }
0x4c: {  	_ =	shalt  }
0x4d: {  	_ =	shalt  }
0x4e: {  	_ =	shalt  }
0x4f: {  	_ =	shalt  }
0x50: {  	_ =	shalt  }
0x51: {  	_ =	shalt  }
0x52: {  	_ =	shalt  }
0x53: {  	_ =	shalt  }
0x54: {  	_ =	shalt  }
0x55: {  	_ =	shalt  }
0x56: {  	_ =	shalt  }
0x57: {  	_ =	shalt  }
0x58: {  	_ =	shalt  }
0x59: {  	_ =	shalt  }
0x5a: {  	_ =	shalt  }
0x5b: {  	_ =	shalt  }
0x5c: {  	_ =	shalt  }
0x5d: {  	_ =	shalt  }
0x5e: {  	_ =	shalt  }
0x5f: {  	_ =	shalt  }
0x60: {  	_ =	shalt  }
0x61: {  	_ =	shalt  }
0x62: {  	_ =	shalt  }
0x63: {  	_ =	shalt  }
0x64: {  	_ =	shalt  }
0x65: {  	_ =	shalt  }
0x66: {  	_ =	shalt  }
0x67: {  	_ =	shalt  }
0x68: {  	_ =	shalt  }
0x69: {  	_ =	shalt  }
0x6a: {  	_ =	shalt  }
0x6b: {  	_ =	shalt  }
0x6c: {  	_ =	shalt  }
0x6d: {  	_ =	shalt  }
0x6e: {  	_ =	shalt  }
0x6f: {  	_ =	shalt  }
0x70: {  	_ =	shalt  }
0x71: {  	_ =	shalt  }
0x72: {  	_ =	shalt  }
0x73: {  	_ =	shalt  }
0x74: {  	_ =	shalt  }
0x75: {  	_ =	shalt  }
0x76: {  	_ =	shalt  }
0x77: {  	_ =	shalt  }
0x78: {  	_ =	shalt  }
0x79: {  	_ =	shalt  }
0x7a: {  	_ =	shalt  }
0x7b: {  	_ =	shalt  }
0x7c: {  	_ =	shalt  }
0x7d: {  	_ =	shalt  }
0x7e: {  	_ =	shalt  }
0x7f: {  	_ =	shalt  }
0x80: {  	_ =	shalt  }
0x81: {  	_ =	shalt  }
0x82: {  	_ =	shalt  }
0x83: {  	_ =	shalt  }
0x84: {  	_ =	shalt  }
0x85: {  	_ =	shalt  }
0x86: {  	_ =	shalt  }
0x87: {  	_ =	shalt  }
.Lfunc_end0:
.L_simem_size_0:
called_computation_lowered:
.L_overlay_start_0:
0x88: {  	s2 =	sld [smem:$0x3FD9]  }
0x89: {  	s3 =	sld [smem:$0x3FFE];
	_ =	sdelay $0x1  }
0x8a: {  	s1 =	srdreg.scid  }
0x8b: {  	s0 =	sand.u32 $0x1, s1  }
0x8c: {  	s16 =	sshll.u32 s0, $0xA;
	s2 =	sadd.s32 s3, s2  }
0x8d: {  	s2 =	sadd.s32 s2, s16  }
0x8e: {  	[smem:$0x3FBE] =	sst s2  }
0x8f: {  	_ = 	snop  }
0x90: {  	(tm) =	ssettm $0x1  }
0x91: {  	s17 =	sld [smem:$0x3FFB];
	_ =	sdelay $0x3  }
0x92: {  	_ =	strace s17  }
0x93: {  	s2 =	sld [smem:$0x3FFC];
	_ =	sdelay $0x3  }
0x94: {  	_ =	strace s2  }
0x95: {  	s2 =	sld [smem:$0x3FFD];
	_ =	sdelay $0x3  }
0x96: {  	_ =	strace s2  }
0x97: {  	_ =	strace $0x8FFFFFFF  }
0x98: {  	s18 =	sld [smem:$0x3FDB];
	_ =	sdelay $0x1  }
0x99: {  	s19 =	simm.s32 $_scs_section_size  }
0x9a: {  	s4 =	simm.s32 $_size__tile_overlayer_lowered;
	s5 =	simm.s32 $_tile_overlayer_lowered  }
0x9b: {  	s22 =	simm.s32 $0x1BFF;
	s21 =	sshll.u32 s5, $0x1;
	s2 =	sadd.s32 s19, s18  }
0x9c: {  	s6 =	simm.s32 $0x0;
	s20 =	sshll.u32 s4, $0x1;
	s4 =	sadd.s32 s21, s2  }
0x9d: {  	[timem:s6], [sflag:s22] =	dma.local [hbm:s4], s20  }
0x9e: {  	_ =	swait.ge [sflag:s22], s20  }
0x9f: {  	s3 =	ssub.s32 $0x0, s20;
	[sflag:s22] =	ssyncset.done $0x0  }
0xa0: {  	[sflag:s22] =	ssyncadd.s32 s3;
	_ =	sdelay $0x1  }
0xa1: {  	s23 =	simm.s32 $0x1B8B  }
0xa2: {  	_ =	swait.ge [sflag:s23], $0x1  }
0xa3: {  	[sflag:s23] =	ssyncset.done $0x0  }
0xa4: {  	s25 =	simm.s32 $0x1B8E;
	s24 =	sld [smem:$0x3FFE];
	[sflag:s23] =	ssyncadd.s32 $0xFFFFFFFF  }
0xa5: {  	s26 =	simm.s32 $execute0_lowered;
	[smem:$0x3FD2] =	sst s25  }
0xa6: {  	s4 =	sshll.u32 s26, $0x1;
	_ =	strace $0x80000046;
	[dreg:$0x1] =	wrdreg $0xFFFFFFFF  }
0xa7: {  	s28 =	simm.s32 $_size_execute0_lowered;
	s2 =	sadd.s32 s2, s4;
	[dreg:$0x0] =	wrdreg $0x0  }
0xa8: {  	s4 =	sshll.u32 s28, $0x1;
	[dreg:$0x2] =	wrdreg s2  }
0xa9: {  	[dreg:$0x3] =	wrdreg s4  }
0xaa: {  	[dreg:$0x4] =	wrdreg $0xC0  }
0xab: {  	_ =	task [dreg:s6], $0x5FFFF  }
0xac: {  	[dreg:$0x1] =	wrdreg $0xFFFFFFFF  }
0xad: {  	[dreg:$0x0] =	wrdreg $0x60  }
0xae: {  	[dreg:$0x2] =	wrdreg s24  }
0xaf: {  	[dreg:$0x3] =	wrdreg $0x44000  }
0xb0: {  	[dreg:$0x4] =	wrdreg $0x9  }
0xb1: {  	_ =	task.clear_ibuf [dreg:s6], $0x5FFFF;
	_ =	strace $0x90000046  }
0xb2: {  	s29 =	simm.s32 $0x9;
	_ =	strace $0x80000048  }
0xb3: {  	_ =	swait.ge [sflag:s29], $0x1  }
0xb4: {  	[sflag:s29] =	ssyncadd.s32 $0xFFFFFFFF  }
0xb5: {  	_ =	strace $0x90000048  }
0xb6: {  	_ =	sfence  }
0xb7: {  	s30 =	sld [smem:$0x0];
	_ =	sdelay $0x2  }
0xb8: {  	s31 =	sshll.u32 s1, $0xD;
	s1 =	sshrl.u32 s1, $0x2  }
0xb9: {  	s3 =	sand.u32 $0x4000, s31;
	s1 =	sadd.s32 s1, s30  }
0xba: {  	s0 =	sor.u32 s3, s0;
	s1 =	sshll.u32 s1, $0x11  }
0xbb: {  	s0 =	sor.u32 s1, s0  }
0xbc: {  	s0 =	sadd.s32 $0x8F2B, s0  }
0xbd: {  	[sflag:s0] =	ssyncadd.remote.s32 $0x1  }
0xbe: {  	_ =	sfence.sel $0xFFFF  }
0xbf: {  	[dreg:$0x0] =	wrdreg $0xFFFFFFFF;
	(pc) =	sbr.abs _section_cstart, $3  }
0xc0: {  	[dreg:$0x1] =	wrdreg $0xFFFFFFFF  }
0xc1: {  	_ =	task.clear_ibuf [dreg:s6], $0x2FFFF;
	_ =	strace $0x9FFFFFFF  }
0xc2: {  	(tm) =	ssettm $0x7FFFFFFF  }
0xc3: {  	_ =	shalt  }
tec
execute0_lowered:
.L_overlay_start_1:
0x0: {  	(tag) =	ssettag $0x1  }
0x1: {  	s5 =	rddreg [dreg:$0x0]  }
0x2: {  	s0 =	stileid.u32;
	s1 =	srdreg.scid  }
0x3: {  	s2 =	rddreg [dreg:$0x1];
	s3 =	simm.s32 $0x0;
	s13 =	simm.s32 $0x80  }
0x4: {  	s14 =	simm.s32 $0x1;
	s15 =	simm.s32 $0x100;
	s16 =	simm.s32 $0x2  }
0x5: {  	s17 =	simm.s32 $0x180;
	s18 =	simm.s32 $0x200;
	s19 =	simm.s32 $0x280  }
0x6: {  	s20 =	simm.s32 $0x300;
	s21 =	simm.s32 $0x380;
	s4 =	smul.u32 $0x50, s0  }
0x7: {  	s6 =	sand.u32 $0x1, s1;
	s1 =	rddreg [dreg:$0x2];
	s8 =	smul.u32 $0x13C00, s0  }
0x8: {  	s22 =	simm.s32 $0x0;
	[smem:$0x7FF] =	sst s3;
	s29 =	smul.u32 $0x4F000, s0  }
0x9: {  	s31 =	sshll.u32 s0, $0x6;
	p0 =	seq.s32 s6, $0x0;
	s28 =	smul.u32 $0x13C000, s6  }
0xa: {  	_ =	strace $0x80000047;
	s6 =	ssub.s32 $0x2, s6;
	s7 =	sadd.s32 $0x500, s4  }
0xb: {  	s10 =	sshrl.u32 s8, $0x3;
	s30 =	sshrl.u32 s6, $0x1;
	s7 =	smov.u32 @p0 s4  }
0xc: {  	s10 =	sadd.s32 s10, s5;
	s11 =	ssub.s32 s6, s30;
	s4 =	sshll.u32 s7, $0x4  }
0xd: {  	s7 =	sadd.s32 s8, s28;
	s8 =	sshrl.u32 s29, $0x2;
	s9 =	sadd.s32 s4, s5  }
0xe: {  	s4 =	sadd.s32 $0xCE00, s5;
	s7 =	sshrl.u32 s7, $0x3;
	s12 =	sadd.s32 s8, s2  }
0xf: {  	s7 =	sadd.s32 s7, s5;
	s5 =	sadd.s32 $0xD600, s10;
	s8 =	sadd.s32 $0x2E00, s9  }
0x10: {  	s9 =	simm.s32 $0x400;
	s10 =	simm.s32 $0x3;
	s12 =	sshrl.u32 s12, $0x3  }
0x11: {  	s6 =	sadd.s32 $0x34E00, s7;
	s7 =	smax.u32 s11, $0x1;
	s11 =	sor.u32 $0x1C03, s31  }
.LBB2_1:
0x12: {  	[tilespmem:s9], [sflag:$0x3] =	stream.linear.gather [hbm4b:s4+s3], $0x4000, $0x38;
	[tilespmem:$0x18000] =	vst v63  }
0x13: {  	_ =	swait.ge [sflag:s10], $0x4000  }
0x14: {  	[sflag:s10] =	ssyncset.done $0x0  }
0x15: {  	[sflag:s10] =	ssyncadd.s32 $0xFFFFC000  }
0x16: {  	[spmem:s12], [sflag:s11] =	dma.local [hbm:s5], $0x2780  }
0x17: {  	_ =	swait.ge [sflag:s10], $0x2780  }
0x18: {  	[sflag:s10] =	ssyncset.done $0x0  }
0x19: {  	[sflag:s10] =	ssyncadd.s32 $0xFFFFD880  }
0x1a: {  	s23 =	sadd.s32 $0x0, s8;
	[bflag:$0x0] =	sbarrier.arrive $0xFFFF  }
0x1b: {  	[tilespmem:s3], [sflag:$0x3] =	stream.linear.gather [hbm4b:s23+s3], $0x400, $0x38;
	[tilespmem:$0x18000] =	vst v63  }
0x1c: {  	_ =	swait.ge [sflag:s10], $0x400  }
0x1d: {  	[sflag:s10] =	ssyncset.done $0x0  }
0x1e: {  	[sflag:s10] =	ssyncadd.s32 $0xFFFFFC00  }
0x1f: {  	[spmem:s2] =	stream.indirect.scatter.add.f32 [tilespmem:s9], [sflag:$0x1], $0x80, s3, s13, $0xb8;
	[tilespmem:$0x18000] =	vst v63  }
0x20: {  	_ = 	snop  }
0x21: {  	[spmem:s2] =	stream.indirect.scatter.add.f32 [tilespmem:s9], [sflag:$0x2], $0x80, s13, s13, $0xb8;
	[tilespmem:$0x18000] =	vst v63  }
0x22: {  	_ =	swait.ge [sflag:s14], $0x4000  }
0x23: {  	[sflag:s14] =	ssyncset.done $0x0  }
0x24: {  	[sflag:s14] =	ssyncadd.s32 $0xFFFFC000  }
0x25: {  	[spmem:s2] =	stream.indirect.scatter.add.f32 [tilespmem:s9], [sflag:$0x1], $0x80, s15, s13, $0xb8;
	[tilespmem:$0x18000] =	vst v63  }
0x26: {  	_ =	swait.ge [sflag:s16], $0x4000  }
0x27: {  	[sflag:s16] =	ssyncset.done $0x0  }
0x28: {  	[sflag:s16] =	ssyncadd.s32 $0xFFFFC000  }
0x29: {  	[spmem:s2] =	stream.indirect.scatter.add.f32 [tilespmem:s9], [sflag:$0x2], $0x80, s17, s13, $0xb8;
	[tilespmem:$0x18000] =	vst v63  }
0x2a: {  	_ =	swait.ge [sflag:s14], $0x4000  }
0x2b: {  	[sflag:s14] =	ssyncset.done $0x0  }
0x2c: {  	[sflag:s14] =	ssyncadd.s32 $0xFFFFC000  }
0x2d: {  	[spmem:s2] =	stream.indirect.scatter.add.f32 [tilespmem:s9], [sflag:$0x1], $0x80, s18, s13, $0xb8;
	[tilespmem:$0x18000] =	vst v63  }
0x2e: {  	_ =	swait.ge [sflag:s16], $0x4000  }
0x2f: {  	[sflag:s16] =	ssyncset.done $0x0  }
0x30: {  	[sflag:s16] =	ssyncadd.s32 $0xFFFFC000  }
0x31: {  	[spmem:s2] =	stream.indirect.scatter.add.f32 [tilespmem:s9], [sflag:$0x2], $0x80, s19, s13, $0xb8;
	[tilespmem:$0x18000] =	vst v63  }
0x32: {  	_ =	swait.ge [sflag:s14], $0x4000  }
0x33: {  	[sflag:s14] =	ssyncset.done $0x0  }
0x34: {  	[sflag:s14] =	ssyncadd.s32 $0xFFFFC000  }
0x35: {  	[spmem:s2] =	stream.indirect.scatter.add.f32 [tilespmem:s9], [sflag:$0x1], $0x80, s20, s13, $0xb8;
	[tilespmem:$0x18000] =	vst v63  }
0x36: {  	_ =	swait.ge [sflag:s16], $0x4000  }
0x37: {  	[sflag:s16] =	ssyncset.done $0x0  }
0x38: {  	[sflag:s16] =	ssyncadd.s32 $0xFFFFC000  }
0x39: {  	[spmem:s2] =	stream.indirect.scatter.add.f32 [tilespmem:s9], [sflag:$0x2], $0x80, s21, s13, $0xb8;
	[tilespmem:$0x18000] =	vst v63  }
0x3a: {  	_ =	swait.ge [sflag:s14], $0x4000  }
0x3b: {  	[sflag:s14] =	ssyncset.done $0x0  }
0x3c: {  	[sflag:s14] =	ssyncadd.s32 $0xFFFFC000  }
0x3d: {  	_ =	swait.ge [sflag:s16], $0x4000  }
0x3e: {  	s25 =	simm.s32 $0x100;
	s23 =	simm.s32 $0x80;
	[sflag:s16] =	ssyncset.done $0x0  }
.LBB2_2:
0x3f: {  	s26 =	sadd.s32 s23, s8  }
0x40: {  	[sflag:s16] =	ssyncadd.s32 $0xFFFFC000;
	s23 =	smov.u32 s25;
	s24 =	sadd.s32 $0x80, s25  }
0x41: {  	[tilespmem:s3], [sflag:$0x3] =	stream.linear.gather [hbm4b:s26+s3], $0x400, $0x38;
	[tilespmem:$0x18000] =	vst v63  }
0x42: {  	p0 =	sne.s32 s25, $0x480;
	_ =	swait.ge [sflag:s10], $0x400  }
0x43: {  	[sflag:s10] =	ssyncset.done $0x0  }
0x44: {  	[sflag:s10] =	ssyncadd.s32 $0xFFFFFC00  }
0x45: {  	[spmem:s2] =	stream.indirect.scatter.add.f32 [tilespmem:s9], [sflag:$0x1], $0x80, s3, s13, $0xb8;
	[tilespmem:$0x18000] =	vst v63  }
0x46: {  	_ = 	snop  }
0x47: {  	[spmem:s2] =	stream.indirect.scatter.add.f32 [tilespmem:s9], [sflag:$0x2], $0x80, s13, s13, $0xb8;
	[tilespmem:$0x18000] =	vst v63  }
0x48: {  	_ =	swait.ge [sflag:s14], $0x4000  }
0x49: {  	[sflag:s14] =	ssyncset.done $0x0  }
0x4a: {  	[sflag:s14] =	ssyncadd.s32 $0xFFFFC000  }
0x4b: {  	[spmem:s2] =	stream.indirect.scatter.add.f32 [tilespmem:s9], [sflag:$0x1], $0x80, s15, s13, $0xb8;
	[tilespmem:$0x18000] =	vst v63  }
0x4c: {  	_ =	swait.ge [sflag:s16], $0x4000  }
0x4d: {  	[sflag:s16] =	ssyncset.done $0x0  }
0x4e: {  	[sflag:s16] =	ssyncadd.s32 $0xFFFFC000  }
0x4f: {  	[spmem:s2] =	stream.indirect.scatter.add.f32 [tilespmem:s9], [sflag:$0x2], $0x80, s17, s13, $0xb8;
	[tilespmem:$0x18000] =	vst v63  }
0x50: {  	_ =	swait.ge [sflag:s14], $0x4000  }
0x51: {  	[sflag:s14] =	ssyncset.done $0x0  }
0x52: {  	[sflag:s14] =	ssyncadd.s32 $0xFFFFC000  }
0x53: {  	[spmem:s2] =	stream.indirect.scatter.add.f32 [tilespmem:s9], [sflag:$0x1], $0x80, s18, s13, $0xb8;
	[tilespmem:$0x18000] =	vst v63  }
0x54: {  	_ =	swait.ge [sflag:s16], $0x4000  }
0x55: {  	[sflag:s16] =	ssyncset.done $0x0  }
0x56: {  	[sflag:s16] =	ssyncadd.s32 $0xFFFFC000  }
0x57: {  	[spmem:s2] =	stream.indirect.scatter.add.f32 [tilespmem:s9], [sflag:$0x2], $0x80, s19, s13, $0xb8;
	[tilespmem:$0x18000] =	vst v63  }
0x58: {  	_ =	swait.ge [sflag:s14], $0x4000  }
0x59: {  	[sflag:s14] =	ssyncset.done $0x0  }
0x5a: {  	[sflag:s14] =	ssyncadd.s32 $0xFFFFC000  }
0x5b: {  	[spmem:s2] =	stream.indirect.scatter.add.f32 [tilespmem:s9], [sflag:$0x1], $0x80, s20, s13, $0xb8;
	[tilespmem:$0x18000] =	vst v63  }
0x5c: {  	_ =	swait.ge [sflag:s16], $0x4000  }
0x5d: {  	[sflag:s16] =	ssyncset.done $0x0  }
0x5e: {  	[sflag:s16] =	ssyncadd.s32 $0xFFFFC000  }
0x5f: {  	[spmem:s2] =	stream.indirect.scatter.add.f32 [tilespmem:s9], [sflag:$0x2], $0x80, s21, s13, $0xb8;
	[tilespmem:$0x18000] =	vst v63  }
.Ltmp0:
0x60: {  	_ =	swait.ge [sflag:s14], $0x4000;
	(pc) =	sbr.rel @p0 .LBB2_2-.Ltmp0, $4  }
0x61: {  	[sflag:s14] =	ssyncset.done $0x0  }
0x62: {  	[sflag:s14] =	ssyncadd.s32 $0xFFFFC000  }
0x63: {  	_ =	swait.ge [sflag:s16], $0x4000  }
0x64: {  	s25 =	smov.u32 s24;
	[sflag:s16] =	ssyncset.done $0x0  }
0x65: {  	s23 =	sadd.s32 s23, s8;
	[sflag:s16] =	ssyncadd.s32 $0xFFFFC000  }
0x66: {  	[tilespmem:s3], [sflag:$0x3] =	stream.linear.gather [hbm4b:s23+s3], $0x400, $0x38;
	[tilespmem:$0x18000] =	vst v63  }
0x67: {  	_ =	swait.ge [sflag:s10], $0x400  }
0x68: {  	[sflag:s10] =	ssyncset.done $0x0  }
0x69: {  	[sflag:s10] =	ssyncadd.s32 $0xFFFFFC00  }
0x6a: {  	[spmem:s2] =	stream.indirect.scatter.add.f32 [tilespmem:s9], [sflag:$0x1], $0x80, s3, s13, $0xb8;
	[tilespmem:$0x18000] =	vst v63  }
0x6b: {  	_ = 	snop  }
0x6c: {  	[spmem:s2] =	stream.indirect.scatter.add.f32 [tilespmem:s9], [sflag:$0x2], $0x80, s13, s13, $0xb8;
	[tilespmem:$0x18000] =	vst v63  }
0x6d: {  	_ =	swait.ge [sflag:s14], $0x4000  }
0x6e: {  	[sflag:s14] =	ssyncset.done $0x0  }
0x6f: {  	[sflag:s14] =	ssyncadd.s32 $0xFFFFC000  }
0x70: {  	[spmem:s2] =	stream.indirect.scatter.add.f32 [tilespmem:s9], [sflag:$0x1], $0x80, s15, s13, $0xb8;
	[tilespmem:$0x18000] =	vst v63  }
0x71: {  	_ =	swait.ge [sflag:s16], $0x4000  }
0x72: {  	[sflag:s16] =	ssyncset.done $0x0  }
0x73: {  	[sflag:s16] =	ssyncadd.s32 $0xFFFFC000  }
0x74: {  	[spmem:s2] =	stream.indirect.scatter.add.f32 [tilespmem:s9], [sflag:$0x2], $0x80, s17, s13, $0xb8;
	[tilespmem:$0x18000] =	vst v63  }
0x75: {  	_ =	swait.ge [sflag:s14], $0x4000  }
0x76: {  	[sflag:s14] =	ssyncset.done $0x0  }
0x77: {  	[sflag:s14] =	ssyncadd.s32 $0xFFFFC000  }
0x78: {  	[spmem:s2] =	stream.indirect.scatter.add.f32 [tilespmem:s9], [sflag:$0x1], $0x80, s18, s13, $0xb8;
	[tilespmem:$0x18000] =	vst v63  }
0x79: {  	_ =	swait.ge [sflag:s16], $0x4000  }
0x7a: {  	[sflag:s16] =	ssyncset.done $0x0  }
0x7b: {  	[sflag:s16] =	ssyncadd.s32 $0xFFFFC000  }
0x7c: {  	[spmem:s2] =	stream.indirect.scatter.add.f32 [tilespmem:s9], [sflag:$0x2], $0x80, s19, s13, $0xb8;
	[tilespmem:$0x18000] =	vst v63  }
0x7d: {  	_ =	swait.ge [sflag:s14], $0x4000  }
0x7e: {  	[sflag:s14] =	ssyncset.done $0x0  }
0x7f: {  	[sflag:s14] =	ssyncadd.s32 $0xFFFFC000  }
0x80: {  	[spmem:s2] =	stream.indirect.scatter.add.f32 [tilespmem:s9], [sflag:$0x1], $0x80, s20, s13, $0xb8;
	[tilespmem:$0x18000] =	vst v63  }
0x81: {  	_ =	swait.ge [sflag:s16], $0x4000  }
0x82: {  	[sflag:s16] =	ssyncset.done $0x0  }
0x83: {  	[sflag:s16] =	ssyncadd.s32 $0xFFFFC000  }
0x84: {  	[spmem:s2] =	stream.indirect.scatter.add.f32 [tilespmem:s9], [sflag:$0x2], $0x80, s21, s13, $0xb8;
	[tilespmem:$0x18000] =	vst v63  }
0x85: {  	_ =	swait.ge [sflag:s14], $0x4000  }
0x86: {  	[sflag:s14] =	ssyncset.done $0x0  }
0x87: {  	[sflag:s14] =	ssyncadd.s32 $0xFFFFC000  }
0x88: {  	_ =	swait.ge [sflag:s16], $0x4000  }
0x89: {  	s22 =	sadd.s32 $0x1, s22;
	[sflag:s16] =	ssyncset.done $0x0  }
0x8a: {  	p0 =	sne.s32 s22, s7;
	[sflag:s16] =	ssyncadd.s32 $0xFFFFC000  }
.Ltmp1:
0x8b: {  	[bflag:$0x0] =	sbarrier.arrive $0xFFFF;
	(pc) =	sbr.rel @p0 .LBB2_1-.Ltmp1, $4  }
0x8c: {  	[hbm:s6], [sflag:s11] =	dma.local [spmem:s12], $0x2780  }
0x8d: {  	_ =	swait.ge [sflag:s10], $0x2780  }
0x8e: {  	[sflag:s10] =	ssyncset.done $0x0  }
0x8f: {  	[sflag:s10] =	ssyncadd.s32 $0xFFFFD880  }
0x90: {  	_ =	sfence.sel $0x180000  }
0x91: {  	[bflag:$0x0] =	sbarrier.arrive $0xFFFF  }
0x92: {  	p0 =	sne.s32 s0, $0x0;
	_ =	strace $0x90000047  }
0x93: {  	s0 =	sadd.s32 @!p0 $0x100000, s1;
	[bflag:$0x2] =	sbarrier.arrive $0xFFFF  }
0x94: {  	[sflag:s0] =	ssyncadd.tile.s32 @!p0 $0x1;
	_ =	shalt  }
.Lfunc_end2:
_tile_overlayer_lowered:
.L_overlay_start_2:
0x95: {  	(tag) =	ssettag $0x2  }
0x96: {  	s0 =	rddreg [dreg:$0x0];
	s2 =	stileid.u32  }
0x97: {  	s1 =	rddreg [dreg:$0x1];
	p0 =	sne.s32 s2, $0x0  }
0x98: {  	s3 =	rddreg [dreg:$0x2];
	[bflag:$0x3] =	sbarrier.arrive $0xFFFF;
	s2 =	simm.s32 @!p0 $0x1C03  }
0x99: {  	[timem:s3], [sflag:s2] =	dma.local @!p0 [hbm:s0], s1  }
0x9a: {  	s0 =	simm.s32 @!p0 $0x3  }
0x9b: {  	_ =	swait.ge @!p0 [sflag:s0], s1  }
0x9c: {  	s1 =	ssub.s32 @!p0 $0x0, s1;
	[sflag:s0] =	ssyncset.done @!p0 $0x0  }
0x9d: {  	[sflag:s0] =	ssyncadd.s32 @!p0 s1  }
0x9e: {  	[bflag:$0x3] =	sbarrier.arrive $0xFFFF  }
0x9f: {  	_ =	shalt  }

</sc_bundles>
